<compile_context>
chip_gen: v7x
topology: tpu7x:2x2x1
jax: 0.10.2.dev20260603
libtpu: 0.0.44.dev20260713+nightly
codegen_flags: <defaults>
</compile_context>

<pallas_src>
import functools

import jax
import jax.numpy as jnp
from jax import lax
from jax.experimental import pallas as pl
from jax.experimental.pallas import tpu as pltpu
from jax.experimental.pallas import tpu_sc as plsc

_B = 16384
_D = 64
_O = 128
_G = 2 * _B
_NC = 2
_NS = 16
_NW = _NC * _NS
_BPW = _B // _NW
_RPW = 2 * _BPW
_CH = 128
_NCH = _RPW // _CH


def _sc_gather(table, idx1, idx2):
  mesh = plsc.VectorSubcoreMesh(core_axis_name="c", subcore_axis_name="s")

  @functools.partial(
      pl.kernel,
      mesh=mesh,
      out_type=jax.ShapeDtypeStruct((_G, _D), jnp.float32),
      scratch_types=[
          pltpu.VMEM((_BPW,), jnp.int32),
          pltpu.VMEM((_BPW,), jnp.int32),
          pltpu.VMEM((_NCH, _CH), jnp.int32),
          pltpu.VMEM((_RPW, _D), jnp.float32),
          pltpu.SemaphoreType.DMA,
      ],
      compiler_params=pltpu.CompilerParams(use_tc_tiling_on_sc=False,
                                           needs_layout_passes=False),
  )
  def gather_kernel(table_hbm, idx1_hbm, idx2_hbm, out_hbm,
                    i1_v, i2_v, cat_v, rows_v, sem):
    wid = lax.axis_index("s") * _NC + lax.axis_index("c")
    base = wid * _BPW
    pltpu.sync_copy(idx1_hbm.at[pl.ds(base, _BPW)], i1_v)
    pltpu.sync_copy(idx2_hbm.at[pl.ds(base, _BPW)], i2_v)
    lanes2 = 2 * lax.iota(jnp.int32, 16)

    def perm(v):
      return (((v >> (_TSH + 1)) << (_TSH + 1)) +
              ((v & (_TCOL - 1)) << 1) + ((v >> _TSH) & 1))

    for k in range(_BPW // 16):
      v1 = perm(i1_v[pl.ds(16 * k, 16)])
      v2 = perm(i2_v[pl.ds(16 * k, 16)])
      row = (32 * k) // _CH
      col0 = (32 * k) % _CH
      plsc.store_scatter(cat_v.at[row], [col0 + lanes2], v1)
      plsc.store_scatter(cat_v.at[row], [col0 + 1 + lanes2], v2)
    copies = []
    for j in range(_NCH):
      copies.append(pltpu.async_copy(
          table_hbm.at[cat_v.at[j]], rows_v.at[pl.ds(j * _CH, _CH)], sem))
    for c in copies:
      c.wait()
    pltpu.sync_copy(rows_v, out_hbm.at[pl.ds(wid * _RPW, _RPW)])

  return gather_kernel(table, idx1, idx2)


_TCOL = 4096
_TSH = 12
_TGRID = 13
_TMAX = 100000 // _TCOL
_VP = _TGRID * 2 * _TCOL


def _tc_transpose(tableT):

  def tr_kernel(ta_ref, tb_ref, o_ref):
    o_ref[:, 0:_D] = ta_ref[...].T
    o_ref[:, _D:] = tb_ref[...].T

  return pl.pallas_call(
      tr_kernel,
      grid=(_TGRID,),
      in_specs=[
          pl.BlockSpec((_D, _TCOL), lambda j: (0, 2 * j)),
          pl.BlockSpec((_D, _TCOL), lambda j: (0, jnp.minimum(2 * j + 1, _TMAX))),
      ],
      out_specs=pl.BlockSpec((_TCOL, 2 * _D), lambda j: (j, 0)),
      out_shape=jax.ShapeDtypeStruct((_VP // 2, 2 * _D), jnp.float32),
  )(tableT, tableT)


_BM = 8192


def _tc_project(cat, W, b2d):

  def mm_kernel(cat_ref, w_ref, b_ref, o_ref):
    o_ref[...] = lax.dot_general(
        cat_ref[...], w_ref[...], (((1,), (1,)), ((), ())),
        preferred_element_type=jnp.float32) + b_ref[...]

  return pl.pallas_call(
      mm_kernel,
      grid=(_B // _BM,),
      in_specs=[
          pl.BlockSpec((_BM, 2 * _D), lambda i: (i, 0)),
          pl.BlockSpec((_O, 2 * _D), lambda i: (0, 0)),
          pl.BlockSpec((1, _O), lambda i: (0, 0)),
      ],
      out_specs=pl.BlockSpec((_BM, _O), lambda i: (i, 0)),
      out_shape=jax.ShapeDtypeStruct((_B, _O), jnp.float32),
  )(cat, W, b2d)


def kernel(x, emb_table, W, b):
  xT = x.T.astype(jnp.int32)
  table_lin = _tc_transpose(emb_table.T).reshape(_VP, _D)
  rows = _sc_gather(table_lin, xT[0], xT[1])
  cat = rows.reshape(_B, 2 * _D)
  return _tc_project(cat, W, b.reshape(1, _O))

# --- scband reference (transcript-rebuilt; emitter-appended) ---
"""Pipeline reference for scband-speaking-turn-descriptor-embedder-712964571455 (READ-ONLY COPY).

The authoritative reference and input builder live on the scoring server;
editing this copy changes nothing except your own understanding.
"""

import jax, jax.numpy as jnp
import numpy as np

NUM_EVENT_TYPES = 100000
EMBED_DIM = 64
OUTPUT_DIM = 128
BATCH = 16384

def setup_inputs(seed: int = 0) -> dict:
    key = jax.random.key(seed)
    k1, k2, k3, k4 = jax.random.split(key, 4)
    x = jax.random.randint(k1, (BATCH, 2), 0, NUM_EVENT_TYPES, dtype=jnp.int64) if jax.config.jax_enable_x64 else jax.random.randint(k1, (BATCH, 2), 0, NUM_EVENT_TYPES, dtype=jnp.int32)
    emb_table = jax.random.normal(k2, (NUM_EVENT_TYPES, EMBED_DIM), dtype=jnp.float32)
    # nn.Linear default init: U(-1/sqrt(fan_in), 1/sqrt(fan_in)) with fan_in = 2*EMBED_DIM
    bound = 1.0 / np.sqrt(2 * EMBED_DIM)
    W = jax.random.uniform(k3, (OUTPUT_DIM, 2 * EMBED_DIM), minval=-bound, maxval=bound, dtype=jnp.float32)
    b = jax.random.uniform(k4, (OUTPUT_DIM,), minval=-bound, maxval=bound, dtype=jnp.float32)
    return {"x": x, "emb_table": emb_table, "W": W, "b": b}

def reference(x, emb_table, W, b):
    elem1 = x[:, 0]
    elem2 = x[:, 1]
    embed_1 = jnp.take(emb_table, elem1, axis=0)
    embed_2 = jnp.take(emb_table, elem2, axis=0)
    concatenated = jnp.concatenate((embed_1, embed_2), axis=1)
    output = concatenated @ W.T + b
    return output

if __name__ == "__main__":
    import jax
    _d = setup_inputs()
    print(jax.jit(kernel)(*tuple(_d.values())))

</pallas_src>

<mosaic_0001>
#map = affine_map<(d0, d1) -> (0, 0)>
#map1 = affine_map<(d0, d1) -> (0)>
module attributes {stable_mosaic.version = 14 : i64} {
  func.func @gather_kernel(%arg0: i32, %arg1: i32, %arg2: memref<106496x64xf32, #tpu.memory_space<hbm>>, %arg3: memref<16384xi32, #tpu.memory_space<hbm>>, %arg4: memref<16384xi32, #tpu.memory_space<hbm>>, %arg5: memref<32768x64xf32, #tpu.memory_space<hbm>>, %arg6: memref<512xi32, #tpu.memory_space<vmem>>, %arg7: memref<512xi32, #tpu.memory_space<vmem>>, %arg8: memref<8x128xi32, #tpu.memory_space<vmem>>, %arg9: memref<1024x64xf32, #tpu.memory_space<vmem>>, %arg10: memref<!tpu.dma_semaphore, #tpu.memory_space<semaphore_mem>>) attributes {dimension_semantics = [#tpu.dimension_semantics<core_parallel>, #tpu.dimension_semantics<subcore_parallel>], iteration_bounds = array<i64: 2, 16>, scalar_prefetch = 0 : i64, scratch_operands = 5 : i64, tpu.core_type = #tpu.core_type<sc_vector_subcore>, window_params = [{transform_indices = #map}, {transform_indices = #map1}, {transform_indices = #map1}, {transform_indices = #map}]} {
    %mul3A = arith.constant 2 : i32
    %mul3A_0 = arith.muli %arg1, %mul3A : i32
    %add3A = arith.addi %mul3A_0, %arg0 : i32
    %mul3A_1 = arith.constant 512 : i32
    %mul3A_2 = arith.muli %add3A, %mul3A_1 : i32
    "tpu.region"() ({
      %run_scoped3A = tpu.sem_alloc : memref<!tpu.dma_semaphore, #tpu.memory_space<semaphore_mem>>
      %dma_start3A_2017 = tpu.memref_slice %arg3[%mul3A_2] : memref<16384xi32, #tpu.memory_space<hbm>> -> memref<512xi32, #tpu.memory_space<hbm>>
      %dma_start3A_2018 = tpu.memref_slice %arg3[%mul3A_2] : memref<16384xi32, #tpu.memory_space<hbm>> -> memref<512xi32, #tpu.memory_space<hbm>>
      tpu.enqueue_dma source(%dma_start3A_2018 : memref<512xi32, #tpu.memory_space<hbm>>) target(%arg6 : memref<512xi32, #tpu.memory_space<vmem>>) target_semaphore(%run_scoped3A : memref<!tpu.dma_semaphore, #tpu.memory_space<semaphore_mem>>)
      %dma_wait3A_2019 = tpu.memref_slice %arg3[%mul3A_2] : memref<16384xi32, #tpu.memory_space<hbm>> -> memref<512xi32, #tpu.memory_space<hbm>>
      %dma_wait3A_2020 = tpu.memref_slice %arg3[%mul3A_2] : memref<16384xi32, #tpu.memory_space<hbm>> -> memref<512xi32, #tpu.memory_space<hbm>>
      tpu.wait_dma2 semaphore(%run_scoped3A : memref<!tpu.dma_semaphore, #tpu.memory_space<semaphore_mem>>) src(%dma_wait3A_2020 : memref<512xi32, #tpu.memory_space<hbm>>) dst(%arg6 : memref<512xi32, #tpu.memory_space<vmem>>)
      tpu.yield
    }) : () -> ()
    "tpu.region"() ({
      %run_scoped3A = tpu.sem_alloc : memref<!tpu.dma_semaphore, #tpu.memory_space<semaphore_mem>>
      %dma_start3A_2017 = tpu.memref_slice %arg4[%mul3A_2] : memref<16384xi32, #tpu.memory_space<hbm>> -> memref<512xi32, #tpu.memory_space<hbm>>
      %dma_start3A_2018 = tpu.memref_slice %arg4[%mul3A_2] : memref<16384xi32, #tpu.memory_space<hbm>> -> memref<512xi32, #tpu.memory_space<hbm>>
      tpu.enqueue_dma source(%dma_start3A_2018 : memref<512xi32, #tpu.memory_space<hbm>>) target(%arg7 : memref<512xi32, #tpu.memory_space<vmem>>) target_semaphore(%run_scoped3A : memref<!tpu.dma_semaphore, #tpu.memory_space<semaphore_mem>>)
      %dma_wait3A_2019 = tpu.memref_slice %arg4[%mul3A_2] : memref<16384xi32, #tpu.memory_space<hbm>> -> memref<512xi32, #tpu.memory_space<hbm>>
      %dma_wait3A_2020 = tpu.memref_slice %arg4[%mul3A_2] : memref<16384xi32, #tpu.memory_space<hbm>> -> memref<512xi32, #tpu.memory_space<hbm>>
      tpu.wait_dma2 semaphore(%run_scoped3A : memref<!tpu.dma_semaphore, #tpu.memory_space<semaphore_mem>>) src(%dma_wait3A_2020 : memref<512xi32, #tpu.memory_space<hbm>>) dst(%arg7 : memref<512xi32, #tpu.memory_space<vmem>>)
      tpu.yield
    }) : () -> ()
    %iota3A = tpu.iota {dimensions = array<i32: 0>} : vector<16xi32>
    %mul3A_3 = arith.constant 2 : i32
    %mul3A_4 = vector.broadcast %mul3A_3 : i32 to vector<16xi32>
    %mul3A_5 = arith.muli %mul3A_4, %iota3A : vector<16xi32>
    %get3A = arith.constant 0 : index
    %get3A_6 = tpu.vector_load %arg6[%get3A] {strides = array<i32>} : memref<512xi32, #tpu.memory_space<vmem>>, vector<16xi32>,
    %shift_right_arithmetic3A = arith.constant 13 : i32
    %shift_right_arithmetic3A_7 = vector.broadcast %shift_right_arithmetic3A : i32 to vector<16xi32>
    %shift_right_arithmetic3A_8 = arith.shrsi %get3A_6, %shift_right_arithmetic3A_7 : vector<16xi32>
    %shift_left3A = arith.constant 13 : i32
    %shift_left3A_9 = vector.broadcast %shift_left3A : i32 to vector<16xi32>
    %shift_left3A_10 = arith.shli %shift_right_arithmetic3A_8, %shift_left3A_9 : vector<16xi32>
    %and3A = arith.constant 4095 : i32
    %and3A_11 = vector.broadcast %and3A : i32 to vector<16xi32>
    %and3A_12 = arith.andi %get3A_6, %and3A_11 : vector<16xi32>
    %shift_left3A_13 = arith.constant 1 : i32
    %shift_left3A_14 = vector.broadcast %shift_left3A_13 : i32 to vector<16xi32>
    %shift_left3A_15 = arith.shli %and3A_12, %shift_left3A_14 : vector<16xi32>
    %add3A_16 = arith.addi %shift_left3A_10, %shift_left3A_15 : vector<16xi32>
    %shift_right_arithmetic3A_17 = arith.constant 12 : i32
    %shift_right_arithmetic3A_18 = vector.broadcast %shift_right_arithmetic3A_17 : i32 to vector<16xi32>
    %shift_right_arithmetic3A_19 = arith.shrsi %get3A_6, %shift_right_arithmetic3A_18 : vector<16xi32>
    %and3A_20 = arith.constant 1 : i32
    %and3A_21 = vector.broadcast %and3A_20 : i32 to vector<16xi32>
    %and3A_22 = arith.andi %shift_right_arithmetic3A_19, %and3A_21 : vector<16xi32>
    %add3A_23 = arith.addi %add3A_16, %and3A_22 : vector<16xi32>
    %get3A_24 = arith.constant 0 : index
    %get3A_25 = tpu.vector_load %arg7[%get3A_24] {strides = array<i32>} : memref<512xi32, #tpu.memory_space<vmem>>, vector<16xi32>,
    %shift_right_arithmetic3A_26 = arith.constant 13 : i32
    %shift_right_arithmetic3A_27 = vector.broadcast %shift_right_arithmetic3A_26 : i32 to vector<16xi32>
    %shift_right_arithmetic3A_28 = arith.shrsi %get3A_25, %shift_right_arithmetic3A_27 : vector<16xi32>
    %shift_left3A_29 = arith.constant 13 : i32
    %shift_left3A_30 = vector.broadcast %shift_left3A_29 : i32 to vector<16xi32>
    %shift_left3A_31 = arith.shli %shift_right_arithmetic3A_28, %shift_left3A_30 : vector<16xi32>
    %and3A_32 = arith.constant 4095 : i32
    %and3A_33 = vector.broadcast %and3A_32 : i32 to vector<16xi32>
    %and3A_34 = arith.andi %get3A_25, %and3A_33 : vector<16xi32>
    %shift_left3A_35 = arith.constant 1 : i32
    %shift_left3A_36 = vector.broadcast %shift_left3A_35 : i32 to vector<16xi32>
    %shift_left3A_37 = arith.shli %and3A_34, %shift_left3A_36 : vector<16xi32>
    %add3A_38 = arith.addi %shift_left3A_31, %shift_left3A_37 : vector<16xi32>
    %shift_right_arithmetic3A_39 = arith.constant 12 : i32
    %shift_right_arithmetic3A_40 = vector.broadcast %shift_right_arithmetic3A_39 : i32 to vector<16xi32>
    %shift_right_arithmetic3A_41 = arith.shrsi %get3A_25, %shift_right_arithmetic3A_40 : vector<16xi32>
    %and3A_42 = arith.constant 1 : i32
    %and3A_43 = vector.broadcast %and3A_42 : i32 to vector<16xi32>
    %and3A_44 = arith.andi %shift_right_arithmetic3A_41, %and3A_43 : vector<16xi32>
    %add3A_45 = arith.addi %add3A_38, %and3A_44 : vector<16xi32>
    %add3A_46 = arith.constant 0 : i32
    %add3A_47 = vector.broadcast %add3A_46 : i32 to vector<16xi32>
    %add3A_48 = arith.addi %add3A_47, %mul3A_5 : vector<16xi32>
    %scatter3A = arith.constant 0 : i32
    %scatter3A_49 = arith.constant 0 : i32
    %scatter3A_50 = tpu.memref_slice %arg8[%scatter3A, %scatter3A_49] : memref<8x128xi32, #tpu.memory_space<vmem>> -> memref<1x128xi32, #tpu.memory_space<vmem>>
    %scatter3A_51 = tpu.memref_squeeze %scatter3A_50 : memref<1x128xi32, #tpu.memory_space<vmem>> -> memref<128xi32, #tpu.memory_space<vmem>>
    tpu.vector_store_idx %scatter3A_51[%add3A_48], %add3A_23 : memref<128xi32, #tpu.memory_space<vmem>>[vector<16xi32>], vector<16xi32>,
    %add3A_52 = arith.constant 1 : i32
    %add3A_53 = vector.broadcast %add3A_52 : i32 to vector<16xi32>
    %add3A_54 = arith.addi %add3A_53, %mul3A_5 : vector<16xi32>
    %scatter3A_55 = arith.constant 0 : i32
    %scatter3A_56 = arith.constant 0 : i32
    %scatter3A_57 = tpu.memref_slice %arg8[%scatter3A_55, %scatter3A_56] : memref<8x128xi32, #tpu.memory_space<vmem>> -> memref<1x128xi32, #tpu.memory_space<vmem>>
    %scatter3A_58 = tpu.memref_squeeze %scatter3A_57 : memref<1x128xi32, #tpu.memory_space<vmem>> -> memref<128xi32, #tpu.memory_space<vmem>>
    tpu.vector_store_idx %scatter3A_58[%add3A_54], %add3A_45 : memref<128xi32, #tpu.memory_space<vmem>>[vector<16xi32>], vector<16xi32>,
    %get3A_59 = arith.constant 16 : index
    %get3A_60 = tpu.vector_load %arg6[%get3A_59] {strides = array<i32>} : memref<512xi32, #tpu.memory_space<vmem>>, vector<16xi32>,
    %shift_right_arithmetic3A_61 = arith.constant 13 : i32
    %shift_right_arithmetic3A_62 = vector.broadcast %shift_right_arithmetic3A_61 : i32 to vector<16xi32>
    %shift_right_arithmetic3A_63 = arith.shrsi %get3A_60, %shift_right_arithmetic3A_62 : vector<16xi32>
    %shift_left3A_64 = arith.constant 13 : i32
    %shift_left3A_65 = vector.broadcast %shift_left3A_64 : i32 to vector<16xi32>
    %shift_left3A_66 = arith.shli %shift_right_arithmetic3A_63, %shift_left3A_65 : vector<16xi32>
    %and3A_67 = arith.constant 4095 : i32
    %and3A_68 = vector.broadcast %and3A_67 : i32 to vector<16xi32>
    %and3A_69 = arith.andi %get3A_60, %and3A_68 : vector<16xi32>
    %shift_left3A_70 = arith.constant 1 : i32
    %shift_left3A_71 = vector.broadcast %shift_left3A_70 : i32 to vector<16xi32>
    %shift_left3A_72 = arith.shli %and3A_69, %shift_left3A_71 : vector<16xi32>
    %add3A_73 = arith.addi %shift_left3A_66, %shift_left3A_72 : vector<16xi32>
    %shift_right_arithmetic3A_74 = arith.constant 12 : i32
    %shift_right_arithmetic3A_75 = vector.broadcast %shift_right_arithmetic3A_74 : i32 to vector<16xi32>
    %shift_right_arithmetic3A_76 = arith.shrsi %get3A_60, %shift_right_arithmetic3A_75 : vector<16xi32>
    %and3A_77 = arith.constant 1 : i32
    %and3A_78 = vector.broadcast %and3A_77 : i32 to vector<16xi32>
    %and3A_79 = arith.andi %shift_right_arithmetic3A_76, %and3A_78 : vector<16xi32>
    %add3A_80 = arith.addi %add3A_73, %and3A_79 : vector<16xi32>
    %get3A_81 = arith.constant 16 : index
    %get3A_82 = tpu.vector_load %arg7[%get3A_81] {strides = array<i32>} : memref<512xi32, #tpu.memory_space<vmem>>, vector<16xi32>,
    %shift_right_arithmetic3A_83 = arith.constant 13 : i32
    %shift_right_arithmetic3A_84 = vector.broadcast %shift_right_arithmetic3A_83 : i32 to vector<16xi32>
    %shift_right_arithmetic3A_85 = arith.shrsi %get3A_82, %shift_right_arithmetic3A_84 : vector<16xi32>
    %shift_left3A_86 = arith.constant 13 : i32
    %shift_left3A_87 = vector.broadcast %shift_left3A_86 : i32 to vector<16xi32>
    %shift_left3A_88 = arith.shli %shift_right_arithmetic3A_85, %shift_left3A_87 : vector<16xi32>
    %and3A_89 = arith.constant 4095 : i32
    %and3A_90 = vector.broadcast %and3A_89 : i32 to vector<16xi32>
    %and3A_91 = arith.andi %get3A_82, %and3A_90 : vector<16xi32>
    %shift_left3A_92 = arith.constant 1 : i32
    %shift_left3A_93 = vector.broadcast %shift_left3A_92 : i32 to vector<16xi32>
    %shift_left3A_94 = arith.shli %and3A_91, %shift_left3A_93 : vector<16xi32>
    %add3A_95 = arith.addi %shift_left3A_88, %shift_left3A_94 : vector<16xi32>
    %shift_right_arithmetic3A_96 = arith.constant 12 : i32
    %shift_right_arithmetic3A_97 = vector.broadcast %shift_right_arithmetic3A_96 : i32 to vector<16xi32>
    %shift_right_arithmetic3A_98 = arith.shrsi %get3A_82, %shift_right_arithmetic3A_97 : vector<16xi32>
    %and3A_99 = arith.constant 1 : i32
    %and3A_100 = vector.broadcast %and3A_99 : i32 to vector<16xi32>
    %and3A_101 = arith.andi %shift_right_arithmetic3A_98, %and3A_100 : vector<16xi32>
    %add3A_102 = arith.addi %add3A_95, %and3A_101 : vector<16xi32>
    %add3A_103 = arith.constant 32 : i32
    %add3A_104 = vector.broadcast %add3A_103 : i32 to vector<16xi32>
    %add3A_105 = arith.addi %add3A_104, %mul3A_5 : vector<16xi32>
    %scatter3A_106 = arith.constant 0 : i32
    %scatter3A_107 = arith.constant 0 : i32
    %scatter3A_108 = tpu.memref_slice %arg8[%scatter3A_106, %scatter3A_107] : memref<8x128xi32, #tpu.memory_space<vmem>> -> memref<1x128xi32, #tpu.memory_space<vmem>>
    %scatter3A_109 = tpu.memref_squeeze %scatter3A_108 : memref<1x128xi32, #tpu.memory_space<vmem>> -> memref<128xi32, #tpu.memory_space<vmem>>
    tpu.vector_store_idx %scatter3A_109[%add3A_105], %add3A_80 : memref<128xi32, #tpu.memory_space<vmem>>[vector<16xi32>], vector<16xi32>,
    %add3A_110 = arith.constant 33 : i32
    %add3A_111 = vector.broadcast %add3A_110 : i32 to vector<16xi32>
    %add3A_112 = arith.addi %add3A_111, %mul3A_5 : vector<16xi32>
    %scatter3A_113 = arith.constant 0 : i32
    %scatter3A_114 = arith.constant 0 : i32
    %scatter3A_115 = tpu.memref_slice %arg8[%scatter3A_113, %scatter3A_114] : memref<8x128xi32, #tpu.memory_space<vmem>> -> memref<1x128xi32, #tpu.memory_space<vmem>>
    %scatter3A_116 = tpu.memref_squeeze %scatter3A_115 : memref<1x128xi32, #tpu.memory_space<vmem>> -> memref<128xi32, #tpu.memory_space<vmem>>
    tpu.vector_store_idx %scatter3A_116[%add3A_112], %add3A_102 : memref<128xi32, #tpu.memory_space<vmem>>[vector<16xi32>], vector<16xi32>,
    %get3A_117 = arith.constant 32 : index
    %get3A_118 = tpu.vector_load %arg6[%get3A_117] {strides = array<i32>} : memref<512xi32, #tpu.memory_space<vmem>>, vector<16xi32>,
    %shift_right_arithmetic3A_119 = arith.constant 13 : i32
    %shift_right_arithmetic3A_120 = vector.broadcast %shift_right_arithmetic3A_119 : i32 to vector<16xi32>
    %shift_right_arithmetic3A_121 = arith.shrsi %get3A_118, %shift_right_arithmetic3A_120 : vector<16xi32>
    %shift_left3A_122 = arith.constant 13 : i32
    %shift_left3A_123 = vector.broadcast %shift_left3A_122 : i32 to vector<16xi32>
    %shift_left3A_124 = arith.shli %shift_right_arithmetic3A_121, %shift_left3A_123 : vector<16xi32>
    %and3A_125 = arith.constant 4095 : i32
    %and3A_126 = vector.broadcast %and3A_125 : i32 to vector<16xi32>
    %and3A_127 = arith.andi %get3A_118, %and3A_126 : vector<16xi32>
    %shift_left3A_128 = arith.constant 1 : i32
    %shift_left3A_129 = vector.broadcast %shift_left3A_128 : i32 to vector<16xi32>
    %shift_left3A_130 = arith.shli %and3A_127, %shift_left3A_129 : vector<16xi32>
    %add3A_131 = arith.addi %shift_left3A_124, %shift_left3A_130 : vector<16xi32>
    %shift_right_arithmetic3A_132 = arith.constant 12 : i32
    %shift_right_arithmetic3A_133 = vector.broadcast %shift_right_arithmetic3A_132 : i32 to vector<16xi32>
    %shift_right_arithmetic3A_134 = arith.shrsi %get3A_118, %shift_right_arithmetic3A_133 : vector<16xi32>
    %and3A_135 = arith.constant 1 : i32
    %and3A_136 = vector.broadcast %and3A_135 : i32 to vector<16xi32>
    %and3A_137 = arith.andi %shift_right_arithmetic3A_134, %and3A_136 : vector<16xi32>
    %add3A_138 = arith.addi %add3A_131, %and3A_137 : vector<16xi32>
    %get3A_139 = arith.constant 32 : index
    %get3A_140 = tpu.vector_load %arg7[%get3A_139] {strides = array<i32>} : memref<512xi32, #tpu.memory_space<vmem>>, vector<16xi32>,
    %shift_right_arithmetic3A_141 = arith.constant 13 : i32
    %shift_right_arithmetic3A_142 = vector.broadcast %shift_right_arithmetic3A_141 : i32 to vector<16xi32>
    %shift_right_arithmetic3A_143 = arith.shrsi %get3A_140, %shift_right_arithmetic3A_142 : vector<16xi32>
    %shift_left3A_144 = arith.constant 13 : i32
    %shift_left3A_145 = vector.broadcast %shift_left3A_144 : i32 to vector<16xi32>
    %shift_left3A_146 = arith.shli %shift_right_arithmetic3A_143, %shift_left3A_145 : vector<16xi32>
    %and3A_147 = arith.constant 4095 : i32
    %and3A_148 = vector.broadcast %and3A_147 : i32 to vector<16xi32>
    %and3A_149 = arith.andi %get3A_140, %and3A_148 : vector<16xi32>
    %shift_left3A_150 = arith.constant 1 : i32
    %shift_left3A_151 = vector.broadcast %shift_left3A_150 : i32 to vector<16xi32>
    %shift_left3A_152 = arith.shli %and3A_149, %shift_left3A_151 : vector<16xi32>
    %add3A_153 = arith.addi %shift_left3A_146, %shift_left3A_152 : vector<16xi32>
    %shift_right_arithmetic3A_154 = arith.constant 12 : i32
    %shift_right_arithmetic3A_155 = vector.broadcast %shift_right_arithmetic3A_154 : i32 to vector<16xi32>
    %shift_right_arithmetic3A_156 = arith.shrsi %get3A_140, %shift_right_arithmetic3A_155 : vector<16xi32>
    %and3A_157 = arith.constant 1 : i32
    %and3A_158 = vector.broadcast %and3A_157 : i32 to vector<16xi32>
    %and3A_159 = arith.andi %shift_right_arithmetic3A_156, %and3A_158 : vector<16xi32>
    %add3A_160 = arith.addi %add3A_153, %and3A_159 : vector<16xi32>
    %add3A_161 = arith.constant 64 : i32
    %add3A_162 = vector.broadcast %add3A_161 : i32 to vector<16xi32>
    %add3A_163 = arith.addi %add3A_162, %mul3A_5 : vector<16xi32>
    %scatter3A_164 = arith.constant 0 : i32
    %scatter3A_165 = arith.constant 0 : i32
    %scatter3A_166 = tpu.memref_slice %arg8[%scatter3A_164, %scatter3A_165] : memref<8x128xi32, #tpu.memory_space<vmem>> -> memref<1x128xi32, #tpu.memory_space<vmem>>
    %scatter3A_167 = tpu.memref_squeeze %scatter3A_166 : memref<1x128xi32, #tpu.memory_space<vmem>> -> memref<128xi32, #tpu.memory_space<vmem>>
    tpu.vector_store_idx %scatter3A_167[%add3A_163], %add3A_138 : memref<128xi32, #tpu.memory_space<vmem>>[vector<16xi32>], vector<16xi32>,
    %add3A_168 = arith.constant 65 : i32
    %add3A_169 = vector.broadcast %add3A_168 : i32 to vector<16xi32>
    %add3A_170 = arith.addi %add3A_169, %mul3A_5 : vector<16xi32>
    %scatter3A_171 = arith.constant 0 : i32
    %scatter3A_172 = arith.constant 0 : i32
    %scatter3A_173 = tpu.memref_slice %arg8[%scatter3A_171, %scatter3A_172] : memref<8x128xi32, #tpu.memory_space<vmem>> -> memref<1x128xi32, #tpu.memory_space<vmem>>
    %scatter3A_174 = tpu.memref_squeeze %scatter3A_173 : memref<1x128xi32, #tpu.memory_space<vmem>> -> memref<128xi32, #tpu.memory_space<vmem>>
    tpu.vector_store_idx %scatter3A_174[%add3A_170], %add3A_160 : memref<128xi32, #tpu.memory_space<vmem>>[vector<16xi32>], vector<16xi32>,
    %get3A_175 = arith.constant 48 : index
    %get3A_176 = tpu.vector_load %arg6[%get3A_175] {strides = array<i32>} : memref<512xi32, #tpu.memory_space<vmem>>, vector<16xi32>,
    %shift_right_arithmetic3A_177 = arith.constant 13 : i32
    %shift_right_arithmetic3A_178 = vector.broadcast %shift_right_arithmetic3A_177 : i32 to vector<16xi32>
    %shift_right_arithmetic3A_179 = arith.shrsi %get3A_176, %shift_right_arithmetic3A_178 : vector<16xi32>
    %shift_left3A_180 = arith.constant 13 : i32
    %shift_left3A_181 = vector.broadcast %shift_left3A_180 : i32 to vector<16xi32>
    %shift_left3A_182 = arith.shli %shift_right_arithmetic3A_179, %shift_left3A_181 : vector<16xi32>
    %and3A_183 = arith.constant 4095 : i32
    %and3A_184 = vector.broadcast %and3A_183 : i32 to vector<16xi32>
    %and3A_185 = arith.andi %get3A_176, %and3A_184 : vector<16xi32>
    %shift_left3A_186 = arith.constant 1 : i32
    %shift_left3A_187 = vector.broadcast %shift_left3A_186 : i32 to vector<16xi32>
    %shift_left3A_188 = arith.shli %and3A_185, %shift_left3A_187 : vector<16xi32>
    %add3A_189 = arith.addi %shift_left3A_182, %shift_left3A_188 : vector<16xi32>
    %shift_right_arithmetic3A_190 = arith.constant 12 : i32
    %shift_right_arithmetic3A_191 = vector.broadcast %shift_right_arithmetic3A_190 : i32 to vector<16xi32>
    %shift_right_arithmetic3A_192 = arith.shrsi %get3A_176, %shift_right_arithmetic3A_191 : vector<16xi32>
    %and3A_193 = arith.constant 1 : i32
    %and3A_194 = vector.broadcast %and3A_193 : i32 to vector<16xi32>
    %and3A_195 = arith.andi %shift_right_arithmetic3A_192, %and3A_194 : vector<16xi32>
    %add3A_196 = arith.addi %add3A_189, %and3A_195 : vector<16xi32>
    %get3A_197 = arith.constant 48 : index
    %get3A_198 = tpu.vector_load %arg7[%get3A_197] {strides = array<i32>} : memref<512xi32, #tpu.memory_space<vmem>>, vector<16xi32>,
    %shift_right_arithmetic3A_199 = arith.constant 13 : i32
    %shift_right_arithmetic3A_200 = vector.broadcast %shift_right_arithmetic3A_199 : i32 to vector<16xi32>
    %shift_right_arithmetic3A_201 = arith.shrsi %get3A_198, %shift_right_arithmetic3A_200 : vector<16xi32>
    %shift_left3A_202 = arith.constant 13 : i32
    %shift_left3A_203 = vector.broadcast %shift_left3A_202 : i32 to vector<16xi32>
    %shift_left3A_204 = arith.shli %shift_right_arithmetic3A_201, %shift_left3A_203 : vector<16xi32>
    %and3A_205 = arith.constant 4095 : i32
    %and3A_206 = vector.broadcast %and3A_205 : i32 to vector<16xi32>
    %and3A_207 = arith.andi %get3A_198, %and3A_206 : vector<16xi32>
    %shift_left3A_208 = arith.constant 1 : i32
    %shift_left3A_209 = vector.broadcast %shift_left3A_208 : i32 to vector<16xi32>
    %shift_left3A_210 = arith.shli %and3A_207, %shift_left3A_209 : vector<16xi32>
    %add3A_211 = arith.addi %shift_left3A_204, %shift_left3A_210 : vector<16xi32>
    %shift_right_arithmetic3A_212 = arith.constant 12 : i32
    %shift_right_arithmetic3A_213 = vector.broadcast %shift_right_arithmetic3A_212 : i32 to vector<16xi32>
    %shift_right_arithmetic3A_214 = arith.shrsi %get3A_198, %shift_right_arithmetic3A_213 : vector<16xi32>
    %and3A_215 = arith.constant 1 : i32
    %and3A_216 = vector.broadcast %and3A_215 : i32 to vector<16xi32>
    %and3A_217 = arith.andi %shift_right_arithmetic3A_214, %and3A_216 : vector<16xi32>
    %add3A_218 = arith.addi %add3A_211, %and3A_217 : vector<16xi32>
    %add3A_219 = arith.constant 96 : i32
    %add3A_220 = vector.broadcast %add3A_219 : i32 to vector<16xi32>
    %add3A_221 = arith.addi %add3A_220, %mul3A_5 : vector<16xi32>
    %scatter3A_222 = arith.constant 0 : i32
    %scatter3A_223 = arith.constant 0 : i32
    %scatter3A_224 = tpu.memref_slice %arg8[%scatter3A_222, %scatter3A_223] : memref<8x128xi32, #tpu.memory_space<vmem>> -> memref<1x128xi32, #tpu.memory_space<vmem>>
    %scatter3A_225 = tpu.memref_squeeze %scatter3A_224 : memref<1x128xi32, #tpu.memory_space<vmem>> -> memref<128xi32, #tpu.memory_space<vmem>>
    tpu.vector_store_idx %scatter3A_225[%add3A_221], %add3A_196 : memref<128xi32, #tpu.memory_space<vmem>>[vector<16xi32>], vector<16xi32>,
    %add3A_226 = arith.constant 97 : i32
    %add3A_227 = vector.broadcast %add3A_226 : i32 to vector<16xi32>
    %add3A_228 = arith.addi %add3A_227, %mul3A_5 : vector<16xi32>
    %scatter3A_229 = arith.constant 0 : i32
    %scatter3A_230 = arith.constant 0 : i32
    %scatter3A_231 = tpu.memref_slice %arg8[%scatter3A_229, %scatter3A_230] : memref<8x128xi32, #tpu.memory_space<vmem>> -> memref<1x128xi32, #tpu.memory_space<vmem>>
    %scatter3A_232 = tpu.memref_squeeze %scatter3A_231 : memref<1x128xi32, #tpu.memory_space<vmem>> -> memref<128xi32, #tpu.memory_space<vmem>>
    tpu.vector_store_idx %scatter3A_232[%add3A_228], %add3A_218 : memref<128xi32, #tpu.memory_space<vmem>>[vector<16xi32>], vector<16xi32>,
    %get3A_233 = arith.constant 64 : index
    %get3A_234 = tpu.vector_load %arg6[%get3A_233] {strides = array<i32>} : memref<512xi32, #tpu.memory_space<vmem>>, vector<16xi32>,
    %shift_right_arithmetic3A_235 = arith.constant 13 : i32
    %shift_right_arithmetic3A_236 = vector.broadcast %shift_right_arithmetic3A_235 : i32 to vector<16xi32>
    %shift_right_arithmetic3A_237 = arith.shrsi %get3A_234, %shift_right_arithmetic3A_236 : vector<16xi32>
    %shift_left3A_238 = arith.constant 13 : i32
    %shift_left3A_239 = vector.broadcast %shift_left3A_238 : i32 to vector<16xi32>
    %shift_left3A_240 = arith.shli %shift_right_arithmetic3A_237, %shift_left3A_239 : vector<16xi32>
    %and3A_241 = arith.constant 4095 : i32
    %and3A_242 = vector.broadcast %and3A_241 : i32 to vector<16xi32>
    %and3A_243 = arith.andi %get3A_234, %and3A_242 : vector<16xi32>
    %shift_left3A_244 = arith.constant 1 : i32
    %shift_left3A_245 = vector.broadcast %shift_left3A_244 : i32 to vector<16xi32>
    %shift_left3A_246 = arith.shli %and3A_243, %shift_left3A_245 : vector<16xi32>
    %add3A_247 = arith.addi %shift_left3A_240, %shift_left3A_246 : vector<16xi32>
    %shift_right_arithmetic3A_248 = arith.constant 12 : i32
    %shift_right_arithmetic3A_249 = vector.broadcast %shift_right_arithmetic3A_248 : i32 to vector<16xi32>
    %shift_right_arithmetic3A_250 = arith.shrsi %get3A_234, %shift_right_arithmetic3A_249 : vector<16xi32>
    %and3A_251 = arith.constant 1 : i32
    %and3A_252 = vector.broadcast %and3A_251 : i32 to vector<16xi32>
    %and3A_253 = arith.andi %shift_right_arithmetic3A_250, %and3A_252 : vector<16xi32>
    %add3A_254 = arith.addi %add3A_247, %and3A_253 : vector<16xi32>
    %get3A_255 = arith.constant 64 : index
    %get3A_256 = tpu.vector_load %arg7[%get3A_255] {strides = array<i32>} : memref<512xi32, #tpu.memory_space<vmem>>, vector<16xi32>,
    %shift_right_arithmetic3A_257 = arith.constant 13 : i32
    %shift_right_arithmetic3A_258 = vector.broadcast %shift_right_arithmetic3A_257 : i32 to vector<16xi32>
    %shift_right_arithmetic3A_259 = arith.shrsi %get3A_256, %shift_right_arithmetic3A_258 : vector<16xi32>
    %shift_left3A_260 = arith.constant 13 : i32
    %shift_left3A_261 = vector.broadcast %shift_left3A_260 : i32 to vector<16xi32>
    %shift_left3A_262 = arith.shli %shift_right_arithmetic3A_259, %shift_left3A_261 : vector<16xi32>
    %and3A_263 = arith.constant 4095 : i32
    %and3A_264 = vector.broadcast %and3A_263 : i32 to vector<16xi32>
    %and3A_265 = arith.andi %get3A_256, %and3A_264 : vector<16xi32>
    %shift_left3A_266 = arith.constant 1 : i32
    %shift_left3A_267 = vector.broadcast %shift_left3A_266 : i32 to vector<16xi32>
    %shift_left3A_268 = arith.shli %and3A_265, %shift_left3A_267 : vector<16xi32>
    %add3A_269 = arith.addi %shift_left3A_262, %shift_left3A_268 : vector<16xi32>
    %shift_right_arithmetic3A_270 = arith.constant 12 : i32
    %shift_right_arithmetic3A_271 = vector.broadcast %shift_right_arithmetic3A_270 : i32 to vector<16xi32>
    %shift_right_arithmetic3A_272 = arith.shrsi %get3A_256, %shift_right_arithmetic3A_271 : vector<16xi32>
    %and3A_273 = arith.constant 1 : i32
    %and3A_274 = vector.broadcast %and3A_273 : i32 to vector<16xi32>
    %and3A_275 = arith.andi %shift_right_arithmetic3A_272, %and3A_274 : vector<16xi32>
    %add3A_276 = arith.addi %add3A_269, %and3A_275 : vector<16xi32>
    %add3A_277 = arith.constant 0 : i32
    %add3A_278 = vector.broadcast %add3A_277 : i32 to vector<16xi32>
    %add3A_279 = arith.addi %add3A_278, %mul3A_5 : vector<16xi32>
    %scatter3A_280 = arith.constant 1 : i32
    %scatter3A_281 = arith.constant 0 : i32
    %scatter3A_282 = tpu.memref_slice %arg8[%scatter3A_280, %scatter3A_281] : memref<8x128xi32, #tpu.memory_space<vmem>> -> memref<1x128xi32, #tpu.memory_space<vmem>>
    %scatter3A_283 = tpu.memref_squeeze %scatter3A_282 : memref<1x128xi32, #tpu.memory_space<vmem>> -> memref<128xi32, #tpu.memory_space<vmem>>
    tpu.vector_store_idx %scatter3A_283[%add3A_279], %add3A_254 : memref<128xi32, #tpu.memory_space<vmem>>[vector<16xi32>], vector<16xi32>,
    %add3A_284 = arith.constant 1 : i32
    %add3A_285 = vector.broadcast %add3A_284 : i32 to vector<16xi32>
    %add3A_286 = arith.addi %add3A_285, %mul3A_5 : vector<16xi32>
    %scatter3A_287 = arith.constant 1 : i32
    %scatter3A_288 = arith.constant 0 : i32
    %scatter3A_289 = tpu.memref_slice %arg8[%scatter3A_287, %scatter3A_288] : memref<8x128xi32, #tpu.memory_space<vmem>> -> memref<1x128xi32, #tpu.memory_space<vmem>>
    %scatter3A_290 = tpu.memref_squeeze %scatter3A_289 : memref<1x128xi32, #tpu.memory_space<vmem>> -> memref<128xi32, #tpu.memory_space<vmem>>
    tpu.vector_store_idx %scatter3A_290[%add3A_286], %add3A_276 : memref<128xi32, #tpu.memory_space<vmem>>[vector<16xi32>], vector<16xi32>,
    %get3A_291 = arith.constant 80 : index
    %get3A_292 = tpu.vector_load %arg6[%get3A_291] {strides = array<i32>} : memref<512xi32, #tpu.memory_space<vmem>>, vector<16xi32>,
    %shift_right_arithmetic3A_293 = arith.constant 13 : i32
    %shift_right_arithmetic3A_294 = vector.broadcast %shift_right_arithmetic3A_293 : i32 to vector<16xi32>
    %shift_right_arithmetic3A_295 = arith.shrsi %get3A_292, %shift_right_arithmetic3A_294 : vector<16xi32>
    %shift_left3A_296 = arith.constant 13 : i32
    %shift_left3A_297 = vector.broadcast %shift_left3A_296 : i32 to vector<16xi32>
    %shift_left3A_298 = arith.shli %shift_right_arithmetic3A_295, %shift_left3A_297 : vector<16xi32>
    %and3A_299 = arith.constant 4095 : i32
    %and3A_300 = vector.broadcast %and3A_299 : i32 to vector<16xi32>
    %and3A_301 = arith.andi %get3A_292, %and3A_300 : vector<16xi32>
    %shift_left3A_302 = arith.constant 1 : i32
    %shift_left3A_303 = vector.broadcast %shift_left3A_302 : i32 to vector<16xi32>
    %shift_left3A_304 = arith.shli %and3A_301, %shift_left3A_303 : vector<16xi32>
    %add3A_305 = arith.addi %shift_left3A_298, %shift_left3A_304 : vector<16xi32>
    %shift_right_arithmetic3A_306 = arith.constant 12 : i32
    %shift_right_arithmetic3A_307 = vector.broadcast %shift_right_arithmetic3A_306 : i32 to vector<16xi32>
    %shift_right_arithmetic3A_308 = arith.shrsi %get3A_292, %shift_right_arithmetic3A_307 : vector<16xi32>
    %and3A_309 = arith.constant 1 : i32
    %and3A_310 = vector.broadcast %and3A_309 : i32 to vector<16xi32>
    %and3A_311 = arith.andi %shift_right_arithmetic3A_308, %and3A_310 : vector<16xi32>
    %add3A_312 = arith.addi %add3A_305, %and3A_311 : vector<16xi32>
    %get3A_313 = arith.constant 80 : index
    %get3A_314 = tpu.vector_load %arg7[%get3A_313] {strides = array<i32>} : memref<512xi32, #tpu.memory_space<vmem>>, vector<16xi32>,
    %shift_right_arithmetic3A_315 = arith.constant 13 : i32
    %shift_right_arithmetic3A_316 = vector.broadcast %shift_right_arithmetic3A_315 : i32 to vector<16xi32>
    %shift_right_arithmetic3A_317 = arith.shrsi %get3A_314, %shift_right_arithmetic3A_316 : vector<16xi32>
    %shift_left3A_318 = arith.constant 13 : i32
    %shift_left3A_319 = vector.broadcast %shift_left3A_318 : i32 to vector<16xi32>
    %shift_left3A_320 = arith.shli %shift_right_arithmetic3A_317, %shift_left3A_319 : vector<16xi32>
    %and3A_321 = arith.constant 4095 : i32
    %and3A_322 = vector.broadcast %and3A_321 : i32 to vector<16xi32>
    %and3A_323 = arith.andi %get3A_314, %and3A_322 : vector<16xi32>
    %shift_left3A_324 = arith.constant 1 : i32
    %shift_left3A_325 = vector.broadcast %shift_left3A_324 : i32 to vector<16xi32>
    %shift_left3A_326 = arith.shli %and3A_323, %shift_left3A_325 : vector<16xi32>
    %add3A_327 = arith.addi %shift_left3A_320, %shift_left3A_326 : vector<16xi32>
    %shift_right_arithmetic3A_328 = arith.constant 12 : i32
    %shift_right_arithmetic3A_329 = vector.broadcast %shift_right_arithmetic3A_328 : i32 to vector<16xi32>
    %shift_right_arithmetic3A_330 = arith.shrsi %get3A_314, %shift_right_arithmetic3A_329 : vector<16xi32>
    %and3A_331 = arith.constant 1 : i32
    %and3A_332 = vector.broadcast %and3A_331 : i32 to vector<16xi32>
    %and3A_333 = arith.andi %shift_right_arithmetic3A_330, %and3A_332 : vector<16xi32>
    %add3A_334 = arith.addi %add3A_327, %and3A_333 : vector<16xi32>
    %add3A_335 = arith.constant 32 : i32
    %add3A_336 = vector.broadcast %add3A_335 : i32 to vector<16xi32>
    %add3A_337 = arith.addi %add3A_336, %mul3A_5 : vector<16xi32>
    %scatter3A_338 = arith.constant 1 : i32
    %scatter3A_339 = arith.constant 0 : i32
    %scatter3A_340 = tpu.memref_slice %arg8[%scatter3A_338, %scatter3A_339] : memref<8x128xi32, #tpu.memory_space<vmem>> -> memref<1x128xi32, #tpu.memory_space<vmem>>
    %scatter3A_341 = tpu.memref_squeeze %scatter3A_340 : memref<1x128xi32, #tpu.memory_space<vmem>> -> memref<128xi32, #tpu.memory_space<vmem>>
    tpu.vector_store_idx %scatter3A_341[%add3A_337], %add3A_312 : memref<128xi32, #tpu.memory_space<vmem>>[vector<16xi32>], vector<16xi32>,
    %add3A_342 = arith.constant 33 : i32
    %add3A_343 = vector.broadcast %add3A_342 : i32 to vector<16xi32>
    %add3A_344 = arith.addi %add3A_343, %mul3A_5 : vector<16xi32>
    %scatter3A_345 = arith.constant 1 : i32
    %scatter3A_346 = arith.constant 0 : i32
    %scatter3A_347 = tpu.memref_slice %arg8[%scatter3A_345, %scatter3A_346] : memref<8x128xi32, #tpu.memory_space<vmem>> -> memref<1x128xi32, #tpu.memory_space<vmem>>
    %scatter3A_348 = tpu.memref_squeeze %scatter3A_347 : memref<1x128xi32, #tpu.memory_space<vmem>> -> memref<128xi32, #tpu.memory_space<vmem>>
    tpu.vector_store_idx %scatter3A_348[%add3A_344], %add3A_334 : memref<128xi32, #tpu.memory_space<vmem>>[vector<16xi32>], vector<16xi32>,
    %get3A_349 = arith.constant 96 : index
    %get3A_350 = tpu.vector_load %arg6[%get3A_349] {strides = array<i32>} : memref<512xi32, #tpu.memory_space<vmem>>, vector<16xi32>,
    %shift_right_arithmetic3A_351 = arith.constant 13 : i32
    %shift_right_arithmetic3A_352 = vector.broadcast %shift_right_arithmetic3A_351 : i32 to vector<16xi32>
    %shift_right_arithmetic3A_353 = arith.shrsi %get3A_350, %shift_right_arithmetic3A_352 : vector<16xi32>
    %shift_left3A_354 = arith.constant 13 : i32
    %shift_left3A_355 = vector.broadcast %shift_left3A_354 : i32 to vector<16xi32>
    %shift_left3A_356 = arith.shli %shift_right_arithmetic3A_353, %shift_left3A_355 : vector<16xi32>
    %and3A_357 = arith.constant 4095 : i32
    %and3A_358 = vector.broadcast %and3A_357 : i32 to vector<16xi32>
    %and3A_359 = arith.andi %get3A_350, %and3A_358 : vector<16xi32>
    %shift_left3A_360 = arith.constant 1 : i32
    %shift_left3A_361 = vector.broadcast %shift_left3A_360 : i32 to vector<16xi32>
    %shift_left3A_362 = arith.shli %and3A_359, %shift_left3A_361 : vector<16xi32>
    %add3A_363 = arith.addi %shift_left3A_356, %shift_left3A_362 : vector<16xi32>
    %shift_right_arithmetic3A_364 = arith.constant 12 : i32
    %shift_right_arithmetic3A_365 = vector.broadcast %shift_right_arithmetic3A_364 : i32 to vector<16xi32>
    %shift_right_arithmetic3A_366 = arith.shrsi %get3A_350, %shift_right_arithmetic3A_365 : vector<16xi32>
    %and3A_367 = arith.constant 1 : i32
    %and3A_368 = vector.broadcast %and3A_367 : i32 to vector<16xi32>
    %and3A_369 = arith.andi %shift_right_arithmetic3A_366, %and3A_368 : vector<16xi32>
    %add3A_370 = arith.addi %add3A_363, %and3A_369 : vector<16xi32>
    %get3A_371 = arith.constant 96 : index
    %get3A_372 = tpu.vector_load %arg7[%get3A_371] {strides = array<i32>} : memref<512xi32, #tpu.memory_space<vmem>>, vector<16xi32>,
    %shift_right_arithmetic3A_373 = arith.constant 13 : i32
    %shift_right_arithmetic3A_374 = vector.broadcast %shift_right_arithmetic3A_373 : i32 to vector<16xi32>
    %shift_right_arithmetic3A_375 = arith.shrsi %get3A_372, %shift_right_arithmetic3A_374 : vector<16xi32>
    %shift_left3A_376 = arith.constant 13 : i32
    %shift_left3A_377 = vector.broadcast %shift_left3A_376 : i32 to vector<16xi32>
    %shift_left3A_378 = arith.shli %shift_right_arithmetic3A_375, %shift_left3A_377 : vector<16xi32>
    %and3A_379 = arith.constant 4095 : i32
    %and3A_380 = vector.broadcast %and3A_379 : i32 to vector<16xi32>
    %and3A_381 = arith.andi %get3A_372, %and3A_380 : vector<16xi32>
    %shift_left3A_382 = arith.constant 1 : i32
    %shift_left3A_383 = vector.broadcast %shift_left3A_382 : i32 to vector<16xi32>
    %shift_left3A_384 = arith.shli %and3A_381, %shift_left3A_383 : vector<16xi32>
    %add3A_385 = arith.addi %shift_left3A_378, %shift_left3A_384 : vector<16xi32>
    %shift_right_arithmetic3A_386 = arith.constant 12 : i32
    %shift_right_arithmetic3A_387 = vector.broadcast %shift_right_arithmetic3A_386 : i32 to vector<16xi32>
    %shift_right_arithmetic3A_388 = arith.shrsi %get3A_372, %shift_right_arithmetic3A_387 : vector<16xi32>
    %and3A_389 = arith.constant 1 : i32
    %and3A_390 = vector.broadcast %and3A_389 : i32 to vector<16xi32>
    %and3A_391 = arith.andi %shift_right_arithmetic3A_388, %and3A_390 : vector<16xi32>
    %add3A_392 = arith.addi %add3A_385, %and3A_391 : vector<16xi32>
    %add3A_393 = arith.constant 64 : i32
    %add3A_394 = vector.broadcast %add3A_393 : i32 to vector<16xi32>
    %add3A_395 = arith.addi %add3A_394, %mul3A_5 : vector<16xi32>
    %scatter3A_396 = arith.constant 1 : i32
    %scatter3A_397 = arith.constant 0 : i32
    %scatter3A_398 = tpu.memref_slice %arg8[%scatter3A_396, %scatter3A_397] : memref<8x128xi32, #tpu.memory_space<vmem>> -> memref<1x128xi32, #tpu.memory_space<vmem>>
    %scatter3A_399 = tpu.memref_squeeze %scatter3A_398 : memref<1x128xi32, #tpu.memory_space<vmem>> -> memref<128xi32, #tpu.memory_space<vmem>>
    tpu.vector_store_idx %scatter3A_399[%add3A_395], %add3A_370 : memref<128xi32, #tpu.memory_space<vmem>>[vector<16xi32>], vector<16xi32>,
    %add3A_400 = arith.constant 65 : i32
    %add3A_401 = vector.broadcast %add3A_400 : i32 to vector<16xi32>
    %add3A_402 = arith.addi %add3A_401, %mul3A_5 : vector<16xi32>
    %scatter3A_403 = arith.constant 1 : i32
    %scatter3A_404 = arith.constant 0 : i32
    %scatter3A_405 = tpu.memref_slice %arg8[%scatter3A_403, %scatter3A_404] : memref<8x128xi32, #tpu.memory_space<vmem>> -> memref<1x128xi32, #tpu.memory_space<vmem>>
    %scatter3A_406 = tpu.memref_squeeze %scatter3A_405 : memref<1x128xi32, #tpu.memory_space<vmem>> -> memref<128xi32, #tpu.memory_space<vmem>>
    tpu.vector_store_idx %scatter3A_406[%add3A_402], %add3A_392 : memref<128xi32, #tpu.memory_space<vmem>>[vector<16xi32>], vector<16xi32>,
    %get3A_407 = arith.constant 112 : index
    %get3A_408 = tpu.vector_load %arg6[%get3A_407] {strides = array<i32>} : memref<512xi32, #tpu.memory_space<vmem>>, vector<16xi32>,
    %shift_right_arithmetic3A_409 = arith.constant 13 : i32
    %shift_right_arithmetic3A_410 = vector.broadcast %shift_right_arithmetic3A_409 : i32 to vector<16xi32>
    %shift_right_arithmetic3A_411 = arith.shrsi %get3A_408, %shift_right_arithmetic3A_410 : vector<16xi32>
    %shift_left3A_412 = arith.constant 13 : i32
    %shift_left3A_413 = vector.broadcast %shift_left3A_412 : i32 to vector<16xi32>
    %shift_left3A_414 = arith.shli %shift_right_arithmetic3A_411, %shift_left3A_413 : vector<16xi32>
    %and3A_415 = arith.constant 4095 : i32
    %and3A_416 = vector.broadcast %and3A_415 : i32 to vector<16xi32>
    %and3A_417 = arith.andi %get3A_408, %and3A_416 : vector<16xi32>
    %shift_left3A_418 = arith.constant 1 : i32
    %shift_left3A_419 = vector.broadcast %shift_left3A_418 : i32 to vector<16xi32>
    %shift_left3A_420 = arith.shli %and3A_417, %shift_left3A_419 : vector<16xi32>
    %add3A_421 = arith.addi %shift_left3A_414, %shift_left3A_420 : vector<16xi32>
    %shift_right_arithmetic3A_422 = arith.constant 12 : i32
    %shift_right_arithmetic3A_423 = vector.broadcast %shift_right_arithmetic3A_422 : i32 to vector<16xi32>
    %shift_right_arithmetic3A_424 = arith.shrsi %get3A_408, %shift_right_arithmetic3A_423 : vector<16xi32>
    %and3A_425 = arith.constant 1 : i32
    %and3A_426 = vector.broadcast %and3A_425 : i32 to vector<16xi32>
    %and3A_427 = arith.andi %shift_right_arithmetic3A_424, %and3A_426 : vector<16xi32>
    %add3A_428 = arith.addi %add3A_421, %and3A_427 : vector<16xi32>
    %get3A_429 = arith.constant 112 : index
    %get3A_430 = tpu.vector_load %arg7[%get3A_429] {strides = array<i32>} : memref<512xi32, #tpu.memory_space<vmem>>, vector<16xi32>,
    %shift_right_arithmetic3A_431 = arith.constant 13 : i32
    %shift_right_arithmetic3A_432 = vector.broadcast %shift_right_arithmetic3A_431 : i32 to vector<16xi32>
    %shift_right_arithmetic3A_433 = arith.shrsi %get3A_430, %shift_right_arithmetic3A_432 : vector<16xi32>
    %shift_left3A_434 = arith.constant 13 : i32
    %shift_left3A_435 = vector.broadcast %shift_left3A_434 : i32 to vector<16xi32>
    %shift_left3A_436 = arith.shli %shift_right_arithmetic3A_433, %shift_left3A_435 : vector<16xi32>
    %and3A_437 = arith.constant 4095 : i32
    %and3A_438 = vector.broadcast %and3A_437 : i32 to vector<16xi32>
    %and3A_439 = arith.andi %get3A_430, %and3A_438 : vector<16xi32>
    %shift_left3A_440 = arith.constant 1 : i32
    %shift_left3A_441 = vector.broadcast %shift_left3A_440 : i32 to vector<16xi32>
    %shift_left3A_442 = arith.shli %and3A_439, %shift_left3A_441 : vector<16xi32>
    %add3A_443 = arith.addi %shift_left3A_436, %shift_left3A_442 : vector<16xi32>
    %shift_right_arithmetic3A_444 = arith.constant 12 : i32
    %shift_right_arithmetic3A_445 = vector.broadcast %shift_right_arithmetic3A_444 : i32 to vector<16xi32>
    %shift_right_arithmetic3A_446 = arith.shrsi %get3A_430, %shift_right_arithmetic3A_445 : vector<16xi32>
    %and3A_447 = arith.constant 1 : i32
    %and3A_448 = vector.broadcast %and3A_447 : i32 to vector<16xi32>
    %and3A_449 = arith.andi %shift_right_arithmetic3A_446, %and3A_448 : vector<16xi32>
    %add3A_450 = arith.addi %add3A_443, %and3A_449 : vector<16xi32>
    %add3A_451 = arith.constant 96 : i32
    %add3A_452 = vector.broadcast %add3A_451 : i32 to vector<16xi32>
    %add3A_453 = arith.addi %add3A_452, %mul3A_5 : vector<16xi32>
    %scatter3A_454 = arith.constant 1 : i32
    %scatter3A_455 = arith.constant 0 : i32
    %scatter3A_456 = tpu.memref_slice %arg8[%scatter3A_454, %scatter3A_455] : memref<8x128xi32, #tpu.memory_space<vmem>> -> memref<1x128xi32, #tpu.memory_space<vmem>>
    %scatter3A_457 = tpu.memref_squeeze %scatter3A_456 : memref<1x128xi32, #tpu.memory_space<vmem>> -> memref<128xi32, #tpu.memory_space<vmem>>
    tpu.vector_store_idx %scatter3A_457[%add3A_453], %add3A_428 : memref<128xi32, #tpu.memory_space<vmem>>[vector<16xi32>], vector<16xi32>,
    %add3A_458 = arith.constant 97 : i32
    %add3A_459 = vector.broadcast %add3A_458 : i32 to vector<16xi32>
    %add3A_460 = arith.addi %add3A_459, %mul3A_5 : vector<16xi32>
    %scatter3A_461 = arith.constant 1 : i32
    %scatter3A_462 = arith.constant 0 : i32
    %scatter3A_463 = tpu.memref_slice %arg8[%scatter3A_461, %scatter3A_462] : memref<8x128xi32, #tpu.memory_space<vmem>> -> memref<1x128xi32, #tpu.memory_space<vmem>>
    %scatter3A_464 = tpu.memref_squeeze %scatter3A_463 : memref<1x128xi32, #tpu.memory_space<vmem>> -> memref<128xi32, #tpu.memory_space<vmem>>
    tpu.vector_store_idx %scatter3A_464[%add3A_460], %add3A_450 : memref<128xi32, #tpu.memory_space<vmem>>[vector<16xi32>], vector<16xi32>,
    %get3A_465 = arith.constant 128 : index
    %get3A_466 = tpu.vector_load %arg6[%get3A_465] {strides = array<i32>} : memref<512xi32, #tpu.memory_space<vmem>>, vector<16xi32>,
    %shift_right_arithmetic3A_467 = arith.constant 13 : i32
    %shift_right_arithmetic3A_468 = vector.broadcast %shift_right_arithmetic3A_467 : i32 to vector<16xi32>
    %shift_right_arithmetic3A_469 = arith.shrsi %get3A_466, %shift_right_arithmetic3A_468 : vector<16xi32>
    %shift_left3A_470 = arith.constant 13 : i32
    %shift_left3A_471 = vector.broadcast %shift_left3A_470 : i32 to vector<16xi32>
    %shift_left3A_472 = arith.shli %shift_right_arithmetic3A_469, %shift_left3A_471 : vector<16xi32>
    %and3A_473 = arith.constant 4095 : i32
    %and3A_474 = vector.broadcast %and3A_473 : i32 to vector<16xi32>
    %and3A_475 = arith.andi %get3A_466, %and3A_474 : vector<16xi32>
    %shift_left3A_476 = arith.constant 1 : i32
    %shift_left3A_477 = vector.broadcast %shift_left3A_476 : i32 to vector<16xi32>
    %shift_left3A_478 = arith.shli %and3A_475, %shift_left3A_477 : vector<16xi32>
    %add3A_479 = arith.addi %shift_left3A_472, %shift_left3A_478 : vector<16xi32>
    %shift_right_arithmetic3A_480 = arith.constant 12 : i32
    %shift_right_arithmetic3A_481 = vector.broadcast %shift_right_arithmetic3A_480 : i32 to vector<16xi32>
    %shift_right_arithmetic3A_482 = arith.shrsi %get3A_466, %shift_right_arithmetic3A_481 : vector<16xi32>
    %and3A_483 = arith.constant 1 : i32
    %and3A_484 = vector.broadcast %and3A_483 : i32 to vector<16xi32>
    %and3A_485 = arith.andi %shift_right_arithmetic3A_482, %and3A_484 : vector<16xi32>
    %add3A_486 = arith.addi %add3A_479, %and3A_485 : vector<16xi32>
    %get3A_487 = arith.constant 128 : index
    %get3A_488 = tpu.vector_load %arg7[%get3A_487] {strides = array<i32>} : memref<512xi32, #tpu.memory_space<vmem>>, vector<16xi32>,
    %shift_right_arithmetic3A_489 = arith.constant 13 : i32
    %shift_right_arithmetic3A_490 = vector.broadcast %shift_right_arithmetic3A_489 : i32 to vector<16xi32>
    %shift_right_arithmetic3A_491 = arith.shrsi %get3A_488, %shift_right_arithmetic3A_490 : vector<16xi32>
    %shift_left3A_492 = arith.constant 13 : i32
    %shift_left3A_493 = vector.broadcast %shift_left3A_492 : i32 to vector<16xi32>
    %shift_left3A_494 = arith.shli %shift_right_arithmetic3A_491, %shift_left3A_493 : vector<16xi32>
    %and3A_495 = arith.constant 4095 : i32
    %and3A_496 = vector.broadcast %and3A_495 : i32 to vector<16xi32>
    %and3A_497 = arith.andi %get3A_488, %and3A_496 : vector<16xi32>
    %shift_left3A_498 = arith.constant 1 : i32
    %shift_left3A_499 = vector.broadcast %shift_left3A_498 : i32 to vector<16xi32>
    %shift_left3A_500 = arith.shli %and3A_497, %shift_left3A_499 : vector<16xi32>
    %add3A_501 = arith.addi %shift_left3A_494, %shift_left3A_500 : vector<16xi32>
    %shift_right_arithmetic3A_502 = arith.constant 12 : i32
    %shift_right_arithmetic3A_503 = vector.broadcast %shift_right_arithmetic3A_502 : i32 to vector<16xi32>
    %shift_right_arithmetic3A_504 = arith.shrsi %get3A_488, %shift_right_arithmetic3A_503 : vector<16xi32>
    %and3A_505 = arith.constant 1 : i32
    %and3A_506 = vector.broadcast %and3A_505 : i32 to vector<16xi32>
    %and3A_507 = arith.andi %shift_right_arithmetic3A_504, %and3A_506 : vector<16xi32>
    %add3A_508 = arith.addi %add3A_501, %and3A_507 : vector<16xi32>
    %add3A_509 = arith.constant 0 : i32
    %add3A_510 = vector.broadcast %add3A_509 : i32 to vector<16xi32>
    %add3A_511 = arith.addi %add3A_510, %mul3A_5 : vector<16xi32>
    %scatter3A_512 = arith.constant 2 : i32
    %scatter3A_513 = arith.constant 0 : i32
    %scatter3A_514 = tpu.memref_slice %arg8[%scatter3A_512, %scatter3A_513] : memref<8x128xi32, #tpu.memory_space<vmem>> -> memref<1x128xi32, #tpu.memory_space<vmem>>
    %scatter3A_515 = tpu.memref_squeeze %scatter3A_514 : memref<1x128xi32, #tpu.memory_space<vmem>> -> memref<128xi32, #tpu.memory_space<vmem>>
    tpu.vector_store_idx %scatter3A_515[%add3A_511], %add3A_486 : memref<128xi32, #tpu.memory_space<vmem>>[vector<16xi32>], vector<16xi32>,
    %add3A_516 = arith.constant 1 : i32
    %add3A_517 = vector.broadcast %add3A_516 : i32 to vector<16xi32>
    %add3A_518 = arith.addi %add3A_517, %mul3A_5 : vector<16xi32>
    %scatter3A_519 = arith.constant 2 : i32
    %scatter3A_520 = arith.constant 0 : i32
    %scatter3A_521 = tpu.memref_slice %arg8[%scatter3A_519, %scatter3A_520] : memref<8x128xi32, #tpu.memory_space<vmem>> -> memref<1x128xi32, #tpu.memory_space<vmem>>
    %scatter3A_522 = tpu.memref_squeeze %scatter3A_521 : memref<1x128xi32, #tpu.memory_space<vmem>> -> memref<128xi32, #tpu.memory_space<vmem>>
    tpu.vector_store_idx %scatter3A_522[%add3A_518], %add3A_508 : memref<128xi32, #tpu.memory_space<vmem>>[vector<16xi32>], vector<16xi32>,
    %get3A_523 = arith.constant 144 : index
    %get3A_524 = tpu.vector_load %arg6[%get3A_523] {strides = array<i32>} : memref<512xi32, #tpu.memory_space<vmem>>, vector<16xi32>,
    %shift_right_arithmetic3A_525 = arith.constant 13 : i32
    %shift_right_arithmetic3A_526 = vector.broadcast %shift_right_arithmetic3A_525 : i32 to vector<16xi32>
    %shift_right_arithmetic3A_527 = arith.shrsi %get3A_524, %shift_right_arithmetic3A_526 : vector<16xi32>
    %shift_left3A_528 = arith.constant 13 : i32
    %shift_left3A_529 = vector.broadcast %shift_left3A_528 : i32 to vector<16xi32>
    %shift_left3A_530 = arith.shli %shift_right_arithmetic3A_527, %shift_left3A_529 : vector<16xi32>
    %and3A_531 = arith.constant 4095 : i32
    %and3A_532 = vector.broadcast %and3A_531 : i32 to vector<16xi32>
    %and3A_533 = arith.andi %get3A_524, %and3A_532 : vector<16xi32>
    %shift_left3A_534 = arith.constant 1 : i32
    %shift_left3A_535 = vector.broadcast %shift_left3A_534 : i32 to vector<16xi32>
    %shift_left3A_536 = arith.shli %and3A_533, %shift_left3A_535 : vector<16xi32>
    %add3A_537 = arith.addi %shift_left3A_530, %shift_left3A_536 : vector<16xi32>
    %shift_right_arithmetic3A_538 = arith.constant 12 : i32
    %shift_right_arithmetic3A_539 = vector.broadcast %shift_right_arithmetic3A_538 : i32 to vector<16xi32>
    %shift_right_arithmetic3A_540 = arith.shrsi %get3A_524, %shift_right_arithmetic3A_539 : vector<16xi32>
    %and3A_541 = arith.constant 1 : i32
    %and3A_542 = vector.broadcast %and3A_541 : i32 to vector<16xi32>
    %and3A_543 = arith.andi %shift_right_arithmetic3A_540, %and3A_542 : vector<16xi32>
    %add3A_544 = arith.addi %add3A_537, %and3A_543 : vector<16xi32>
    %get3A_545 = arith.constant 144 : index
    %get3A_546 = tpu.vector_load %arg7[%get3A_545] {strides = array<i32>} : memref<512xi32, #tpu.memory_space<vmem>>, vector<16xi32>,
    %shift_right_arithmetic3A_547 = arith.constant 13 : i32
    %shift_right_arithmetic3A_548 = vector.broadcast %shift_right_arithmetic3A_547 : i32 to vector<16xi32>
    %shift_right_arithmetic3A_549 = arith.shrsi %get3A_546, %shift_right_arithmetic3A_548 : vector<16xi32>
    %shift_left3A_550 = arith.constant 13 : i32
    %shift_left3A_551 = vector.broadcast %shift_left3A_550 : i32 to vector<16xi32>
    %shift_left3A_552 = arith.shli %shift_right_arithmetic3A_549, %shift_left3A_551 : vector<16xi32>
    %and3A_553 = arith.constant 4095 : i32
    %and3A_554 = vector.broadcast %and3A_553 : i32 to vector<16xi32>
    %and3A_555 = arith.andi %get3A_546, %and3A_554 : vector<16xi32>
    %shift_left3A_556 = arith.constant 1 : i32
    %shift_left3A_557 = vector.broadcast %shift_left3A_556 : i32 to vector<16xi32>
    %shift_left3A_558 = arith.shli %and3A_555, %shift_left3A_557 : vector<16xi32>
    %add3A_559 = arith.addi %shift_left3A_552, %shift_left3A_558 : vector<16xi32>
    %shift_right_arithmetic3A_560 = arith.constant 12 : i32
    %shift_right_arithmetic3A_561 = vector.broadcast %shift_right_arithmetic3A_560 : i32 to vector<16xi32>
    %shift_right_arithmetic3A_562 = arith.shrsi %get3A_546, %shift_right_arithmetic3A_561 : vector<16xi32>
    %and3A_563 = arith.constant 1 : i32
    %and3A_564 = vector.broadcast %and3A_563 : i32 to vector<16xi32>
    %and3A_565 = arith.andi %shift_right_arithmetic3A_562, %and3A_564 : vector<16xi32>
    %add3A_566 = arith.addi %add3A_559, %and3A_565 : vector<16xi32>
    %add3A_567 = arith.constant 32 : i32
    %add3A_568 = vector.broadcast %add3A_567 : i32 to vector<16xi32>
    %add3A_569 = arith.addi %add3A_568, %mul3A_5 : vector<16xi32>
    %scatter3A_570 = arith.constant 2 : i32
    %scatter3A_571 = arith.constant 0 : i32
    %scatter3A_572 = tpu.memref_slice %arg8[%scatter3A_570, %scatter3A_571] : memref<8x128xi32, #tpu.memory_space<vmem>> -> memref<1x128xi32, #tpu.memory_space<vmem>>
    %scatter3A_573 = tpu.memref_squeeze %scatter3A_572 : memref<1x128xi32, #tpu.memory_space<vmem>> -> memref<128xi32, #tpu.memory_space<vmem>>
    tpu.vector_store_idx %scatter3A_573[%add3A_569], %add3A_544 : memref<128xi32, #tpu.memory_space<vmem>>[vector<16xi32>], vector<16xi32>,
    %add3A_574 = arith.constant 33 : i32
    %add3A_575 = vector.broadcast %add3A_574 : i32 to vector<16xi32>
    %add3A_576 = arith.addi %add3A_575, %mul3A_5 : vector<16xi32>
    %scatter3A_577 = arith.constant 2 : i32
    %scatter3A_578 = arith.constant 0 : i32
    %scatter3A_579 = tpu.memref_slice %arg8[%scatter3A_577, %scatter3A_578] : memref<8x128xi32, #tpu.memory_space<vmem>> -> memref<1x128xi32, #tpu.memory_space<vmem>>
    %scatter3A_580 = tpu.memref_squeeze %scatter3A_579 : memref<1x128xi32, #tpu.memory_space<vmem>> -> memref<128xi32, #tpu.memory_space<vmem>>
    tpu.vector_store_idx %scatter3A_580[%add3A_576], %add3A_566 : memref<128xi32, #tpu.memory_space<vmem>>[vector<16xi32>], vector<16xi32>,
    %get3A_581 = arith.constant 160 : index
    %get3A_582 = tpu.vector_load %arg6[%get3A_581] {strides = array<i32>} : memref<512xi32, #tpu.memory_space<vmem>>, vector<16xi32>,
    %shift_right_arithmetic3A_583 = arith.constant 13 : i32
    %shift_right_arithmetic3A_584 = vector.broadcast %shift_right_arithmetic3A_583 : i32 to vector<16xi32>
    %shift_right_arithmetic3A_585 = arith.shrsi %get3A_582, %shift_right_arithmetic3A_584 : vector<16xi32>
    %shift_left3A_586 = arith.constant 13 : i32
    %shift_left3A_587 = vector.broadcast %shift_left3A_586 : i32 to vector<16xi32>
    %shift_left3A_588 = arith.shli %shift_right_arithmetic3A_585, %shift_left3A_587 : vector<16xi32>
    %and3A_589 = arith.constant 4095 : i32
    %and3A_590 = vector.broadcast %and3A_589 : i32 to vector<16xi32>
    %and3A_591 = arith.andi %get3A_582, %and3A_590 : vector<16xi32>
    %shift_left3A_592 = arith.constant 1 : i32
    %shift_left3A_593 = vector.broadcast %shift_left3A_592 : i32 to vector<16xi32>
    %shift_left3A_594 = arith.shli %and3A_591, %shift_left3A_593 : vector<16xi32>
    %add3A_595 = arith.addi %shift_left3A_588, %shift_left3A_594 : vector<16xi32>
    %shift_right_arithmetic3A_596 = arith.constant 12 : i32
    %shift_right_arithmetic3A_597 = vector.broadcast %shift_right_arithmetic3A_596 : i32 to vector<16xi32>
    %shift_right_arithmetic3A_598 = arith.shrsi %get3A_582, %shift_right_arithmetic3A_597 : vector<16xi32>
    %and3A_599 = arith.constant 1 : i32
    %and3A_600 = vector.broadcast %and3A_599 : i32 to vector<16xi32>
    %and3A_601 = arith.andi %shift_right_arithmetic3A_598, %and3A_600 : vector<16xi32>
    %add3A_602 = arith.addi %add3A_595, %and3A_601 : vector<16xi32>
    %get3A_603 = arith.constant 160 : index
    %get3A_604 = tpu.vector_load %arg7[%get3A_603] {strides = array<i32>} : memref<512xi32, #tpu.memory_space<vmem>>, vector<16xi32>,
    %shift_right_arithmetic3A_605 = arith.constant 13 : i32
    %shift_right_arithmetic3A_606 = vector.broadcast %shift_right_arithmetic3A_605 : i32 to vector<16xi32>
    %shift_right_arithmetic3A_607 = arith.shrsi %get3A_604, %shift_right_arithmetic3A_606 : vector<16xi32>
    %shift_left3A_608 = arith.constant 13 : i32
    %shift_left3A_609 = vector.broadcast %shift_left3A_608 : i32 to vector<16xi32>
    %shift_left3A_610 = arith.shli %shift_right_arithmetic3A_607, %shift_left3A_609 : vector<16xi32>
    %and3A_611 = arith.constant 4095 : i32
    %and3A_612 = vector.broadcast %and3A_611 : i32 to vector<16xi32>
    %and3A_613 = arith.andi %get3A_604, %and3A_612 : vector<16xi32>
    %shift_left3A_614 = arith.constant 1 : i32
    %shift_left3A_615 = vector.broadcast %shift_left3A_614 : i32 to vector<16xi32>
    %shift_left3A_616 = arith.shli %and3A_613, %shift_left3A_615 : vector<16xi32>
    %add3A_617 = arith.addi %shift_left3A_610, %shift_left3A_616 : vector<16xi32>
    %shift_right_arithmetic3A_618 = arith.constant 12 : i32
    %shift_right_arithmetic3A_619 = vector.broadcast %shift_right_arithmetic3A_618 : i32 to vector<16xi32>
    %shift_right_arithmetic3A_620 = arith.shrsi %get3A_604, %shift_right_arithmetic3A_619 : vector<16xi32>
    %and3A_621 = arith.constant 1 : i32
    %and3A_622 = vector.broadcast %and3A_621 : i32 to vector<16xi32>
    %and3A_623 = arith.andi %shift_right_arithmetic3A_620, %and3A_622 : vector<16xi32>
    %add3A_624 = arith.addi %add3A_617, %and3A_623 : vector<16xi32>
    %add3A_625 = arith.constant 64 : i32
    %add3A_626 = vector.broadcast %add3A_625 : i32 to vector<16xi32>
    %add3A_627 = arith.addi %add3A_626, %mul3A_5 : vector<16xi32>
    %scatter3A_628 = arith.constant 2 : i32
    %scatter3A_629 = arith.constant 0 : i32
    %scatter3A_630 = tpu.memref_slice %arg8[%scatter3A_628, %scatter3A_629] : memref<8x128xi32, #tpu.memory_space<vmem>> -> memref<1x128xi32, #tpu.memory_space<vmem>>
    %scatter3A_631 = tpu.memref_squeeze %scatter3A_630 : memref<1x128xi32, #tpu.memory_space<vmem>> -> memref<128xi32, #tpu.memory_space<vmem>>
    tpu.vector_store_idx %scatter3A_631[%add3A_627], %add3A_602 : memref<128xi32, #tpu.memory_space<vmem>>[vector<16xi32>], vector<16xi32>,
    %add3A_632 = arith.constant 65 : i32
    %add3A_633 = vector.broadcast %add3A_632 : i32 to vector<16xi32>
    %add3A_634 = arith.addi %add3A_633, %mul3A_5 : vector<16xi32>
    %scatter3A_635 = arith.constant 2 : i32
    %scatter3A_636 = arith.constant 0 : i32
    %scatter3A_637 = tpu.memref_slice %arg8[%scatter3A_635, %scatter3A_636] : memref<8x128xi32, #tpu.memory_space<vmem>> -> memref<1x128xi32, #tpu.memory_space<vmem>>
    %scatter3A_638 = tpu.memref_squeeze %scatter3A_637 : memref<1x128xi32, #tpu.memory_space<vmem>> -> memref<128xi32, #tpu.memory_space<vmem>>
    tpu.vector_store_idx %scatter3A_638[%add3A_634], %add3A_624 : memref<128xi32, #tpu.memory_space<vmem>>[vector<16xi32>], vector<16xi32>,
    %get3A_639 = arith.constant 176 : index
    %get3A_640 = tpu.vector_load %arg6[%get3A_639] {strides = array<i32>} : memref<512xi32, #tpu.memory_space<vmem>>, vector<16xi32>,
    %shift_right_arithmetic3A_641 = arith.constant 13 : i32
    %shift_right_arithmetic3A_642 = vector.broadcast %shift_right_arithmetic3A_641 : i32 to vector<16xi32>
    %shift_right_arithmetic3A_643 = arith.shrsi %get3A_640, %shift_right_arithmetic3A_642 : vector<16xi32>
    %shift_left3A_644 = arith.constant 13 : i32
    %shift_left3A_645 = vector.broadcast %shift_left3A_644 : i32 to vector<16xi32>
    %shift_left3A_646 = arith.shli %shift_right_arithmetic3A_643, %shift_left3A_645 : vector<16xi32>
    %and3A_647 = arith.constant 4095 : i32
    %and3A_648 = vector.broadcast %and3A_647 : i32 to vector<16xi32>
    %and3A_649 = arith.andi %get3A_640, %and3A_648 : vector<16xi32>
    %shift_left3A_650 = arith.constant 1 : i32
    %shift_left3A_651 = vector.broadcast %shift_left3A_650 : i32 to vector<16xi32>
    %shift_left3A_652 = arith.shli %and3A_649, %shift_left3A_651 : vector<16xi32>
    %add3A_653 = arith.addi %shift_left3A_646, %shift_left3A_652 : vector<16xi32>
    %shift_right_arithmetic3A_654 = arith.constant 12 : i32
    %shift_right_arithmetic3A_655 = vector.broadcast %shift_right_arithmetic3A_654 : i32 to vector<16xi32>
    %shift_right_arithmetic3A_656 = arith.shrsi %get3A_640, %shift_right_arithmetic3A_655 : vector<16xi32>
    %and3A_657 = arith.constant 1 : i32
    %and3A_658 = vector.broadcast %and3A_657 : i32 to vector<16xi32>
    %and3A_659 = arith.andi %shift_right_arithmetic3A_656, %and3A_658 : vector<16xi32>
    %add3A_660 = arith.addi %add3A_653, %and3A_659 : vector<16xi32>
    %get3A_661 = arith.constant 176 : index
    %get3A_662 = tpu.vector_load %arg7[%get3A_661] {strides = array<i32>} : memref<512xi32, #tpu.memory_space<vmem>>, vector<16xi32>,
    %shift_right_arithmetic3A_663 = arith.constant 13 : i32
    %shift_right_arithmetic3A_664 = vector.broadcast %shift_right_arithmetic3A_663 : i32 to vector<16xi32>
    %shift_right_arithmetic3A_665 = arith.shrsi %get3A_662, %shift_right_arithmetic3A_664 : vector<16xi32>
    %shift_left3A_666 = arith.constant 13 : i32
    %shift_left3A_667 = vector.broadcast %shift_left3A_666 : i32 to vector<16xi32>
    %shift_left3A_668 = arith.shli %shift_right_arithmetic3A_665, %shift_left3A_667 : vector<16xi32>
    %and3A_669 = arith.constant 4095 : i32
    %and3A_670 = vector.broadcast %and3A_669 : i32 to vector<16xi32>
    %and3A_671 = arith.andi %get3A_662, %and3A_670 : vector<16xi32>
    %shift_left3A_672 = arith.constant 1 : i32
    %shift_left3A_673 = vector.broadcast %shift_left3A_672 : i32 to vector<16xi32>
    %shift_left3A_674 = arith.shli %and3A_671, %shift_left3A_673 : vector<16xi32>
    %add3A_675 = arith.addi %shift_left3A_668, %shift_left3A_674 : vector<16xi32>
    %shift_right_arithmetic3A_676 = arith.constant 12 : i32
    %shift_right_arithmetic3A_677 = vector.broadcast %shift_right_arithmetic3A_676 : i32 to vector<16xi32>
    %shift_right_arithmetic3A_678 = arith.shrsi %get3A_662, %shift_right_arithmetic3A_677 : vector<16xi32>
    %and3A_679 = arith.constant 1 : i32
    %and3A_680 = vector.broadcast %and3A_679 : i32 to vector<16xi32>
    %and3A_681 = arith.andi %shift_right_arithmetic3A_678, %and3A_680 : vector<16xi32>
    %add3A_682 = arith.addi %add3A_675, %and3A_681 : vector<16xi32>
    %add3A_683 = arith.constant 96 : i32
    %add3A_684 = vector.broadcast %add3A_683 : i32 to vector<16xi32>
    %add3A_685 = arith.addi %add3A_684, %mul3A_5 : vector<16xi32>
    %scatter3A_686 = arith.constant 2 : i32
    %scatter3A_687 = arith.constant 0 : i32
    %scatter3A_688 = tpu.memref_slice %arg8[%scatter3A_686, %scatter3A_687] : memref<8x128xi32, #tpu.memory_space<vmem>> -> memref<1x128xi32, #tpu.memory_space<vmem>>
    %scatter3A_689 = tpu.memref_squeeze %scatter3A_688 : memref<1x128xi32, #tpu.memory_space<vmem>> -> memref<128xi32, #tpu.memory_space<vmem>>
    tpu.vector_store_idx %scatter3A_689[%add3A_685], %add3A_660 : memref<128xi32, #tpu.memory_space<vmem>>[vector<16xi32>], vector<16xi32>,
    %add3A_690 = arith.constant 97 : i32
    %add3A_691 = vector.broadcast %add3A_690 : i32 to vector<16xi32>
    %add3A_692 = arith.addi %add3A_691, %mul3A_5 : vector<16xi32>
    %scatter3A_693 = arith.constant 2 : i32
    %scatter3A_694 = arith.constant 0 : i32
    %scatter3A_695 = tpu.memref_slice %arg8[%scatter3A_693, %scatter3A_694] : memref<8x128xi32, #tpu.memory_space<vmem>> -> memref<1x128xi32, #tpu.memory_space<vmem>>
    %scatter3A_696 = tpu.memref_squeeze %scatter3A_695 : memref<1x128xi32, #tpu.memory_space<vmem>> -> memref<128xi32, #tpu.memory_space<vmem>>
    tpu.vector_store_idx %scatter3A_696[%add3A_692], %add3A_682 : memref<128xi32, #tpu.memory_space<vmem>>[vector<16xi32>], vector<16xi32>,
    %get3A_697 = arith.constant 192 : index
    %get3A_698 = tpu.vector_load %arg6[%get3A_697] {strides = array<i32>} : memref<512xi32, #tpu.memory_space<vmem>>, vector<16xi32>,
    %shift_right_arithmetic3A_699 = arith.constant 13 : i32
    %shift_right_arithmetic3A_700 = vector.broadcast %shift_right_arithmetic3A_699 : i32 to vector<16xi32>
    %shift_right_arithmetic3A_701 = arith.shrsi %get3A_698, %shift_right_arithmetic3A_700 : vector<16xi32>
    %shift_left3A_702 = arith.constant 13 : i32
    %shift_left3A_703 = vector.broadcast %shift_left3A_702 : i32 to vector<16xi32>
    %shift_left3A_704 = arith.shli %shift_right_arithmetic3A_701, %shift_left3A_703 : vector<16xi32>
    %and3A_705 = arith.constant 4095 : i32
    %and3A_706 = vector.broadcast %and3A_705 : i32 to vector<16xi32>
    %and3A_707 = arith.andi %get3A_698, %and3A_706 : vector<16xi32>
    %shift_left3A_708 = arith.constant 1 : i32
    %shift_left3A_709 = vector.broadcast %shift_left3A_708 : i32 to vector<16xi32>
    %shift_left3A_710 = arith.shli %and3A_707, %shift_left3A_709 : vector<16xi32>
    %add3A_711 = arith.addi %shift_left3A_704, %shift_left3A_710 : vector<16xi32>
    %shift_right_arithmetic3A_712 = arith.constant 12 : i32
    %shift_right_arithmetic3A_713 = vector.broadcast %shift_right_arithmetic3A_712 : i32 to vector<16xi32>
    %shift_right_arithmetic3A_714 = arith.shrsi %get3A_698, %shift_right_arithmetic3A_713 : vector<16xi32>
    %and3A_715 = arith.constant 1 : i32
    %and3A_716 = vector.broadcast %and3A_715 : i32 to vector<16xi32>
    %and3A_717 = arith.andi %shift_right_arithmetic3A_714, %and3A_716 : vector<16xi32>
    %add3A_718 = arith.addi %add3A_711, %and3A_717 : vector<16xi32>
    %get3A_719 = arith.constant 192 : index
    %get3A_720 = tpu.vector_load %arg7[%get3A_719] {strides = array<i32>} : memref<512xi32, #tpu.memory_space<vmem>>, vector<16xi32>,
    %shift_right_arithmetic3A_721 = arith.constant 13 : i32
    %shift_right_arithmetic3A_722 = vector.broadcast %shift_right_arithmetic3A_721 : i32 to vector<16xi32>
    %shift_right_arithmetic3A_723 = arith.shrsi %get3A_720, %shift_right_arithmetic3A_722 : vector<16xi32>
    %shift_left3A_724 = arith.constant 13 : i32
    %shift_left3A_725 = vector.broadcast %shift_left3A_724 : i32 to vector<16xi32>
    %shift_left3A_726 = arith.shli %shift_right_arithmetic3A_723, %shift_left3A_725 : vector<16xi32>
    %and3A_727 = arith.constant 4095 : i32
    %and3A_728 = vector.broadcast %and3A_727 : i32 to vector<16xi32>
    %and3A_729 = arith.andi %get3A_720, %and3A_728 : vector<16xi32>
    %shift_left3A_730 = arith.constant 1 : i32
    %shift_left3A_731 = vector.broadcast %shift_left3A_730 : i32 to vector<16xi32>
    %shift_left3A_732 = arith.shli %and3A_729, %shift_left3A_731 : vector<16xi32>
    %add3A_733 = arith.addi %shift_left3A_726, %shift_left3A_732 : vector<16xi32>
    %shift_right_arithmetic3A_734 = arith.constant 12 : i32
    %shift_right_arithmetic3A_735 = vector.broadcast %shift_right_arithmetic3A_734 : i32 to vector<16xi32>
    %shift_right_arithmetic3A_736 = arith.shrsi %get3A_720, %shift_right_arithmetic3A_735 : vector<16xi32>
    %and3A_737 = arith.constant 1 : i32
    %and3A_738 = vector.broadcast %and3A_737 : i32 to vector<16xi32>
    %and3A_739 = arith.andi %shift_right_arithmetic3A_736, %and3A_738 : vector<16xi32>
    %add3A_740 = arith.addi %add3A_733, %and3A_739 : vector<16xi32>
    %add3A_741 = arith.constant 0 : i32
    %add3A_742 = vector.broadcast %add3A_741 : i32 to vector<16xi32>
    %add3A_743 = arith.addi %add3A_742, %mul3A_5 : vector<16xi32>
    %scatter3A_744 = arith.constant 3 : i32
    %scatter3A_745 = arith.constant 0 : i32
    %scatter3A_746 = tpu.memref_slice %arg8[%scatter3A_744, %scatter3A_745] : memref<8x128xi32, #tpu.memory_space<vmem>> -> memref<1x128xi32, #tpu.memory_space<vmem>>
    %scatter3A_747 = tpu.memref_squeeze %scatter3A_746 : memref<1x128xi32, #tpu.memory_space<vmem>> -> memref<128xi32, #tpu.memory_space<vmem>>
    tpu.vector_store_idx %scatter3A_747[%add3A_743], %add3A_718 : memref<128xi32, #tpu.memory_space<vmem>>[vector<16xi32>], vector<16xi32>,
    %add3A_748 = arith.constant 1 : i32
    %add3A_749 = vector.broadcast %add3A_748 : i32 to vector<16xi32>
    %add3A_750 = arith.addi %add3A_749, %mul3A_5 : vector<16xi32>
    %scatter3A_751 = arith.constant 3 : i32
    %scatter3A_752 = arith.constant 0 : i32
    %scatter3A_753 = tpu.memref_slice %arg8[%scatter3A_751, %scatter3A_752] : memref<8x128xi32, #tpu.memory_space<vmem>> -> memref<1x128xi32, #tpu.memory_space<vmem>>
    %scatter3A_754 = tpu.memref_squeeze %scatter3A_753 : memref<1x128xi32, #tpu.memory_space<vmem>> -> memref<128xi32, #tpu.memory_space<vmem>>
    tpu.vector_store_idx %scatter3A_754[%add3A_750], %add3A_740 : memref<128xi32, #tpu.memory_space<vmem>>[vector<16xi32>], vector<16xi32>,
    %get3A_755 = arith.constant 208 : index
    %get3A_756 = tpu.vector_load %arg6[%get3A_755] {strides = array<i32>} : memref<512xi32, #tpu.memory_space<vmem>>, vector<16xi32>,
    %shift_right_arithmetic3A_757 = arith.constant 13 : i32
    %shift_right_arithmetic3A_758 = vector.broadcast %shift_right_arithmetic3A_757 : i32 to vector<16xi32>
    %shift_right_arithmetic3A_759 = arith.shrsi %get3A_756, %shift_right_arithmetic3A_758 : vector<16xi32>
    %shift_left3A_760 = arith.constant 13 : i32
    %shift_left3A_761 = vector.broadcast %shift_left3A_760 : i32 to vector<16xi32>
    %shift_left3A_762 = arith.shli %shift_right_arithmetic3A_759, %shift_left3A_761 : vector<16xi32>
    %and3A_763 = arith.constant 4095 : i32
    %and3A_764 = vector.broadcast %and3A_763 : i32 to vector<16xi32>
    %and3A_765 = arith.andi %get3A_756, %and3A_764 : vector<16xi32>
    %shift_left3A_766 = arith.constant 1 : i32
    %shift_left3A_767 = vector.broadcast %shift_left3A_766 : i32 to vector<16xi32>
    %shift_left3A_768 = arith.shli %and3A_765, %shift_left3A_767 : vector<16xi32>
    %add3A_769 = arith.addi %shift_left3A_762, %shift_left3A_768 : vector<16xi32>
    %shift_right_arithmetic3A_770 = arith.constant 12 : i32
    %shift_right_arithmetic3A_771 = vector.broadcast %shift_right_arithmetic3A_770 : i32 to vector<16xi32>
    %shift_right_arithmetic3A_772 = arith.shrsi %get3A_756, %shift_right_arithmetic3A_771 : vector<16xi32>
    %and3A_773 = arith.constant 1 : i32
    %and3A_774 = vector.broadcast %and3A_773 : i32 to vector<16xi32>
    %and3A_775 = arith.andi %shift_right_arithmetic3A_772, %and3A_774 : vector<16xi32>
    %add3A_776 = arith.addi %add3A_769, %and3A_775 : vector<16xi32>
    %get3A_777 = arith.constant 208 : index
    %get3A_778 = tpu.vector_load %arg7[%get3A_777] {strides = array<i32>} : memref<512xi32, #tpu.memory_space<vmem>>, vector<16xi32>,
    %shift_right_arithmetic3A_779 = arith.constant 13 : i32
    %shift_right_arithmetic3A_780 = vector.broadcast %shift_right_arithmetic3A_779 : i32 to vector<16xi32>
    %shift_right_arithmetic3A_781 = arith.shrsi %get3A_778, %shift_right_arithmetic3A_780 : vector<16xi32>
    %shift_left3A_782 = arith.constant 13 : i32
    %shift_left3A_783 = vector.broadcast %shift_left3A_782 : i32 to vector<16xi32>
    %shift_left3A_784 = arith.shli %shift_right_arithmetic3A_781, %shift_left3A_783 : vector<16xi32>
    %and3A_785 = arith.constant 4095 : i32
    %and3A_786 = vector.broadcast %and3A_785 : i32 to vector<16xi32>
    %and3A_787 = arith.andi %get3A_778, %and3A_786 : vector<16xi32>
    %shift_left3A_788 = arith.constant 1 : i32
    %shift_left3A_789 = vector.broadcast %shift_left3A_788 : i32 to vector<16xi32>
    %shift_left3A_790 = arith.shli %and3A_787, %shift_left3A_789 : vector<16xi32>
    %add3A_791 = arith.addi %shift_left3A_784, %shift_left3A_790 : vector<16xi32>
    %shift_right_arithmetic3A_792 = arith.constant 12 : i32
    %shift_right_arithmetic3A_793 = vector.broadcast %shift_right_arithmetic3A_792 : i32 to vector<16xi32>
    %shift_right_arithmetic3A_794 = arith.shrsi %get3A_778, %shift_right_arithmetic3A_793 : vector<16xi32>
    %and3A_795 = arith.constant 1 : i32
    %and3A_796 = vector.broadcast %and3A_795 : i32 to vector<16xi32>
    %and3A_797 = arith.andi %shift_right_arithmetic3A_794, %and3A_796 : vector<16xi32>
    %add3A_798 = arith.addi %add3A_791, %and3A_797 : vector<16xi32>
    %add3A_799 = arith.constant 32 : i32
    %add3A_800 = vector.broadcast %add3A_799 : i32 to vector<16xi32>
    %add3A_801 = arith.addi %add3A_800, %mul3A_5 : vector<16xi32>
    %scatter3A_802 = arith.constant 3 : i32
    %scatter3A_803 = arith.constant 0 : i32
    %scatter3A_804 = tpu.memref_slice %arg8[%scatter3A_802, %scatter3A_803] : memref<8x128xi32, #tpu.memory_space<vmem>> -> memref<1x128xi32, #tpu.memory_space<vmem>>
    %scatter3A_805 = tpu.memref_squeeze %scatter3A_804 : memref<1x128xi32, #tpu.memory_space<vmem>> -> memref<128xi32, #tpu.memory_space<vmem>>
    tpu.vector_store_idx %scatter3A_805[%add3A_801], %add3A_776 : memref<128xi32, #tpu.memory_space<vmem>>[vector<16xi32>], vector<16xi32>,
    %add3A_806 = arith.constant 33 : i32
    %add3A_807 = vector.broadcast %add3A_806 : i32 to vector<16xi32>
    %add3A_808 = arith.addi %add3A_807, %mul3A_5 : vector<16xi32>
    %scatter3A_809 = arith.constant 3 : i32
    %scatter3A_810 = arith.constant 0 : i32
    %scatter3A_811 = tpu.memref_slice %arg8[%scatter3A_809, %scatter3A_810] : memref<8x128xi32, #tpu.memory_space<vmem>> -> memref<1x128xi32, #tpu.memory_space<vmem>>
    %scatter3A_812 = tpu.memref_squeeze %scatter3A_811 : memref<1x128xi32, #tpu.memory_space<vmem>> -> memref<128xi32, #tpu.memory_space<vmem>>
    tpu.vector_store_idx %scatter3A_812[%add3A_808], %add3A_798 : memref<128xi32, #tpu.memory_space<vmem>>[vector<16xi32>], vector<16xi32>,
    %get3A_813 = arith.constant 224 : index
    %get3A_814 = tpu.vector_load %arg6[%get3A_813] {strides = array<i32>} : memref<512xi32, #tpu.memory_space<vmem>>, vector<16xi32>,
    %shift_right_arithmetic3A_815 = arith.constant 13 : i32
    %shift_right_arithmetic3A_816 = vector.broadcast %shift_right_arithmetic3A_815 : i32 to vector<16xi32>
    %shift_right_arithmetic3A_817 = arith.shrsi %get3A_814, %shift_right_arithmetic3A_816 : vector<16xi32>
    %shift_left3A_818 = arith.constant 13 : i32
    %shift_left3A_819 = vector.broadcast %shift_left3A_818 : i32 to vector<16xi32>
    %shift_left3A_820 = arith.shli %shift_right_arithmetic3A_817, %shift_left3A_819 : vector<16xi32>
    %and3A_821 = arith.constant 4095 : i32
    %and3A_822 = vector.broadcast %and3A_821 : i32 to vector<16xi32>
    %and3A_823 = arith.andi %get3A_814, %and3A_822 : vector<16xi32>
    %shift_left3A_824 = arith.constant 1 : i32
    %shift_left3A_825 = vector.broadcast %shift_left3A_824 : i32 to vector<16xi32>
    %shift_left3A_826 = arith.shli %and3A_823, %shift_left3A_825 : vector<16xi32>
    %add3A_827 = arith.addi %shift_left3A_820, %shift_left3A_826 : vector<16xi32>
    %shift_right_arithmetic3A_828 = arith.constant 12 : i32
    %shift_right_arithmetic3A_829 = vector.broadcast %shift_right_arithmetic3A_828 : i32 to vector<16xi32>
    %shift_right_arithmetic3A_830 = arith.shrsi %get3A_814, %shift_right_arithmetic3A_829 : vector<16xi32>
    %and3A_831 = arith.constant 1 : i32
    %and3A_832 = vector.broadcast %and3A_831 : i32 to vector<16xi32>
    %and3A_833 = arith.andi %shift_right_arithmetic3A_830, %and3A_832 : vector<16xi32>
    %add3A_834 = arith.addi %add3A_827, %and3A_833 : vector<16xi32>
    %get3A_835 = arith.constant 224 : index
    %get3A_836 = tpu.vector_load %arg7[%get3A_835] {strides = array<i32>} : memref<512xi32, #tpu.memory_space<vmem>>, vector<16xi32>,
    %shift_right_arithmetic3A_837 = arith.constant 13 : i32
    %shift_right_arithmetic3A_838 = vector.broadcast %shift_right_arithmetic3A_837 : i32 to vector<16xi32>
    %shift_right_arithmetic3A_839 = arith.shrsi %get3A_836, %shift_right_arithmetic3A_838 : vector<16xi32>
    %shift_left3A_840 = arith.constant 13 : i32
    %shift_left3A_841 = vector.broadcast %shift_left3A_840 : i32 to vector<16xi32>
    %shift_left3A_842 = arith.shli %shift_right_arithmetic3A_839, %shift_left3A_841 : vector<16xi32>
    %and3A_843 = arith.constant 4095 : i32
    %and3A_844 = vector.broadcast %and3A_843 : i32 to vector<16xi32>
    %and3A_845 = arith.andi %get3A_836, %and3A_844 : vector<16xi32>
    %shift_left3A_846 = arith.constant 1 : i32
    %shift_left3A_847 = vector.broadcast %shift_left3A_846 : i32 to vector<16xi32>
    %shift_left3A_848 = arith.shli %and3A_845, %shift_left3A_847 : vector<16xi32>
    %add3A_849 = arith.addi %shift_left3A_842, %shift_left3A_848 : vector<16xi32>
    %shift_right_arithmetic3A_850 = arith.constant 12 : i32
    %shift_right_arithmetic3A_851 = vector.broadcast %shift_right_arithmetic3A_850 : i32 to vector<16xi32>
    %shift_right_arithmetic3A_852 = arith.shrsi %get3A_836, %shift_right_arithmetic3A_851 : vector<16xi32>
    %and3A_853 = arith.constant 1 : i32
    %and3A_854 = vector.broadcast %and3A_853 : i32 to vector<16xi32>
    %and3A_855 = arith.andi %shift_right_arithmetic3A_852, %and3A_854 : vector<16xi32>
    %add3A_856 = arith.addi %add3A_849, %and3A_855 : vector<16xi32>
    %add3A_857 = arith.constant 64 : i32
    %add3A_858 = vector.broadcast %add3A_857 : i32 to vector<16xi32>
    %add3A_859 = arith.addi %add3A_858, %mul3A_5 : vector<16xi32>
    %scatter3A_860 = arith.constant 3 : i32
    %scatter3A_861 = arith.constant 0 : i32
    %scatter3A_862 = tpu.memref_slice %arg8[%scatter3A_860, %scatter3A_861] : memref<8x128xi32, #tpu.memory_space<vmem>> -> memref<1x128xi32, #tpu.memory_space<vmem>>
    %scatter3A_863 = tpu.memref_squeeze %scatter3A_862 : memref<1x128xi32, #tpu.memory_space<vmem>> -> memref<128xi32, #tpu.memory_space<vmem>>
    tpu.vector_store_idx %scatter3A_863[%add3A_859], %add3A_834 : memref<128xi32, #tpu.memory_space<vmem>>[vector<16xi32>], vector<16xi32>,
    %add3A_864 = arith.constant 65 : i32
    %add3A_865 = vector.broadcast %add3A_864 : i32 to vector<16xi32>
    %add3A_866 = arith.addi %add3A_865, %mul3A_5 : vector<16xi32>
    %scatter3A_867 = arith.constant 3 : i32
    %scatter3A_868 = arith.constant 0 : i32
    %scatter3A_869 = tpu.memref_slice %arg8[%scatter3A_867, %scatter3A_868] : memref<8x128xi32, #tpu.memory_space<vmem>> -> memref<1x128xi32, #tpu.memory_space<vmem>>
    %scatter3A_870 = tpu.memref_squeeze %scatter3A_869 : memref<1x128xi32, #tpu.memory_space<vmem>> -> memref<128xi32, #tpu.memory_space<vmem>>
    tpu.vector_store_idx %scatter3A_870[%add3A_866], %add3A_856 : memref<128xi32, #tpu.memory_space<vmem>>[vector<16xi32>], vector<16xi32>,
    %get3A_871 = arith.constant 240 : index
    %get3A_872 = tpu.vector_load %arg6[%get3A_871] {strides = array<i32>} : memref<512xi32, #tpu.memory_space<vmem>>, vector<16xi32>,
    %shift_right_arithmetic3A_873 = arith.constant 13 : i32
    %shift_right_arithmetic3A_874 = vector.broadcast %shift_right_arithmetic3A_873 : i32 to vector<16xi32>
    %shift_right_arithmetic3A_875 = arith.shrsi %get3A_872, %shift_right_arithmetic3A_874 : vector<16xi32>
    %shift_left3A_876 = arith.constant 13 : i32
    %shift_left3A_877 = vector.broadcast %shift_left3A_876 : i32 to vector<16xi32>
    %shift_left3A_878 = arith.shli %shift_right_arithmetic3A_875, %shift_left3A_877 : vector<16xi32>
    %and3A_879 = arith.constant 4095 : i32
    %and3A_880 = vector.broadcast %and3A_879 : i32 to vector<16xi32>
    %and3A_881 = arith.andi %get3A_872, %and3A_880 : vector<16xi32>
    %shift_left3A_882 = arith.constant 1 : i32
    %shift_left3A_883 = vector.broadcast %shift_left3A_882 : i32 to vector<16xi32>
    %shift_left3A_884 = arith.shli %and3A_881, %shift_left3A_883 : vector<16xi32>
    %add3A_885 = arith.addi %shift_left3A_878, %shift_left3A_884 : vector<16xi32>
    %shift_right_arithmetic3A_886 = arith.constant 12 : i32
    %shift_right_arithmetic3A_887 = vector.broadcast %shift_right_arithmetic3A_886 : i32 to vector<16xi32>
    %shift_right_arithmetic3A_888 = arith.shrsi %get3A_872, %shift_right_arithmetic3A_887 : vector<16xi32>
    %and3A_889 = arith.constant 1 : i32
    %and3A_890 = vector.broadcast %and3A_889 : i32 to vector<16xi32>
    %and3A_891 = arith.andi %shift_right_arithmetic3A_888, %and3A_890 : vector<16xi32>
    %add3A_892 = arith.addi %add3A_885, %and3A_891 : vector<16xi32>
    %get3A_893 = arith.constant 240 : index
    %get3A_894 = tpu.vector_load %arg7[%get3A_893] {strides = array<i32>} : memref<512xi32, #tpu.memory_space<vmem>>, vector<16xi32>,
    %shift_right_arithmetic3A_895 = arith.constant 13 : i32
    %shift_right_arithmetic3A_896 = vector.broadcast %shift_right_arithmetic3A_895 : i32 to vector<16xi32>
    %shift_right_arithmetic3A_897 = arith.shrsi %get3A_894, %shift_right_arithmetic3A_896 : vector<16xi32>
    %shift_left3A_898 = arith.constant 13 : i32
    %shift_left3A_899 = vector.broadcast %shift_left3A_898 : i32 to vector<16xi32>
    %shift_left3A_900 = arith.shli %shift_right_arithmetic3A_897, %shift_left3A_899 : vector<16xi32>
    %and3A_901 = arith.constant 4095 : i32
    %and3A_902 = vector.broadcast %and3A_901 : i32 to vector<16xi32>
    %and3A_903 = arith.andi %get3A_894, %and3A_902 : vector<16xi32>
    %shift_left3A_904 = arith.constant 1 : i32
    %shift_left3A_905 = vector.broadcast %shift_left3A_904 : i32 to vector<16xi32>
    %shift_left3A_906 = arith.shli %and3A_903, %shift_left3A_905 : vector<16xi32>
    %add3A_907 = arith.addi %shift_left3A_900, %shift_left3A_906 : vector<16xi32>
    %shift_right_arithmetic3A_908 = arith.constant 12 : i32
    %shift_right_arithmetic3A_909 = vector.broadcast %shift_right_arithmetic3A_908 : i32 to vector<16xi32>
    %shift_right_arithmetic3A_910 = arith.shrsi %get3A_894, %shift_right_arithmetic3A_909 : vector<16xi32>
    %and3A_911 = arith.constant 1 : i32
    %and3A_912 = vector.broadcast %and3A_911 : i32 to vector<16xi32>
    %and3A_913 = arith.andi %shift_right_arithmetic3A_910, %and3A_912 : vector<16xi32>
    %add3A_914 = arith.addi %add3A_907, %and3A_913 : vector<16xi32>
    %add3A_915 = arith.constant 96 : i32
    %add3A_916 = vector.broadcast %add3A_915 : i32 to vector<16xi32>
    %add3A_917 = arith.addi %add3A_916, %mul3A_5 : vector<16xi32>
    %scatter3A_918 = arith.constant 3 : i32
    %scatter3A_919 = arith.constant 0 : i32
    %scatter3A_920 = tpu.memref_slice %arg8[%scatter3A_918, %scatter3A_919] : memref<8x128xi32, #tpu.memory_space<vmem>> -> memref<1x128xi32, #tpu.memory_space<vmem>>
    %scatter3A_921 = tpu.memref_squeeze %scatter3A_920 : memref<1x128xi32, #tpu.memory_space<vmem>> -> memref<128xi32, #tpu.memory_space<vmem>>
    tpu.vector_store_idx %scatter3A_921[%add3A_917], %add3A_892 : memref<128xi32, #tpu.memory_space<vmem>>[vector<16xi32>], vector<16xi32>,
    %add3A_922 = arith.constant 97 : i32
    %add3A_923 = vector.broadcast %add3A_922 : i32 to vector<16xi32>
    %add3A_924 = arith.addi %add3A_923, %mul3A_5 : vector<16xi32>
    %scatter3A_925 = arith.constant 3 : i32
    %scatter3A_926 = arith.constant 0 : i32
    %scatter3A_927 = tpu.memref_slice %arg8[%scatter3A_925, %scatter3A_926] : memref<8x128xi32, #tpu.memory_space<vmem>> -> memref<1x128xi32, #tpu.memory_space<vmem>>
    %scatter3A_928 = tpu.memref_squeeze %scatter3A_927 : memref<1x128xi32, #tpu.memory_space<vmem>> -> memref<128xi32, #tpu.memory_space<vmem>>
    tpu.vector_store_idx %scatter3A_928[%add3A_924], %add3A_914 : memref<128xi32, #tpu.memory_space<vmem>>[vector<16xi32>], vector<16xi32>,
    %get3A_929 = arith.constant 256 : index
    %get3A_930 = tpu.vector_load %arg6[%get3A_929] {strides = array<i32>} : memref<512xi32, #tpu.memory_space<vmem>>, vector<16xi32>,
    %shift_right_arithmetic3A_931 = arith.constant 13 : i32
    %shift_right_arithmetic3A_932 = vector.broadcast %shift_right_arithmetic3A_931 : i32 to vector<16xi32>
    %shift_right_arithmetic3A_933 = arith.shrsi %get3A_930, %shift_right_arithmetic3A_932 : vector<16xi32>
    %shift_left3A_934 = arith.constant 13 : i32
    %shift_left3A_935 = vector.broadcast %shift_left3A_934 : i32 to vector<16xi32>
    %shift_left3A_936 = arith.shli %shift_right_arithmetic3A_933, %shift_left3A_935 : vector<16xi32>
    %and3A_937 = arith.constant 4095 : i32
    %and3A_938 = vector.broadcast %and3A_937 : i32 to vector<16xi32>
    %and3A_939 = arith.andi %get3A_930, %and3A_938 : vector<16xi32>
    %shift_left3A_940 = arith.constant 1 : i32
    %shift_left3A_941 = vector.broadcast %shift_left3A_940 : i32 to vector<16xi32>
    %shift_left3A_942 = arith.shli %and3A_939, %shift_left3A_941 : vector<16xi32>
    %add3A_943 = arith.addi %shift_left3A_936, %shift_left3A_942 : vector<16xi32>
    %shift_right_arithmetic3A_944 = arith.constant 12 : i32
    %shift_right_arithmetic3A_945 = vector.broadcast %shift_right_arithmetic3A_944 : i32 to vector<16xi32>
    %shift_right_arithmetic3A_946 = arith.shrsi %get3A_930, %shift_right_arithmetic3A_945 : vector<16xi32>
    %and3A_947 = arith.constant 1 : i32
    %and3A_948 = vector.broadcast %and3A_947 : i32 to vector<16xi32>
    %and3A_949 = arith.andi %shift_right_arithmetic3A_946, %and3A_948 : vector<16xi32>
    %add3A_950 = arith.addi %add3A_943, %and3A_949 : vector<16xi32>
    %get3A_951 = arith.constant 256 : index
    %get3A_952 = tpu.vector_load %arg7[%get3A_951] {strides = array<i32>} : memref<512xi32, #tpu.memory_space<vmem>>, vector<16xi32>,
    %shift_right_arithmetic3A_953 = arith.constant 13 : i32
    %shift_right_arithmetic3A_954 = vector.broadcast %shift_right_arithmetic3A_953 : i32 to vector<16xi32>
    %shift_right_arithmetic3A_955 = arith.shrsi %get3A_952, %shift_right_arithmetic3A_954 : vector<16xi32>
    %shift_left3A_956 = arith.constant 13 : i32
    %shift_left3A_957 = vector.broadcast %shift_left3A_956 : i32 to vector<16xi32>
    %shift_left3A_958 = arith.shli %shift_right_arithmetic3A_955, %shift_left3A_957 : vector<16xi32>
    %and3A_959 = arith.constant 4095 : i32
    %and3A_960 = vector.broadcast %and3A_959 : i32 to vector<16xi32>
    %and3A_961 = arith.andi %get3A_952, %and3A_960 : vector<16xi32>
    %shift_left3A_962 = arith.constant 1 : i32
    %shift_left3A_963 = vector.broadcast %shift_left3A_962 : i32 to vector<16xi32>
    %shift_left3A_964 = arith.shli %and3A_961, %shift_left3A_963 : vector<16xi32>
    %add3A_965 = arith.addi %shift_left3A_958, %shift_left3A_964 : vector<16xi32>
    %shift_right_arithmetic3A_966 = arith.constant 12 : i32
    %shift_right_arithmetic3A_967 = vector.broadcast %shift_right_arithmetic3A_966 : i32 to vector<16xi32>
    %shift_right_arithmetic3A_968 = arith.shrsi %get3A_952, %shift_right_arithmetic3A_967 : vector<16xi32>
    %and3A_969 = arith.constant 1 : i32
    %and3A_970 = vector.broadcast %and3A_969 : i32 to vector<16xi32>
    %and3A_971 = arith.andi %shift_right_arithmetic3A_968, %and3A_970 : vector<16xi32>
    %add3A_972 = arith.addi %add3A_965, %and3A_971 : vector<16xi32>
    %add3A_973 = arith.constant 0 : i32
    %add3A_974 = vector.broadcast %add3A_973 : i32 to vector<16xi32>
    %add3A_975 = arith.addi %add3A_974, %mul3A_5 : vector<16xi32>
    %scatter3A_976 = arith.constant 4 : i32
    %scatter3A_977 = arith.constant 0 : i32
    %scatter3A_978 = tpu.memref_slice %arg8[%scatter3A_976, %scatter3A_977] : memref<8x128xi32, #tpu.memory_space<vmem>> -> memref<1x128xi32, #tpu.memory_space<vmem>>
    %scatter3A_979 = tpu.memref_squeeze %scatter3A_978 : memref<1x128xi32, #tpu.memory_space<vmem>> -> memref<128xi32, #tpu.memory_space<vmem>>
    tpu.vector_store_idx %scatter3A_979[%add3A_975], %add3A_950 : memref<128xi32, #tpu.memory_space<vmem>>[vector<16xi32>], vector<16xi32>,
    %add3A_980 = arith.constant 1 : i32
    %add3A_981 = vector.broadcast %add3A_980 : i32 to vector<16xi32>
    %add3A_982 = arith.addi %add3A_981, %mul3A_5 : vector<16xi32>
    %scatter3A_983 = arith.constant 4 : i32
    %scatter3A_984 = arith.constant 0 : i32
    %scatter3A_985 = tpu.memref_slice %arg8[%scatter3A_983, %scatter3A_984] : memref<8x128xi32, #tpu.memory_space<vmem>> -> memref<1x128xi32, #tpu.memory_space<vmem>>
    %scatter3A_986 = tpu.memref_squeeze %scatter3A_985 : memref<1x128xi32, #tpu.memory_space<vmem>> -> memref<128xi32, #tpu.memory_space<vmem>>
    tpu.vector_store_idx %scatter3A_986[%add3A_982], %add3A_972 : memref<128xi32, #tpu.memory_space<vmem>>[vector<16xi32>], vector<16xi32>,
    %get3A_987 = arith.constant 272 : index
    %get3A_988 = tpu.vector_load %arg6[%get3A_987] {strides = array<i32>} : memref<512xi32, #tpu.memory_space<vmem>>, vector<16xi32>,
    %shift_right_arithmetic3A_989 = arith.constant 13 : i32
    %shift_right_arithmetic3A_990 = vector.broadcast %shift_right_arithmetic3A_989 : i32 to vector<16xi32>
    %shift_right_arithmetic3A_991 = arith.shrsi %get3A_988, %shift_right_arithmetic3A_990 : vector<16xi32>
    %shift_left3A_992 = arith.constant 13 : i32
    %shift_left3A_993 = vector.broadcast %shift_left3A_992 : i32 to vector<16xi32>
    %shift_left3A_994 = arith.shli %shift_right_arithmetic3A_991, %shift_left3A_993 : vector<16xi32>
    %and3A_995 = arith.constant 4095 : i32
    %and3A_996 = vector.broadcast %and3A_995 : i32 to vector<16xi32>
    %and3A_997 = arith.andi %get3A_988, %and3A_996 : vector<16xi32>
    %shift_left3A_998 = arith.constant 1 : i32
    %shift_left3A_999 = vector.broadcast %shift_left3A_998 : i32 to vector<16xi32>
    %shift_left3A_1000 = arith.shli %and3A_997, %shift_left3A_999 : vector<16xi32>
    %add3A_1001 = arith.addi %shift_left3A_994, %shift_left3A_1000 : vector<16xi32>
    %shift_right_arithmetic3A_1002 = arith.constant 12 : i32
    %shift_right_arithmetic3A_1003 = vector.broadcast %shift_right_arithmetic3A_1002 : i32 to vector<16xi32>
    %shift_right_arithmetic3A_1004 = arith.shrsi %get3A_988, %shift_right_arithmetic3A_1003 : vector<16xi32>
    %and3A_1005 = arith.constant 1 : i32
    %and3A_1006 = vector.broadcast %and3A_1005 : i32 to vector<16xi32>
    %and3A_1007 = arith.andi %shift_right_arithmetic3A_1004, %and3A_1006 : vector<16xi32>
    %add3A_1008 = arith.addi %add3A_1001, %and3A_1007 : vector<16xi32>
    %get3A_1009 = arith.constant 272 : index
    %get3A_1010 = tpu.vector_load %arg7[%get3A_1009] {strides = array<i32>} : memref<512xi32, #tpu.memory_space<vmem>>, vector<16xi32>,
    %shift_right_arithmetic3A_1011 = arith.constant 13 : i32
    %shift_right_arithmetic3A_1012 = vector.broadcast %shift_right_arithmetic3A_1011 : i32 to vector<16xi32>
    %shift_right_arithmetic3A_1013 = arith.shrsi %get3A_1010, %shift_right_arithmetic3A_1012 : vector<16xi32>
    %shift_left3A_1014 = arith.constant 13 : i32
    %shift_left3A_1015 = vector.broadcast %shift_left3A_1014 : i32 to vector<16xi32>
    %shift_left3A_1016 = arith.shli %shift_right_arithmetic3A_1013, %shift_left3A_1015 : vector<16xi32>
    %and3A_1017 = arith.constant 4095 : i32
    %and3A_1018 = vector.broadcast %and3A_1017 : i32 to vector<16xi32>
    %and3A_1019 = arith.andi %get3A_1010, %and3A_1018 : vector<16xi32>
    %shift_left3A_1020 = arith.constant 1 : i32
    %shift_left3A_1021 = vector.broadcast %shift_left3A_1020 : i32 to vector<16xi32>
    %shift_left3A_1022 = arith.shli %and3A_1019, %shift_left3A_1021 : vector<16xi32>
    %add3A_1023 = arith.addi %shift_left3A_1016, %shift_left3A_1022 : vector<16xi32>
    %shift_right_arithmetic3A_1024 = arith.constant 12 : i32
    %shift_right_arithmetic3A_1025 = vector.broadcast %shift_right_arithmetic3A_1024 : i32 to vector<16xi32>
    %shift_right_arithmetic3A_1026 = arith.shrsi %get3A_1010, %shift_right_arithmetic3A_1025 : vector<16xi32>
    %and3A_1027 = arith.constant 1 : i32
    %and3A_1028 = vector.broadcast %and3A_1027 : i32 to vector<16xi32>
    %and3A_1029 = arith.andi %shift_right_arithmetic3A_1026, %and3A_1028 : vector<16xi32>
    %add3A_1030 = arith.addi %add3A_1023, %and3A_1029 : vector<16xi32>
    %add3A_1031 = arith.constant 32 : i32
    %add3A_1032 = vector.broadcast %add3A_1031 : i32 to vector<16xi32>
    %add3A_1033 = arith.addi %add3A_1032, %mul3A_5 : vector<16xi32>
    %scatter3A_1034 = arith.constant 4 : i32
    %scatter3A_1035 = arith.constant 0 : i32
    %scatter3A_1036 = tpu.memref_slice %arg8[%scatter3A_1034, %scatter3A_1035] : memref<8x128xi32, #tpu.memory_space<vmem>> -> memref<1x128xi32, #tpu.memory_space<vmem>>
    %scatter3A_1037 = tpu.memref_squeeze %scatter3A_1036 : memref<1x128xi32, #tpu.memory_space<vmem>> -> memref<128xi32, #tpu.memory_space<vmem>>
    tpu.vector_store_idx %scatter3A_1037[%add3A_1033], %add3A_1008 : memref<128xi32, #tpu.memory_space<vmem>>[vector<16xi32>], vector<16xi32>,
    %add3A_1038 = arith.constant 33 : i32
    %add3A_1039 = vector.broadcast %add3A_1038 : i32 to vector<16xi32>
    %add3A_1040 = arith.addi %add3A_1039, %mul3A_5 : vector<16xi32>
    %scatter3A_1041 = arith.constant 4 : i32
    %scatter3A_1042 = arith.constant 0 : i32
    %scatter3A_1043 = tpu.memref_slice %arg8[%scatter3A_1041, %scatter3A_1042] : memref<8x128xi32, #tpu.memory_space<vmem>> -> memref<1x128xi32, #tpu.memory_space<vmem>>
    %scatter3A_1044 = tpu.memref_squeeze %scatter3A_1043 : memref<1x128xi32, #tpu.memory_space<vmem>> -> memref<128xi32, #tpu.memory_space<vmem>>
    tpu.vector_store_idx %scatter3A_1044[%add3A_1040], %add3A_1030 : memref<128xi32, #tpu.memory_space<vmem>>[vector<16xi32>], vector<16xi32>,
    %get3A_1045 = arith.constant 288 : index
    %get3A_1046 = tpu.vector_load %arg6[%get3A_1045] {strides = array<i32>} : memref<512xi32, #tpu.memory_space<vmem>>, vector<16xi32>,
    %shift_right_arithmetic3A_1047 = arith.constant 13 : i32
    %shift_right_arithmetic3A_1048 = vector.broadcast %shift_right_arithmetic3A_1047 : i32 to vector<16xi32>
    %shift_right_arithmetic3A_1049 = arith.shrsi %get3A_1046, %shift_right_arithmetic3A_1048 : vector<16xi32>
    %shift_left3A_1050 = arith.constant 13 : i32
    %shift_left3A_1051 = vector.broadcast %shift_left3A_1050 : i32 to vector<16xi32>
    %shift_left3A_1052 = arith.shli %shift_right_arithmetic3A_1049, %shift_left3A_1051 : vector<16xi32>
    %and3A_1053 = arith.constant 4095 : i32
    %and3A_1054 = vector.broadcast %and3A_1053 : i32 to vector<16xi32>
    %and3A_1055 = arith.andi %get3A_1046, %and3A_1054 : vector<16xi32>
    %shift_left3A_1056 = arith.constant 1 : i32
    %shift_left3A_1057 = vector.broadcast %shift_left3A_1056 : i32 to vector<16xi32>
    %shift_left3A_1058 = arith.shli %and3A_1055, %shift_left3A_1057 : vector<16xi32>
    %add3A_1059 = arith.addi %shift_left3A_1052, %shift_left3A_1058 : vector<16xi32>
    %shift_right_arithmetic3A_1060 = arith.constant 12 : i32
    %shift_right_arithmetic3A_1061 = vector.broadcast %shift_right_arithmetic3A_1060 : i32 to vector<16xi32>
    %shift_right_arithmetic3A_1062 = arith.shrsi %get3A_1046, %shift_right_arithmetic3A_1061 : vector<16xi32>
    %and3A_1063 = arith.constant 1 : i32
    %and3A_1064 = vector.broadcast %and3A_1063 : i32 to vector<16xi32>
    %and3A_1065 = arith.andi %shift_right_arithmetic3A_1062, %and3A_1064 : vector<16xi32>
    %add3A_1066 = arith.addi %add3A_1059, %and3A_1065 : vector<16xi32>
    %get3A_1067 = arith.constant 288 : index
    %get3A_1068 = tpu.vector_load %arg7[%get3A_1067] {strides = array<i32>} : memref<512xi32, #tpu.memory_space<vmem>>, vector<16xi32>,
    %shift_right_arithmetic3A_1069 = arith.constant 13 : i32
    %shift_right_arithmetic3A_1070 = vector.broadcast %shift_right_arithmetic3A_1069 : i32 to vector<16xi32>
    %shift_right_arithmetic3A_1071 = arith.shrsi %get3A_1068, %shift_right_arithmetic3A_1070 : vector<16xi32>
    %shift_left3A_1072 = arith.constant 13 : i32
    %shift_left3A_1073 = vector.broadcast %shift_left3A_1072 : i32 to vector<16xi32>
    %shift_left3A_1074 = arith.shli %shift_right_arithmetic3A_1071, %shift_left3A_1073 : vector<16xi32>
    %and3A_1075 = arith.constant 4095 : i32
    %and3A_1076 = vector.broadcast %and3A_1075 : i32 to vector<16xi32>
    %and3A_1077 = arith.andi %get3A_1068, %and3A_1076 : vector<16xi32>
    %shift_left3A_1078 = arith.constant 1 : i32
    %shift_left3A_1079 = vector.broadcast %shift_left3A_1078 : i32 to vector<16xi32>
    %shift_left3A_1080 = arith.shli %and3A_1077, %shift_left3A_1079 : vector<16xi32>
    %add3A_1081 = arith.addi %shift_left3A_1074, %shift_left3A_1080 : vector<16xi32>
    %shift_right_arithmetic3A_1082 = arith.constant 12 : i32
    %shift_right_arithmetic3A_1083 = vector.broadcast %shift_right_arithmetic3A_1082 : i32 to vector<16xi32>
    %shift_right_arithmetic3A_1084 = arith.shrsi %get3A_1068, %shift_right_arithmetic3A_1083 : vector<16xi32>
    %and3A_1085 = arith.constant 1 : i32
    %and3A_1086 = vector.broadcast %and3A_1085 : i32 to vector<16xi32>
    %and3A_1087 = arith.andi %shift_right_arithmetic3A_1084, %and3A_1086 : vector<16xi32>
    %add3A_1088 = arith.addi %add3A_1081, %and3A_1087 : vector<16xi32>
    %add3A_1089 = arith.constant 64 : i32
    %add3A_1090 = vector.broadcast %add3A_1089 : i32 to vector<16xi32>
    %add3A_1091 = arith.addi %add3A_1090, %mul3A_5 : vector<16xi32>
    %scatter3A_1092 = arith.constant 4 : i32
    %scatter3A_1093 = arith.constant 0 : i32
    %scatter3A_1094 = tpu.memref_slice %arg8[%scatter3A_1092, %scatter3A_1093] : memref<8x128xi32, #tpu.memory_space<vmem>> -> memref<1x128xi32, #tpu.memory_space<vmem>>
    %scatter3A_1095 = tpu.memref_squeeze %scatter3A_1094 : memref<1x128xi32, #tpu.memory_space<vmem>> -> memref<128xi32, #tpu.memory_space<vmem>>
    tpu.vector_store_idx %scatter3A_1095[%add3A_1091], %add3A_1066 : memref<128xi32, #tpu.memory_space<vmem>>[vector<16xi32>], vector<16xi32>,
    %add3A_1096 = arith.constant 65 : i32
    %add3A_1097 = vector.broadcast %add3A_1096 : i32 to vector<16xi32>
    %add3A_1098 = arith.addi %add3A_1097, %mul3A_5 : vector<16xi32>
    %scatter3A_1099 = arith.constant 4 : i32
    %scatter3A_1100 = arith.constant 0 : i32
    %scatter3A_1101 = tpu.memref_slice %arg8[%scatter3A_1099, %scatter3A_1100] : memref<8x128xi32, #tpu.memory_space<vmem>> -> memref<1x128xi32, #tpu.memory_space<vmem>>
    %scatter3A_1102 = tpu.memref_squeeze %scatter3A_1101 : memref<1x128xi32, #tpu.memory_space<vmem>> -> memref<128xi32, #tpu.memory_space<vmem>>
    tpu.vector_store_idx %scatter3A_1102[%add3A_1098], %add3A_1088 : memref<128xi32, #tpu.memory_space<vmem>>[vector<16xi32>], vector<16xi32>,
    %get3A_1103 = arith.constant 304 : index
    %get3A_1104 = tpu.vector_load %arg6[%get3A_1103] {strides = array<i32>} : memref<512xi32, #tpu.memory_space<vmem>>, vector<16xi32>,
    %shift_right_arithmetic3A_1105 = arith.constant 13 : i32
    %shift_right_arithmetic3A_1106 = vector.broadcast %shift_right_arithmetic3A_1105 : i32 to vector<16xi32>
    %shift_right_arithmetic3A_1107 = arith.shrsi %get3A_1104, %shift_right_arithmetic3A_1106 : vector<16xi32>
    %shift_left3A_1108 = arith.constant 13 : i32
    %shift_left3A_1109 = vector.broadcast %shift_left3A_1108 : i32 to vector<16xi32>
    %shift_left3A_1110 = arith.shli %shift_right_arithmetic3A_1107, %shift_left3A_1109 : vector<16xi32>
    %and3A_1111 = arith.constant 4095 : i32
    %and3A_1112 = vector.broadcast %and3A_1111 : i32 to vector<16xi32>
    %and3A_1113 = arith.andi %get3A_1104, %and3A_1112 : vector<16xi32>
    %shift_left3A_1114 = arith.constant 1 : i32
    %shift_left3A_1115 = vector.broadcast %shift_left3A_1114 : i32 to vector<16xi32>
    %shift_left3A_1116 = arith.shli %and3A_1113, %shift_left3A_1115 : vector<16xi32>
    %add3A_1117 = arith.addi %shift_left3A_1110, %shift_left3A_1116 : vector<16xi32>
    %shift_right_arithmetic3A_1118 = arith.constant 12 : i32
    %shift_right_arithmetic3A_1119 = vector.broadcast %shift_right_arithmetic3A_1118 : i32 to vector<16xi32>
    %shift_right_arithmetic3A_1120 = arith.shrsi %get3A_1104, %shift_right_arithmetic3A_1119 : vector<16xi32>
    %and3A_1121 = arith.constant 1 : i32
    %and3A_1122 = vector.broadcast %and3A_1121 : i32 to vector<16xi32>
    %and3A_1123 = arith.andi %shift_right_arithmetic3A_1120, %and3A_1122 : vector<16xi32>
    %add3A_1124 = arith.addi %add3A_1117, %and3A_1123 : vector<16xi32>
    %get3A_1125 = arith.constant 304 : index
    %get3A_1126 = tpu.vector_load %arg7[%get3A_1125] {strides = array<i32>} : memref<512xi32, #tpu.memory_space<vmem>>, vector<16xi32>,
    %shift_right_arithmetic3A_1127 = arith.constant 13 : i32
    %shift_right_arithmetic3A_1128 = vector.broadcast %shift_right_arithmetic3A_1127 : i32 to vector<16xi32>
    %shift_right_arithmetic3A_1129 = arith.shrsi %get3A_1126, %shift_right_arithmetic3A_1128 : vector<16xi32>
    %shift_left3A_1130 = arith.constant 13 : i32
    %shift_left3A_1131 = vector.broadcast %shift_left3A_1130 : i32 to vector<16xi32>
    %shift_left3A_1132 = arith.shli %shift_right_arithmetic3A_1129, %shift_left3A_1131 : vector<16xi32>
    %and3A_1133 = arith.constant 4095 : i32
    %and3A_1134 = vector.broadcast %and3A_1133 : i32 to vector<16xi32>
    %and3A_1135 = arith.andi %get3A_1126, %and3A_1134 : vector<16xi32>
    %shift_left3A_1136 = arith.constant 1 : i32
    %shift_left3A_1137 = vector.broadcast %shift_left3A_1136 : i32 to vector<16xi32>
    %shift_left3A_1138 = arith.shli %and3A_1135, %shift_left3A_1137 : vector<16xi32>
    %add3A_1139 = arith.addi %shift_left3A_1132, %shift_left3A_1138 : vector<16xi32>
    %shift_right_arithmetic3A_1140 = arith.constant 12 : i32
    %shift_right_arithmetic3A_1141 = vector.broadcast %shift_right_arithmetic3A_1140 : i32 to vector<16xi32>
    %shift_right_arithmetic3A_1142 = arith.shrsi %get3A_1126, %shift_right_arithmetic3A_1141 : vector<16xi32>
    %and3A_1143 = arith.constant 1 : i32
    %and3A_1144 = vector.broadcast %and3A_1143 : i32 to vector<16xi32>
    %and3A_1145 = arith.andi %shift_right_arithmetic3A_1142, %and3A_1144 : vector<16xi32>
    %add3A_1146 = arith.addi %add3A_1139, %and3A_1145 : vector<16xi32>
    %add3A_1147 = arith.constant 96 : i32
    %add3A_1148 = vector.broadcast %add3A_1147 : i32 to vector<16xi32>
    %add3A_1149 = arith.addi %add3A_1148, %mul3A_5 : vector<16xi32>
    %scatter3A_1150 = arith.constant 4 : i32
    %scatter3A_1151 = arith.constant 0 : i32
    %scatter3A_1152 = tpu.memref_slice %arg8[%scatter3A_1150, %scatter3A_1151] : memref<8x128xi32, #tpu.memory_space<vmem>> -> memref<1x128xi32, #tpu.memory_space<vmem>>
    %scatter3A_1153 = tpu.memref_squeeze %scatter3A_1152 : memref<1x128xi32, #tpu.memory_space<vmem>> -> memref<128xi32, #tpu.memory_space<vmem>>
    tpu.vector_store_idx %scatter3A_1153[%add3A_1149], %add3A_1124 : memref<128xi32, #tpu.memory_space<vmem>>[vector<16xi32>], vector<16xi32>,
    %add3A_1154 = arith.constant 97 : i32
    %add3A_1155 = vector.broadcast %add3A_1154 : i32 to vector<16xi32>
    %add3A_1156 = arith.addi %add3A_1155, %mul3A_5 : vector<16xi32>
    %scatter3A_1157 = arith.constant 4 : i32
    %scatter3A_1158 = arith.constant 0 : i32
    %scatter3A_1159 = tpu.memref_slice %arg8[%scatter3A_1157, %scatter3A_1158] : memref<8x128xi32, #tpu.memory_space<vmem>> -> memref<1x128xi32, #tpu.memory_space<vmem>>
    %scatter3A_1160 = tpu.memref_squeeze %scatter3A_1159 : memref<1x128xi32, #tpu.memory_space<vmem>> -> memref<128xi32, #tpu.memory_space<vmem>>
    tpu.vector_store_idx %scatter3A_1160[%add3A_1156], %add3A_1146 : memref<128xi32, #tpu.memory_space<vmem>>[vector<16xi32>], vector<16xi32>,
    %get3A_1161 = arith.constant 320 : index
    %get3A_1162 = tpu.vector_load %arg6[%get3A_1161] {strides = array<i32>} : memref<512xi32, #tpu.memory_space<vmem>>, vector<16xi32>,
    %shift_right_arithmetic3A_1163 = arith.constant 13 : i32
    %shift_right_arithmetic3A_1164 = vector.broadcast %shift_right_arithmetic3A_1163 : i32 to vector<16xi32>
    %shift_right_arithmetic3A_1165 = arith.shrsi %get3A_1162, %shift_right_arithmetic3A_1164 : vector<16xi32>
    %shift_left3A_1166 = arith.constant 13 : i32
    %shift_left3A_1167 = vector.broadcast %shift_left3A_1166 : i32 to vector<16xi32>
    %shift_left3A_1168 = arith.shli %shift_right_arithmetic3A_1165, %shift_left3A_1167 : vector<16xi32>
    %and3A_1169 = arith.constant 4095 : i32
    %and3A_1170 = vector.broadcast %and3A_1169 : i32 to vector<16xi32>
    %and3A_1171 = arith.andi %get3A_1162, %and3A_1170 : vector<16xi32>
    %shift_left3A_1172 = arith.constant 1 : i32
    %shift_left3A_1173 = vector.broadcast %shift_left3A_1172 : i32 to vector<16xi32>
    %shift_left3A_1174 = arith.shli %and3A_1171, %shift_left3A_1173 : vector<16xi32>
    %add3A_1175 = arith.addi %shift_left3A_1168, %shift_left3A_1174 : vector<16xi32>
    %shift_right_arithmetic3A_1176 = arith.constant 12 : i32
    %shift_right_arithmetic3A_1177 = vector.broadcast %shift_right_arithmetic3A_1176 : i32 to vector<16xi32>
    %shift_right_arithmetic3A_1178 = arith.shrsi %get3A_1162, %shift_right_arithmetic3A_1177 : vector<16xi32>
    %and3A_1179 = arith.constant 1 : i32
    %and3A_1180 = vector.broadcast %and3A_1179 : i32 to vector<16xi32>
    %and3A_1181 = arith.andi %shift_right_arithmetic3A_1178, %and3A_1180 : vector<16xi32>
    %add3A_1182 = arith.addi %add3A_1175, %and3A_1181 : vector<16xi32>
    %get3A_1183 = arith.constant 320 : index
    %get3A_1184 = tpu.vector_load %arg7[%get3A_1183] {strides = array<i32>} : memref<512xi32, #tpu.memory_space<vmem>>, vector<16xi32>,
    %shift_right_arithmetic3A_1185 = arith.constant 13 : i32
    %shift_right_arithmetic3A_1186 = vector.broadcast %shift_right_arithmetic3A_1185 : i32 to vector<16xi32>
    %shift_right_arithmetic3A_1187 = arith.shrsi %get3A_1184, %shift_right_arithmetic3A_1186 : vector<16xi32>
    %shift_left3A_1188 = arith.constant 13 : i32
    %shift_left3A_1189 = vector.broadcast %shift_left3A_1188 : i32 to vector<16xi32>
    %shift_left3A_1190 = arith.shli %shift_right_arithmetic3A_1187, %shift_left3A_1189 : vector<16xi32>
    %and3A_1191 = arith.constant 4095 : i32
    %and3A_1192 = vector.broadcast %and3A_1191 : i32 to vector<16xi32>
    %and3A_1193 = arith.andi %get3A_1184, %and3A_1192 : vector<16xi32>
    %shift_left3A_1194 = arith.constant 1 : i32
    %shift_left3A_1195 = vector.broadcast %shift_left3A_1194 : i32 to vector<16xi32>
    %shift_left3A_1196 = arith.shli %and3A_1193, %shift_left3A_1195 : vector<16xi32>
    %add3A_1197 = arith.addi %shift_left3A_1190, %shift_left3A_1196 : vector<16xi32>
    %shift_right_arithmetic3A_1198 = arith.constant 12 : i32
    %shift_right_arithmetic3A_1199 = vector.broadcast %shift_right_arithmetic3A_1198 : i32 to vector<16xi32>
    %shift_right_arithmetic3A_1200 = arith.shrsi %get3A_1184, %shift_right_arithmetic3A_1199 : vector<16xi32>
    %and3A_1201 = arith.constant 1 : i32
    %and3A_1202 = vector.broadcast %and3A_1201 : i32 to vector<16xi32>
    %and3A_1203 = arith.andi %shift_right_arithmetic3A_1200, %and3A_1202 : vector<16xi32>
    %add3A_1204 = arith.addi %add3A_1197, %and3A_1203 : vector<16xi32>
    %add3A_1205 = arith.constant 0 : i32
    %add3A_1206 = vector.broadcast %add3A_1205 : i32 to vector<16xi32>
    %add3A_1207 = arith.addi %add3A_1206, %mul3A_5 : vector<16xi32>
    %scatter3A_1208 = arith.constant 5 : i32
    %scatter3A_1209 = arith.constant 0 : i32
    %scatter3A_1210 = tpu.memref_slice %arg8[%scatter3A_1208, %scatter3A_1209] : memref<8x128xi32, #tpu.memory_space<vmem>> -> memref<1x128xi32, #tpu.memory_space<vmem>>
    %scatter3A_1211 = tpu.memref_squeeze %scatter3A_1210 : memref<1x128xi32, #tpu.memory_space<vmem>> -> memref<128xi32, #tpu.memory_space<vmem>>
    tpu.vector_store_idx %scatter3A_1211[%add3A_1207], %add3A_1182 : memref<128xi32, #tpu.memory_space<vmem>>[vector<16xi32>], vector<16xi32>,
    %add3A_1212 = arith.constant 1 : i32
    %add3A_1213 = vector.broadcast %add3A_1212 : i32 to vector<16xi32>
    %add3A_1214 = arith.addi %add3A_1213, %mul3A_5 : vector<16xi32>
    %scatter3A_1215 = arith.constant 5 : i32
    %scatter3A_1216 = arith.constant 0 : i32
    %scatter3A_1217 = tpu.memref_slice %arg8[%scatter3A_1215, %scatter3A_1216] : memref<8x128xi32, #tpu.memory_space<vmem>> -> memref<1x128xi32, #tpu.memory_space<vmem>>
    %scatter3A_1218 = tpu.memref_squeeze %scatter3A_1217 : memref<1x128xi32, #tpu.memory_space<vmem>> -> memref<128xi32, #tpu.memory_space<vmem>>
    tpu.vector_store_idx %scatter3A_1218[%add3A_1214], %add3A_1204 : memref<128xi32, #tpu.memory_space<vmem>>[vector<16xi32>], vector<16xi32>,
    %get3A_1219 = arith.constant 336 : index
    %get3A_1220 = tpu.vector_load %arg6[%get3A_1219] {strides = array<i32>} : memref<512xi32, #tpu.memory_space<vmem>>, vector<16xi32>,
    %shift_right_arithmetic3A_1221 = arith.constant 13 : i32
    %shift_right_arithmetic3A_1222 = vector.broadcast %shift_right_arithmetic3A_1221 : i32 to vector<16xi32>
    %shift_right_arithmetic3A_1223 = arith.shrsi %get3A_1220, %shift_right_arithmetic3A_1222 : vector<16xi32>
    %shift_left3A_1224 = arith.constant 13 : i32
    %shift_left3A_1225 = vector.broadcast %shift_left3A_1224 : i32 to vector<16xi32>
    %shift_left3A_1226 = arith.shli %shift_right_arithmetic3A_1223, %shift_left3A_1225 : vector<16xi32>
    %and3A_1227 = arith.constant 4095 : i32
    %and3A_1228 = vector.broadcast %and3A_1227 : i32 to vector<16xi32>
    %and3A_1229 = arith.andi %get3A_1220, %and3A_1228 : vector<16xi32>
    %shift_left3A_1230 = arith.constant 1 : i32
    %shift_left3A_1231 = vector.broadcast %shift_left3A_1230 : i32 to vector<16xi32>
    %shift_left3A_1232 = arith.shli %and3A_1229, %shift_left3A_1231 : vector<16xi32>
    %add3A_1233 = arith.addi %shift_left3A_1226, %shift_left3A_1232 : vector<16xi32>
    %shift_right_arithmetic3A_1234 = arith.constant 12 : i32
    %shift_right_arithmetic3A_1235 = vector.broadcast %shift_right_arithmetic3A_1234 : i32 to vector<16xi32>
    %shift_right_arithmetic3A_1236 = arith.shrsi %get3A_1220, %shift_right_arithmetic3A_1235 : vector<16xi32>
    %and3A_1237 = arith.constant 1 : i32
    %and3A_1238 = vector.broadcast %and3A_1237 : i32 to vector<16xi32>
    %and3A_1239 = arith.andi %shift_right_arithmetic3A_1236, %and3A_1238 : vector<16xi32>
    %add3A_1240 = arith.addi %add3A_1233, %and3A_1239 : vector<16xi32>
    %get3A_1241 = arith.constant 336 : index
    %get3A_1242 = tpu.vector_load %arg7[%get3A_1241] {strides = array<i32>} : memref<512xi32, #tpu.memory_space<vmem>>, vector<16xi32>,
    %shift_right_arithmetic3A_1243 = arith.constant 13 : i32
    %shift_right_arithmetic3A_1244 = vector.broadcast %shift_right_arithmetic3A_1243 : i32 to vector<16xi32>
    %shift_right_arithmetic3A_1245 = arith.shrsi %get3A_1242, %shift_right_arithmetic3A_1244 : vector<16xi32>
    %shift_left3A_1246 = arith.constant 13 : i32
    %shift_left3A_1247 = vector.broadcast %shift_left3A_1246 : i32 to vector<16xi32>
    %shift_left3A_1248 = arith.shli %shift_right_arithmetic3A_1245, %shift_left3A_1247 : vector<16xi32>
    %and3A_1249 = arith.constant 4095 : i32
    %and3A_1250 = vector.broadcast %and3A_1249 : i32 to vector<16xi32>
    %and3A_1251 = arith.andi %get3A_1242, %and3A_1250 : vector<16xi32>
    %shift_left3A_1252 = arith.constant 1 : i32
    %shift_left3A_1253 = vector.broadcast %shift_left3A_1252 : i32 to vector<16xi32>
    %shift_left3A_1254 = arith.shli %and3A_1251, %shift_left3A_1253 : vector<16xi32>
    %add3A_1255 = arith.addi %shift_left3A_1248, %shift_left3A_1254 : vector<16xi32>
    %shift_right_arithmetic3A_1256 = arith.constant 12 : i32
    %shift_right_arithmetic3A_1257 = vector.broadcast %shift_right_arithmetic3A_1256 : i32 to vector<16xi32>
    %shift_right_arithmetic3A_1258 = arith.shrsi %get3A_1242, %shift_right_arithmetic3A_1257 : vector<16xi32>
    %and3A_1259 = arith.constant 1 : i32
    %and3A_1260 = vector.broadcast %and3A_1259 : i32 to vector<16xi32>
    %and3A_1261 = arith.andi %shift_right_arithmetic3A_1258, %and3A_1260 : vector<16xi32>
    %add3A_1262 = arith.addi %add3A_1255, %and3A_1261 : vector<16xi32>
    %add3A_1263 = arith.constant 32 : i32
    %add3A_1264 = vector.broadcast %add3A_1263 : i32 to vector<16xi32>
    %add3A_1265 = arith.addi %add3A_1264, %mul3A_5 : vector<16xi32>
    %scatter3A_1266 = arith.constant 5 : i32
    %scatter3A_1267 = arith.constant 0 : i32
    %scatter3A_1268 = tpu.memref_slice %arg8[%scatter3A_1266, %scatter3A_1267] : memref<8x128xi32, #tpu.memory_space<vmem>> -> memref<1x128xi32, #tpu.memory_space<vmem>>
    %scatter3A_1269 = tpu.memref_squeeze %scatter3A_1268 : memref<1x128xi32, #tpu.memory_space<vmem>> -> memref<128xi32, #tpu.memory_space<vmem>>
    tpu.vector_store_idx %scatter3A_1269[%add3A_1265], %add3A_1240 : memref<128xi32, #tpu.memory_space<vmem>>[vector<16xi32>], vector<16xi32>,
    %add3A_1270 = arith.constant 33 : i32
    %add3A_1271 = vector.broadcast %add3A_1270 : i32 to vector<16xi32>
    %add3A_1272 = arith.addi %add3A_1271, %mul3A_5 : vector<16xi32>
    %scatter3A_1273 = arith.constant 5 : i32
    %scatter3A_1274 = arith.constant 0 : i32
    %scatter3A_1275 = tpu.memref_slice %arg8[%scatter3A_1273, %scatter3A_1274] : memref<8x128xi32, #tpu.memory_space<vmem>> -> memref<1x128xi32, #tpu.memory_space<vmem>>
    %scatter3A_1276 = tpu.memref_squeeze %scatter3A_1275 : memref<1x128xi32, #tpu.memory_space<vmem>> -> memref<128xi32, #tpu.memory_space<vmem>>
    tpu.vector_store_idx %scatter3A_1276[%add3A_1272], %add3A_1262 : memref<128xi32, #tpu.memory_space<vmem>>[vector<16xi32>], vector<16xi32>,
    %get3A_1277 = arith.constant 352 : index
    %get3A_1278 = tpu.vector_load %arg6[%get3A_1277] {strides = array<i32>} : memref<512xi32, #tpu.memory_space<vmem>>, vector<16xi32>,
    %shift_right_arithmetic3A_1279 = arith.constant 13 : i32
    %shift_right_arithmetic3A_1280 = vector.broadcast %shift_right_arithmetic3A_1279 : i32 to vector<16xi32>
    %shift_right_arithmetic3A_1281 = arith.shrsi %get3A_1278, %shift_right_arithmetic3A_1280 : vector<16xi32>
    %shift_left3A_1282 = arith.constant 13 : i32
    %shift_left3A_1283 = vector.broadcast %shift_left3A_1282 : i32 to vector<16xi32>
    %shift_left3A_1284 = arith.shli %shift_right_arithmetic3A_1281, %shift_left3A_1283 : vector<16xi32>
    %and3A_1285 = arith.constant 4095 : i32
    %and3A_1286 = vector.broadcast %and3A_1285 : i32 to vector<16xi32>
    %and3A_1287 = arith.andi %get3A_1278, %and3A_1286 : vector<16xi32>
    %shift_left3A_1288 = arith.constant 1 : i32
    %shift_left3A_1289 = vector.broadcast %shift_left3A_1288 : i32 to vector<16xi32>
    %shift_left3A_1290 = arith.shli %and3A_1287, %shift_left3A_1289 : vector<16xi32>
    %add3A_1291 = arith.addi %shift_left3A_1284, %shift_left3A_1290 : vector<16xi32>
    %shift_right_arithmetic3A_1292 = arith.constant 12 : i32
    %shift_right_arithmetic3A_1293 = vector.broadcast %shift_right_arithmetic3A_1292 : i32 to vector<16xi32>
    %shift_right_arithmetic3A_1294 = arith.shrsi %get3A_1278, %shift_right_arithmetic3A_1293 : vector<16xi32>
    %and3A_1295 = arith.constant 1 : i32
    %and3A_1296 = vector.broadcast %and3A_1295 : i32 to vector<16xi32>
    %and3A_1297 = arith.andi %shift_right_arithmetic3A_1294, %and3A_1296 : vector<16xi32>
    %add3A_1298 = arith.addi %add3A_1291, %and3A_1297 : vector<16xi32>
    %get3A_1299 = arith.constant 352 : index
    %get3A_1300 = tpu.vector_load %arg7[%get3A_1299] {strides = array<i32>} : memref<512xi32, #tpu.memory_space<vmem>>, vector<16xi32>,
    %shift_right_arithmetic3A_1301 = arith.constant 13 : i32
    %shift_right_arithmetic3A_1302 = vector.broadcast %shift_right_arithmetic3A_1301 : i32 to vector<16xi32>
    %shift_right_arithmetic3A_1303 = arith.shrsi %get3A_1300, %shift_right_arithmetic3A_1302 : vector<16xi32>
    %shift_left3A_1304 = arith.constant 13 : i32
    %shift_left3A_1305 = vector.broadcast %shift_left3A_1304 : i32 to vector<16xi32>
    %shift_left3A_1306 = arith.shli %shift_right_arithmetic3A_1303, %shift_left3A_1305 : vector<16xi32>
    %and3A_1307 = arith.constant 4095 : i32
    %and3A_1308 = vector.broadcast %and3A_1307 : i32 to vector<16xi32>
    %and3A_1309 = arith.andi %get3A_1300, %and3A_1308 : vector<16xi32>
    %shift_left3A_1310 = arith.constant 1 : i32
    %shift_left3A_1311 = vector.broadcast %shift_left3A_1310 : i32 to vector<16xi32>
    %shift_left3A_1312 = arith.shli %and3A_1309, %shift_left3A_1311 : vector<16xi32>
    %add3A_1313 = arith.addi %shift_left3A_1306, %shift_left3A_1312 : vector<16xi32>
    %shift_right_arithmetic3A_1314 = arith.constant 12 : i32
    %shift_right_arithmetic3A_1315 = vector.broadcast %shift_right_arithmetic3A_1314 : i32 to vector<16xi32>
    %shift_right_arithmetic3A_1316 = arith.shrsi %get3A_1300, %shift_right_arithmetic3A_1315 : vector<16xi32>
    %and3A_1317 = arith.constant 1 : i32
    %and3A_1318 = vector.broadcast %and3A_1317 : i32 to vector<16xi32>
    %and3A_1319 = arith.andi %shift_right_arithmetic3A_1316, %and3A_1318 : vector<16xi32>
    %add3A_1320 = arith.addi %add3A_1313, %and3A_1319 : vector<16xi32>
    %add3A_1321 = arith.constant 64 : i32
    %add3A_1322 = vector.broadcast %add3A_1321 : i32 to vector<16xi32>
    %add3A_1323 = arith.addi %add3A_1322, %mul3A_5 : vector<16xi32>
    %scatter3A_1324 = arith.constant 5 : i32
    %scatter3A_1325 = arith.constant 0 : i32
    %scatter3A_1326 = tpu.memref_slice %arg8[%scatter3A_1324, %scatter3A_1325] : memref<8x128xi32, #tpu.memory_space<vmem>> -> memref<1x128xi32, #tpu.memory_space<vmem>>
    %scatter3A_1327 = tpu.memref_squeeze %scatter3A_1326 : memref<1x128xi32, #tpu.memory_space<vmem>> -> memref<128xi32, #tpu.memory_space<vmem>>
    tpu.vector_store_idx %scatter3A_1327[%add3A_1323], %add3A_1298 : memref<128xi32, #tpu.memory_space<vmem>>[vector<16xi32>], vector<16xi32>,
    %add3A_1328 = arith.constant 65 : i32
    %add3A_1329 = vector.broadcast %add3A_1328 : i32 to vector<16xi32>
    %add3A_1330 = arith.addi %add3A_1329, %mul3A_5 : vector<16xi32>
    %scatter3A_1331 = arith.constant 5 : i32
    %scatter3A_1332 = arith.constant 0 : i32
    %scatter3A_1333 = tpu.memref_slice %arg8[%scatter3A_1331, %scatter3A_1332] : memref<8x128xi32, #tpu.memory_space<vmem>> -> memref<1x128xi32, #tpu.memory_space<vmem>>
    %scatter3A_1334 = tpu.memref_squeeze %scatter3A_1333 : memref<1x128xi32, #tpu.memory_space<vmem>> -> memref<128xi32, #tpu.memory_space<vmem>>
    tpu.vector_store_idx %scatter3A_1334[%add3A_1330], %add3A_1320 : memref<128xi32, #tpu.memory_space<vmem>>[vector<16xi32>], vector<16xi32>,
    %get3A_1335 = arith.constant 368 : index
    %get3A_1336 = tpu.vector_load %arg6[%get3A_1335] {strides = array<i32>} : memref<512xi32, #tpu.memory_space<vmem>>, vector<16xi32>,
    %shift_right_arithmetic3A_1337 = arith.constant 13 : i32
    %shift_right_arithmetic3A_1338 = vector.broadcast %shift_right_arithmetic3A_1337 : i32 to vector<16xi32>
    %shift_right_arithmetic3A_1339 = arith.shrsi %get3A_1336, %shift_right_arithmetic3A_1338 : vector<16xi32>
    %shift_left3A_1340 = arith.constant 13 : i32
    %shift_left3A_1341 = vector.broadcast %shift_left3A_1340 : i32 to vector<16xi32>
    %shift_left3A_1342 = arith.shli %shift_right_arithmetic3A_1339, %shift_left3A_1341 : vector<16xi32>
    %and3A_1343 = arith.constant 4095 : i32
    %and3A_1344 = vector.broadcast %and3A_1343 : i32 to vector<16xi32>
    %and3A_1345 = arith.andi %get3A_1336, %and3A_1344 : vector<16xi32>
    %shift_left3A_1346 = arith.constant 1 : i32
    %shift_left3A_1347 = vector.broadcast %shift_left3A_1346 : i32 to vector<16xi32>
    %shift_left3A_1348 = arith.shli %and3A_1345, %shift_left3A_1347 : vector<16xi32>
    %add3A_1349 = arith.addi %shift_left3A_1342, %shift_left3A_1348 : vector<16xi32>
    %shift_right_arithmetic3A_1350 = arith.constant 12 : i32
    %shift_right_arithmetic3A_1351 = vector.broadcast %shift_right_arithmetic3A_1350 : i32 to vector<16xi32>
    %shift_right_arithmetic3A_1352 = arith.shrsi %get3A_1336, %shift_right_arithmetic3A_1351 : vector<16xi32>
    %and3A_1353 = arith.constant 1 : i32
    %and3A_1354 = vector.broadcast %and3A_1353 : i32 to vector<16xi32>
    %and3A_1355 = arith.andi %shift_right_arithmetic3A_1352, %and3A_1354 : vector<16xi32>
    %add3A_1356 = arith.addi %add3A_1349, %and3A_1355 : vector<16xi32>
    %get3A_1357 = arith.constant 368 : index
    %get3A_1358 = tpu.vector_load %arg7[%get3A_1357] {strides = array<i32>} : memref<512xi32, #tpu.memory_space<vmem>>, vector<16xi32>,
    %shift_right_arithmetic3A_1359 = arith.constant 13 : i32
    %shift_right_arithmetic3A_1360 = vector.broadcast %shift_right_arithmetic3A_1359 : i32 to vector<16xi32>
    %shift_right_arithmetic3A_1361 = arith.shrsi %get3A_1358, %shift_right_arithmetic3A_1360 : vector<16xi32>
    %shift_left3A_1362 = arith.constant 13 : i32
    %shift_left3A_1363 = vector.broadcast %shift_left3A_1362 : i32 to vector<16xi32>
    %shift_left3A_1364 = arith.shli %shift_right_arithmetic3A_1361, %shift_left3A_1363 : vector<16xi32>
    %and3A_1365 = arith.constant 4095 : i32
    %and3A_1366 = vector.broadcast %and3A_1365 : i32 to vector<16xi32>
    %and3A_1367 = arith.andi %get3A_1358, %and3A_1366 : vector<16xi32>
    %shift_left3A_1368 = arith.constant 1 : i32
    %shift_left3A_1369 = vector.broadcast %shift_left3A_1368 : i32 to vector<16xi32>
    %shift_left3A_1370 = arith.shli %and3A_1367, %shift_left3A_1369 : vector<16xi32>
    %add3A_1371 = arith.addi %shift_left3A_1364, %shift_left3A_1370 : vector<16xi32>
    %shift_right_arithmetic3A_1372 = arith.constant 12 : i32
    %shift_right_arithmetic3A_1373 = vector.broadcast %shift_right_arithmetic3A_1372 : i32 to vector<16xi32>
    %shift_right_arithmetic3A_1374 = arith.shrsi %get3A_1358, %shift_right_arithmetic3A_1373 : vector<16xi32>
    %and3A_1375 = arith.constant 1 : i32
    %and3A_1376 = vector.broadcast %and3A_1375 : i32 to vector<16xi32>
    %and3A_1377 = arith.andi %shift_right_arithmetic3A_1374, %and3A_1376 : vector<16xi32>
    %add3A_1378 = arith.addi %add3A_1371, %and3A_1377 : vector<16xi32>
    %add3A_1379 = arith.constant 96 : i32
    %add3A_1380 = vector.broadcast %add3A_1379 : i32 to vector<16xi32>
    %add3A_1381 = arith.addi %add3A_1380, %mul3A_5 : vector<16xi32>
    %scatter3A_1382 = arith.constant 5 : i32
    %scatter3A_1383 = arith.constant 0 : i32
    %scatter3A_1384 = tpu.memref_slice %arg8[%scatter3A_1382, %scatter3A_1383] : memref<8x128xi32, #tpu.memory_space<vmem>> -> memref<1x128xi32, #tpu.memory_space<vmem>>
    %scatter3A_1385 = tpu.memref_squeeze %scatter3A_1384 : memref<1x128xi32, #tpu.memory_space<vmem>> -> memref<128xi32, #tpu.memory_space<vmem>>
    tpu.vector_store_idx %scatter3A_1385[%add3A_1381], %add3A_1356 : memref<128xi32, #tpu.memory_space<vmem>>[vector<16xi32>], vector<16xi32>,
    %add3A_1386 = arith.constant 97 : i32
    %add3A_1387 = vector.broadcast %add3A_1386 : i32 to vector<16xi32>
    %add3A_1388 = arith.addi %add3A_1387, %mul3A_5 : vector<16xi32>
    %scatter3A_1389 = arith.constant 5 : i32
    %scatter3A_1390 = arith.constant 0 : i32
    %scatter3A_1391 = tpu.memref_slice %arg8[%scatter3A_1389, %scatter3A_1390] : memref<8x128xi32, #tpu.memory_space<vmem>> -> memref<1x128xi32, #tpu.memory_space<vmem>>
    %scatter3A_1392 = tpu.memref_squeeze %scatter3A_1391 : memref<1x128xi32, #tpu.memory_space<vmem>> -> memref<128xi32, #tpu.memory_space<vmem>>
    tpu.vector_store_idx %scatter3A_1392[%add3A_1388], %add3A_1378 : memref<128xi32, #tpu.memory_space<vmem>>[vector<16xi32>], vector<16xi32>,
    %get3A_1393 = arith.constant 384 : index
    %get3A_1394 = tpu.vector_load %arg6[%get3A_1393] {strides = array<i32>} : memref<512xi32, #tpu.memory_space<vmem>>, vector<16xi32>,
    %shift_right_arithmetic3A_1395 = arith.constant 13 : i32
    %shift_right_arithmetic3A_1396 = vector.broadcast %shift_right_arithmetic3A_1395 : i32 to vector<16xi32>
    %shift_right_arithmetic3A_1397 = arith.shrsi %get3A_1394, %shift_right_arithmetic3A_1396 : vector<16xi32>
    %shift_left3A_1398 = arith.constant 13 : i32
    %shift_left3A_1399 = vector.broadcast %shift_left3A_1398 : i32 to vector<16xi32>
    %shift_left3A_1400 = arith.shli %shift_right_arithmetic3A_1397, %shift_left3A_1399 : vector<16xi32>
    %and3A_1401 = arith.constant 4095 : i32
    %and3A_1402 = vector.broadcast %and3A_1401 : i32 to vector<16xi32>
    %and3A_1403 = arith.andi %get3A_1394, %and3A_1402 : vector<16xi32>
    %shift_left3A_1404 = arith.constant 1 : i32
    %shift_left3A_1405 = vector.broadcast %shift_left3A_1404 : i32 to vector<16xi32>
    %shift_left3A_1406 = arith.shli %and3A_1403, %shift_left3A_1405 : vector<16xi32>
    %add3A_1407 = arith.addi %shift_left3A_1400, %shift_left3A_1406 : vector<16xi32>
    %shift_right_arithmetic3A_1408 = arith.constant 12 : i32
    %shift_right_arithmetic3A_1409 = vector.broadcast %shift_right_arithmetic3A_1408 : i32 to vector<16xi32>
    %shift_right_arithmetic3A_1410 = arith.shrsi %get3A_1394, %shift_right_arithmetic3A_1409 : vector<16xi32>
    %and3A_1411 = arith.constant 1 : i32
    %and3A_1412 = vector.broadcast %and3A_1411 : i32 to vector<16xi32>
    %and3A_1413 = arith.andi %shift_right_arithmetic3A_1410, %and3A_1412 : vector<16xi32>
    %add3A_1414 = arith.addi %add3A_1407, %and3A_1413 : vector<16xi32>
    %get3A_1415 = arith.constant 384 : index
    %get3A_1416 = tpu.vector_load %arg7[%get3A_1415] {strides = array<i32>} : memref<512xi32, #tpu.memory_space<vmem>>, vector<16xi32>,
    %shift_right_arithmetic3A_1417 = arith.constant 13 : i32
    %shift_right_arithmetic3A_1418 = vector.broadcast %shift_right_arithmetic3A_1417 : i32 to vector<16xi32>
    %shift_right_arithmetic3A_1419 = arith.shrsi %get3A_1416, %shift_right_arithmetic3A_1418 : vector<16xi32>
    %shift_left3A_1420 = arith.constant 13 : i32
    %shift_left3A_1421 = vector.broadcast %shift_left3A_1420 : i32 to vector<16xi32>
    %shift_left3A_1422 = arith.shli %shift_right_arithmetic3A_1419, %shift_left3A_1421 : vector<16xi32>
    %and3A_1423 = arith.constant 4095 : i32
    %and3A_1424 = vector.broadcast %and3A_1423 : i32 to vector<16xi32>
    %and3A_1425 = arith.andi %get3A_1416, %and3A_1424 : vector<16xi32>
    %shift_left3A_1426 = arith.constant 1 : i32
    %shift_left3A_1427 = vector.broadcast %shift_left3A_1426 : i32 to vector<16xi32>
    %shift_left3A_1428 = arith.shli %and3A_1425, %shift_left3A_1427 : vector<16xi32>
    %add3A_1429 = arith.addi %shift_left3A_1422, %shift_left3A_1428 : vector<16xi32>
    %shift_right_arithmetic3A_1430 = arith.constant 12 : i32
    %shift_right_arithmetic3A_1431 = vector.broadcast %shift_right_arithmetic3A_1430 : i32 to vector<16xi32>
    %shift_right_arithmetic3A_1432 = arith.shrsi %get3A_1416, %shift_right_arithmetic3A_1431 : vector<16xi32>
    %and3A_1433 = arith.constant 1 : i32
    %and3A_1434 = vector.broadcast %and3A_1433 : i32 to vector<16xi32>
    %and3A_1435 = arith.andi %shift_right_arithmetic3A_1432, %and3A_1434 : vector<16xi32>
    %add3A_1436 = arith.addi %add3A_1429, %and3A_1435 : vector<16xi32>
    %add3A_1437 = arith.constant 0 : i32
    %add3A_1438 = vector.broadcast %add3A_1437 : i32 to vector<16xi32>
    %add3A_1439 = arith.addi %add3A_1438, %mul3A_5 : vector<16xi32>
    %scatter3A_1440 = arith.constant 6 : i32
    %scatter3A_1441 = arith.constant 0 : i32
    %scatter3A_1442 = tpu.memref_slice %arg8[%scatter3A_1440, %scatter3A_1441] : memref<8x128xi32, #tpu.memory_space<vmem>> -> memref<1x128xi32, #tpu.memory_space<vmem>>
    %scatter3A_1443 = tpu.memref_squeeze %scatter3A_1442 : memref<1x128xi32, #tpu.memory_space<vmem>> -> memref<128xi32, #tpu.memory_space<vmem>>
    tpu.vector_store_idx %scatter3A_1443[%add3A_1439], %add3A_1414 : memref<128xi32, #tpu.memory_space<vmem>>[vector<16xi32>], vector<16xi32>,
    %add3A_1444 = arith.constant 1 : i32
    %add3A_1445 = vector.broadcast %add3A_1444 : i32 to vector<16xi32>
    %add3A_1446 = arith.addi %add3A_1445, %mul3A_5 : vector<16xi32>
    %scatter3A_1447 = arith.constant 6 : i32
    %scatter3A_1448 = arith.constant 0 : i32
    %scatter3A_1449 = tpu.memref_slice %arg8[%scatter3A_1447, %scatter3A_1448] : memref<8x128xi32, #tpu.memory_space<vmem>> -> memref<1x128xi32, #tpu.memory_space<vmem>>
    %scatter3A_1450 = tpu.memref_squeeze %scatter3A_1449 : memref<1x128xi32, #tpu.memory_space<vmem>> -> memref<128xi32, #tpu.memory_space<vmem>>
    tpu.vector_store_idx %scatter3A_1450[%add3A_1446], %add3A_1436 : memref<128xi32, #tpu.memory_space<vmem>>[vector<16xi32>], vector<16xi32>,
    %get3A_1451 = arith.constant 400 : index
    %get3A_1452 = tpu.vector_load %arg6[%get3A_1451] {strides = array<i32>} : memref<512xi32, #tpu.memory_space<vmem>>, vector<16xi32>,
    %shift_right_arithmetic3A_1453 = arith.constant 13 : i32
    %shift_right_arithmetic3A_1454 = vector.broadcast %shift_right_arithmetic3A_1453 : i32 to vector<16xi32>
    %shift_right_arithmetic3A_1455 = arith.shrsi %get3A_1452, %shift_right_arithmetic3A_1454 : vector<16xi32>
    %shift_left3A_1456 = arith.constant 13 : i32
    %shift_left3A_1457 = vector.broadcast %shift_left3A_1456 : i32 to vector<16xi32>
    %shift_left3A_1458 = arith.shli %shift_right_arithmetic3A_1455, %shift_left3A_1457 : vector<16xi32>
    %and3A_1459 = arith.constant 4095 : i32
    %and3A_1460 = vector.broadcast %and3A_1459 : i32 to vector<16xi32>
    %and3A_1461 = arith.andi %get3A_1452, %and3A_1460 : vector<16xi32>
    %shift_left3A_1462 = arith.constant 1 : i32
    %shift_left3A_1463 = vector.broadcast %shift_left3A_1462 : i32 to vector<16xi32>
    %shift_left3A_1464 = arith.shli %and3A_1461, %shift_left3A_1463 : vector<16xi32>
    %add3A_1465 = arith.addi %shift_left3A_1458, %shift_left3A_1464 : vector<16xi32>
    %shift_right_arithmetic3A_1466 = arith.constant 12 : i32
    %shift_right_arithmetic3A_1467 = vector.broadcast %shift_right_arithmetic3A_1466 : i32 to vector<16xi32>
    %shift_right_arithmetic3A_1468 = arith.shrsi %get3A_1452, %shift_right_arithmetic3A_1467 : vector<16xi32>
    %and3A_1469 = arith.constant 1 : i32
    %and3A_1470 = vector.broadcast %and3A_1469 : i32 to vector<16xi32>
    %and3A_1471 = arith.andi %shift_right_arithmetic3A_1468, %and3A_1470 : vector<16xi32>
    %add3A_1472 = arith.addi %add3A_1465, %and3A_1471 : vector<16xi32>
    %get3A_1473 = arith.constant 400 : index
    %get3A_1474 = tpu.vector_load %arg7[%get3A_1473] {strides = array<i32>} : memref<512xi32, #tpu.memory_space<vmem>>, vector<16xi32>,
    %shift_right_arithmetic3A_1475 = arith.constant 13 : i32
    %shift_right_arithmetic3A_1476 = vector.broadcast %shift_right_arithmetic3A_1475 : i32 to vector<16xi32>
    %shift_right_arithmetic3A_1477 = arith.shrsi %get3A_1474, %shift_right_arithmetic3A_1476 : vector<16xi32>
    %shift_left3A_1478 = arith.constant 13 : i32
    %shift_left3A_1479 = vector.broadcast %shift_left3A_1478 : i32 to vector<16xi32>
    %shift_left3A_1480 = arith.shli %shift_right_arithmetic3A_1477, %shift_left3A_1479 : vector<16xi32>
    %and3A_1481 = arith.constant 4095 : i32
    %and3A_1482 = vector.broadcast %and3A_1481 : i32 to vector<16xi32>
    %and3A_1483 = arith.andi %get3A_1474, %and3A_1482 : vector<16xi32>
    %shift_left3A_1484 = arith.constant 1 : i32
    %shift_left3A_1485 = vector.broadcast %shift_left3A_1484 : i32 to vector<16xi32>
    %shift_left3A_1486 = arith.shli %and3A_1483, %shift_left3A_1485 : vector<16xi32>
    %add3A_1487 = arith.addi %shift_left3A_1480, %shift_left3A_1486 : vector<16xi32>
    %shift_right_arithmetic3A_1488 = arith.constant 12 : i32
    %shift_right_arithmetic3A_1489 = vector.broadcast %shift_right_arithmetic3A_1488 : i32 to vector<16xi32>
    %shift_right_arithmetic3A_1490 = arith.shrsi %get3A_1474, %shift_right_arithmetic3A_1489 : vector<16xi32>
    %and3A_1491 = arith.constant 1 : i32
    %and3A_1492 = vector.broadcast %and3A_1491 : i32 to vector<16xi32>
    %and3A_1493 = arith.andi %shift_right_arithmetic3A_1490, %and3A_1492 : vector<16xi32>
    %add3A_1494 = arith.addi %add3A_1487, %and3A_1493 : vector<16xi32>
    %add3A_1495 = arith.constant 32 : i32
    %add3A_1496 = vector.broadcast %add3A_1495 : i32 to vector<16xi32>
    %add3A_1497 = arith.addi %add3A_1496, %mul3A_5 : vector<16xi32>
    %scatter3A_1498 = arith.constant 6 : i32
    %scatter3A_1499 = arith.constant 0 : i32
    %scatter3A_1500 = tpu.memref_slice %arg8[%scatter3A_1498, %scatter3A_1499] : memref<8x128xi32, #tpu.memory_space<vmem>> -> memref<1x128xi32, #tpu.memory_space<vmem>>
    %scatter3A_1501 = tpu.memref_squeeze %scatter3A_1500 : memref<1x128xi32, #tpu.memory_space<vmem>> -> memref<128xi32, #tpu.memory_space<vmem>>
    tpu.vector_store_idx %scatter3A_1501[%add3A_1497], %add3A_1472 : memref<128xi32, #tpu.memory_space<vmem>>[vector<16xi32>], vector<16xi32>,
    %add3A_1502 = arith.constant 33 : i32
    %add3A_1503 = vector.broadcast %add3A_1502 : i32 to vector<16xi32>
    %add3A_1504 = arith.addi %add3A_1503, %mul3A_5 : vector<16xi32>
    %scatter3A_1505 = arith.constant 6 : i32
    %scatter3A_1506 = arith.constant 0 : i32
    %scatter3A_1507 = tpu.memref_slice %arg8[%scatter3A_1505, %scatter3A_1506] : memref<8x128xi32, #tpu.memory_space<vmem>> -> memref<1x128xi32, #tpu.memory_space<vmem>>
    %scatter3A_1508 = tpu.memref_squeeze %scatter3A_1507 : memref<1x128xi32, #tpu.memory_space<vmem>> -> memref<128xi32, #tpu.memory_space<vmem>>
    tpu.vector_store_idx %scatter3A_1508[%add3A_1504], %add3A_1494 : memref<128xi32, #tpu.memory_space<vmem>>[vector<16xi32>], vector<16xi32>,
    %get3A_1509 = arith.constant 416 : index
    %get3A_1510 = tpu.vector_load %arg6[%get3A_1509] {strides = array<i32>} : memref<512xi32, #tpu.memory_space<vmem>>, vector<16xi32>,
    %shift_right_arithmetic3A_1511 = arith.constant 13 : i32
    %shift_right_arithmetic3A_1512 = vector.broadcast %shift_right_arithmetic3A_1511 : i32 to vector<16xi32>
    %shift_right_arithmetic3A_1513 = arith.shrsi %get3A_1510, %shift_right_arithmetic3A_1512 : vector<16xi32>
    %shift_left3A_1514 = arith.constant 13 : i32
    %shift_left3A_1515 = vector.broadcast %shift_left3A_1514 : i32 to vector<16xi32>
    %shift_left3A_1516 = arith.shli %shift_right_arithmetic3A_1513, %shift_left3A_1515 : vector<16xi32>
    %and3A_1517 = arith.constant 4095 : i32
    %and3A_1518 = vector.broadcast %and3A_1517 : i32 to vector<16xi32>
    %and3A_1519 = arith.andi %get3A_1510, %and3A_1518 : vector<16xi32>
    %shift_left3A_1520 = arith.constant 1 : i32
    %shift_left3A_1521 = vector.broadcast %shift_left3A_1520 : i32 to vector<16xi32>
    %shift_left3A_1522 = arith.shli %and3A_1519, %shift_left3A_1521 : vector<16xi32>
    %add3A_1523 = arith.addi %shift_left3A_1516, %shift_left3A_1522 : vector<16xi32>
    %shift_right_arithmetic3A_1524 = arith.constant 12 : i32
    %shift_right_arithmetic3A_1525 = vector.broadcast %shift_right_arithmetic3A_1524 : i32 to vector<16xi32>
    %shift_right_arithmetic3A_1526 = arith.shrsi %get3A_1510, %shift_right_arithmetic3A_1525 : vector<16xi32>
    %and3A_1527 = arith.constant 1 : i32
    %and3A_1528 = vector.broadcast %and3A_1527 : i32 to vector<16xi32>
    %and3A_1529 = arith.andi %shift_right_arithmetic3A_1526, %and3A_1528 : vector<16xi32>
    %add3A_1530 = arith.addi %add3A_1523, %and3A_1529 : vector<16xi32>
    %get3A_1531 = arith.constant 416 : index
    %get3A_1532 = tpu.vector_load %arg7[%get3A_1531] {strides = array<i32>} : memref<512xi32, #tpu.memory_space<vmem>>, vector<16xi32>,
    %shift_right_arithmetic3A_1533 = arith.constant 13 : i32
    %shift_right_arithmetic3A_1534 = vector.broadcast %shift_right_arithmetic3A_1533 : i32 to vector<16xi32>
    %shift_right_arithmetic3A_1535 = arith.shrsi %get3A_1532, %shift_right_arithmetic3A_1534 : vector<16xi32>
    %shift_left3A_1536 = arith.constant 13 : i32
    %shift_left3A_1537 = vector.broadcast %shift_left3A_1536 : i32 to vector<16xi32>
    %shift_left3A_1538 = arith.shli %shift_right_arithmetic3A_1535, %shift_left3A_1537 : vector<16xi32>
    %and3A_1539 = arith.constant 4095 : i32
    %and3A_1540 = vector.broadcast %and3A_1539 : i32 to vector<16xi32>
    %and3A_1541 = arith.andi %get3A_1532, %and3A_1540 : vector<16xi32>
    %shift_left3A_1542 = arith.constant 1 : i32
    %shift_left3A_1543 = vector.broadcast %shift_left3A_1542 : i32 to vector<16xi32>
    %shift_left3A_1544 = arith.shli %and3A_1541, %shift_left3A_1543 : vector<16xi32>
    %add3A_1545 = arith.addi %shift_left3A_1538, %shift_left3A_1544 : vector<16xi32>
    %shift_right_arithmetic3A_1546 = arith.constant 12 : i32
    %shift_right_arithmetic3A_1547 = vector.broadcast %shift_right_arithmetic3A_1546 : i32 to vector<16xi32>
    %shift_right_arithmetic3A_1548 = arith.shrsi %get3A_1532, %shift_right_arithmetic3A_1547 : vector<16xi32>
    %and3A_1549 = arith.constant 1 : i32
    %and3A_1550 = vector.broadcast %and3A_1549 : i32 to vector<16xi32>
    %and3A_1551 = arith.andi %shift_right_arithmetic3A_1548, %and3A_1550 : vector<16xi32>
    %add3A_1552 = arith.addi %add3A_1545, %and3A_1551 : vector<16xi32>
    %add3A_1553 = arith.constant 64 : i32
    %add3A_1554 = vector.broadcast %add3A_1553 : i32 to vector<16xi32>
    %add3A_1555 = arith.addi %add3A_1554, %mul3A_5 : vector<16xi32>
    %scatter3A_1556 = arith.constant 6 : i32
    %scatter3A_1557 = arith.constant 0 : i32
    %scatter3A_1558 = tpu.memref_slice %arg8[%scatter3A_1556, %scatter3A_1557] : memref<8x128xi32, #tpu.memory_space<vmem>> -> memref<1x128xi32, #tpu.memory_space<vmem>>
    %scatter3A_1559 = tpu.memref_squeeze %scatter3A_1558 : memref<1x128xi32, #tpu.memory_space<vmem>> -> memref<128xi32, #tpu.memory_space<vmem>>
    tpu.vector_store_idx %scatter3A_1559[%add3A_1555], %add3A_1530 : memref<128xi32, #tpu.memory_space<vmem>>[vector<16xi32>], vector<16xi32>,
    %add3A_1560 = arith.constant 65 : i32
    %add3A_1561 = vector.broadcast %add3A_1560 : i32 to vector<16xi32>
    %add3A_1562 = arith.addi %add3A_1561, %mul3A_5 : vector<16xi32>
    %scatter3A_1563 = arith.constant 6 : i32
    %scatter3A_1564 = arith.constant 0 : i32
    %scatter3A_1565 = tpu.memref_slice %arg8[%scatter3A_1563, %scatter3A_1564] : memref<8x128xi32, #tpu.memory_space<vmem>> -> memref<1x128xi32, #tpu.memory_space<vmem>>
    %scatter3A_1566 = tpu.memref_squeeze %scatter3A_1565 : memref<1x128xi32, #tpu.memory_space<vmem>> -> memref<128xi32, #tpu.memory_space<vmem>>
    tpu.vector_store_idx %scatter3A_1566[%add3A_1562], %add3A_1552 : memref<128xi32, #tpu.memory_space<vmem>>[vector<16xi32>], vector<16xi32>,
    %get3A_1567 = arith.constant 432 : index
    %get3A_1568 = tpu.vector_load %arg6[%get3A_1567] {strides = array<i32>} : memref<512xi32, #tpu.memory_space<vmem>>, vector<16xi32>,
    %shift_right_arithmetic3A_1569 = arith.constant 13 : i32
    %shift_right_arithmetic3A_1570 = vector.broadcast %shift_right_arithmetic3A_1569 : i32 to vector<16xi32>
    %shift_right_arithmetic3A_1571 = arith.shrsi %get3A_1568, %shift_right_arithmetic3A_1570 : vector<16xi32>
    %shift_left3A_1572 = arith.constant 13 : i32
    %shift_left3A_1573 = vector.broadcast %shift_left3A_1572 : i32 to vector<16xi32>
    %shift_left3A_1574 = arith.shli %shift_right_arithmetic3A_1571, %shift_left3A_1573 : vector<16xi32>
    %and3A_1575 = arith.constant 4095 : i32
    %and3A_1576 = vector.broadcast %and3A_1575 : i32 to vector<16xi32>
    %and3A_1577 = arith.andi %get3A_1568, %and3A_1576 : vector<16xi32>
    %shift_left3A_1578 = arith.constant 1 : i32
    %shift_left3A_1579 = vector.broadcast %shift_left3A_1578 : i32 to vector<16xi32>
    %shift_left3A_1580 = arith.shli %and3A_1577, %shift_left3A_1579 : vector<16xi32>
    %add3A_1581 = arith.addi %shift_left3A_1574, %shift_left3A_1580 : vector<16xi32>
    %shift_right_arithmetic3A_1582 = arith.constant 12 : i32
    %shift_right_arithmetic3A_1583 = vector.broadcast %shift_right_arithmetic3A_1582 : i32 to vector<16xi32>
    %shift_right_arithmetic3A_1584 = arith.shrsi %get3A_1568, %shift_right_arithmetic3A_1583 : vector<16xi32>
    %and3A_1585 = arith.constant 1 : i32
    %and3A_1586 = vector.broadcast %and3A_1585 : i32 to vector<16xi32>
    %and3A_1587 = arith.andi %shift_right_arithmetic3A_1584, %and3A_1586 : vector<16xi32>
    %add3A_1588 = arith.addi %add3A_1581, %and3A_1587 : vector<16xi32>
    %get3A_1589 = arith.constant 432 : index
    %get3A_1590 = tpu.vector_load %arg7[%get3A_1589] {strides = array<i32>} : memref<512xi32, #tpu.memory_space<vmem>>, vector<16xi32>,
    %shift_right_arithmetic3A_1591 = arith.constant 13 : i32
    %shift_right_arithmetic3A_1592 = vector.broadcast %shift_right_arithmetic3A_1591 : i32 to vector<16xi32>
    %shift_right_arithmetic3A_1593 = arith.shrsi %get3A_1590, %shift_right_arithmetic3A_1592 : vector<16xi32>
    %shift_left3A_1594 = arith.constant 13 : i32
    %shift_left3A_1595 = vector.broadcast %shift_left3A_1594 : i32 to vector<16xi32>
    %shift_left3A_1596 = arith.shli %shift_right_arithmetic3A_1593, %shift_left3A_1595 : vector<16xi32>
    %and3A_1597 = arith.constant 4095 : i32
    %and3A_1598 = vector.broadcast %and3A_1597 : i32 to vector<16xi32>
    %and3A_1599 = arith.andi %get3A_1590, %and3A_1598 : vector<16xi32>
    %shift_left3A_1600 = arith.constant 1 : i32
    %shift_left3A_1601 = vector.broadcast %shift_left3A_1600 : i32 to vector<16xi32>
    %shift_left3A_1602 = arith.shli %and3A_1599, %shift_left3A_1601 : vector<16xi32>
    %add3A_1603 = arith.addi %shift_left3A_1596, %shift_left3A_1602 : vector<16xi32>
    %shift_right_arithmetic3A_1604 = arith.constant 12 : i32
    %shift_right_arithmetic3A_1605 = vector.broadcast %shift_right_arithmetic3A_1604 : i32 to vector<16xi32>
    %shift_right_arithmetic3A_1606 = arith.shrsi %get3A_1590, %shift_right_arithmetic3A_1605 : vector<16xi32>
    %and3A_1607 = arith.constant 1 : i32
    %and3A_1608 = vector.broadcast %and3A_1607 : i32 to vector<16xi32>
    %and3A_1609 = arith.andi %shift_right_arithmetic3A_1606, %and3A_1608 : vector<16xi32>
    %add3A_1610 = arith.addi %add3A_1603, %and3A_1609 : vector<16xi32>
    %add3A_1611 = arith.constant 96 : i32
    %add3A_1612 = vector.broadcast %add3A_1611 : i32 to vector<16xi32>
    %add3A_1613 = arith.addi %add3A_1612, %mul3A_5 : vector<16xi32>
    %scatter3A_1614 = arith.constant 6 : i32
    %scatter3A_1615 = arith.constant 0 : i32
    %scatter3A_1616 = tpu.memref_slice %arg8[%scatter3A_1614, %scatter3A_1615] : memref<8x128xi32, #tpu.memory_space<vmem>> -> memref<1x128xi32, #tpu.memory_space<vmem>>
    %scatter3A_1617 = tpu.memref_squeeze %scatter3A_1616 : memref<1x128xi32, #tpu.memory_space<vmem>> -> memref<128xi32, #tpu.memory_space<vmem>>
    tpu.vector_store_idx %scatter3A_1617[%add3A_1613], %add3A_1588 : memref<128xi32, #tpu.memory_space<vmem>>[vector<16xi32>], vector<16xi32>,
    %add3A_1618 = arith.constant 97 : i32
    %add3A_1619 = vector.broadcast %add3A_1618 : i32 to vector<16xi32>
    %add3A_1620 = arith.addi %add3A_1619, %mul3A_5 : vector<16xi32>
    %scatter3A_1621 = arith.constant 6 : i32
    %scatter3A_1622 = arith.constant 0 : i32
    %scatter3A_1623 = tpu.memref_slice %arg8[%scatter3A_1621, %scatter3A_1622] : memref<8x128xi32, #tpu.memory_space<vmem>> -> memref<1x128xi32, #tpu.memory_space<vmem>>
    %scatter3A_1624 = tpu.memref_squeeze %scatter3A_1623 : memref<1x128xi32, #tpu.memory_space<vmem>> -> memref<128xi32, #tpu.memory_space<vmem>>
    tpu.vector_store_idx %scatter3A_1624[%add3A_1620], %add3A_1610 : memref<128xi32, #tpu.memory_space<vmem>>[vector<16xi32>], vector<16xi32>,
    %get3A_1625 = arith.constant 448 : index
    %get3A_1626 = tpu.vector_load %arg6[%get3A_1625] {strides = array<i32>} : memref<512xi32, #tpu.memory_space<vmem>>, vector<16xi32>,
    %shift_right_arithmetic3A_1627 = arith.constant 13 : i32
    %shift_right_arithmetic3A_1628 = vector.broadcast %shift_right_arithmetic3A_1627 : i32 to vector<16xi32>
    %shift_right_arithmetic3A_1629 = arith.shrsi %get3A_1626, %shift_right_arithmetic3A_1628 : vector<16xi32>
    %shift_left3A_1630 = arith.constant 13 : i32
    %shift_left3A_1631 = vector.broadcast %shift_left3A_1630 : i32 to vector<16xi32>
    %shift_left3A_1632 = arith.shli %shift_right_arithmetic3A_1629, %shift_left3A_1631 : vector<16xi32>
    %and3A_1633 = arith.constant 4095 : i32
    %and3A_1634 = vector.broadcast %and3A_1633 : i32 to vector<16xi32>
    %and3A_1635 = arith.andi %get3A_1626, %and3A_1634 : vector<16xi32>
    %shift_left3A_1636 = arith.constant 1 : i32
    %shift_left3A_1637 = vector.broadcast %shift_left3A_1636 : i32 to vector<16xi32>
    %shift_left3A_1638 = arith.shli %and3A_1635, %shift_left3A_1637 : vector<16xi32>
    %add3A_1639 = arith.addi %shift_left3A_1632, %shift_left3A_1638 : vector<16xi32>
    %shift_right_arithmetic3A_1640 = arith.constant 12 : i32
    %shift_right_arithmetic3A_1641 = vector.broadcast %shift_right_arithmetic3A_1640 : i32 to vector<16xi32>
    %shift_right_arithmetic3A_1642 = arith.shrsi %get3A_1626, %shift_right_arithmetic3A_1641 : vector<16xi32>
    %and3A_1643 = arith.constant 1 : i32
    %and3A_1644 = vector.broadcast %and3A_1643 : i32 to vector<16xi32>
    %and3A_1645 = arith.andi %shift_right_arithmetic3A_1642, %and3A_1644 : vector<16xi32>
    %add3A_1646 = arith.addi %add3A_1639, %and3A_1645 : vector<16xi32>
    %get3A_1647 = arith.constant 448 : index
    %get3A_1648 = tpu.vector_load %arg7[%get3A_1647] {strides = array<i32>} : memref<512xi32, #tpu.memory_space<vmem>>, vector<16xi32>,
    %shift_right_arithmetic3A_1649 = arith.constant 13 : i32
    %shift_right_arithmetic3A_1650 = vector.broadcast %shift_right_arithmetic3A_1649 : i32 to vector<16xi32>
    %shift_right_arithmetic3A_1651 = arith.shrsi %get3A_1648, %shift_right_arithmetic3A_1650 : vector<16xi32>
    %shift_left3A_1652 = arith.constant 13 : i32
    %shift_left3A_1653 = vector.broadcast %shift_left3A_1652 : i32 to vector<16xi32>
    %shift_left3A_1654 = arith.shli %shift_right_arithmetic3A_1651, %shift_left3A_1653 : vector<16xi32>
    %and3A_1655 = arith.constant 4095 : i32
    %and3A_1656 = vector.broadcast %and3A_1655 : i32 to vector<16xi32>
    %and3A_1657 = arith.andi %get3A_1648, %and3A_1656 : vector<16xi32>
    %shift_left3A_1658 = arith.constant 1 : i32
    %shift_left3A_1659 = vector.broadcast %shift_left3A_1658 : i32 to vector<16xi32>
    %shift_left3A_1660 = arith.shli %and3A_1657, %shift_left3A_1659 : vector<16xi32>
    %add3A_1661 = arith.addi %shift_left3A_1654, %shift_left3A_1660 : vector<16xi32>
    %shift_right_arithmetic3A_1662 = arith.constant 12 : i32
    %shift_right_arithmetic3A_1663 = vector.broadcast %shift_right_arithmetic3A_1662 : i32 to vector<16xi32>
    %shift_right_arithmetic3A_1664 = arith.shrsi %get3A_1648, %shift_right_arithmetic3A_1663 : vector<16xi32>
    %and3A_1665 = arith.constant 1 : i32
    %and3A_1666 = vector.broadcast %and3A_1665 : i32 to vector<16xi32>
    %and3A_1667 = arith.andi %shift_right_arithmetic3A_1664, %and3A_1666 : vector<16xi32>
    %add3A_1668 = arith.addi %add3A_1661, %and3A_1667 : vector<16xi32>
    %add3A_1669 = arith.constant 0 : i32
    %add3A_1670 = vector.broadcast %add3A_1669 : i32 to vector<16xi32>
    %add3A_1671 = arith.addi %add3A_1670, %mul3A_5 : vector<16xi32>
    %scatter3A_1672 = arith.constant 7 : i32
    %scatter3A_1673 = arith.constant 0 : i32
    %scatter3A_1674 = tpu.memref_slice %arg8[%scatter3A_1672, %scatter3A_1673] : memref<8x128xi32, #tpu.memory_space<vmem>> -> memref<1x128xi32, #tpu.memory_space<vmem>>
    %scatter3A_1675 = tpu.memref_squeeze %scatter3A_1674 : memref<1x128xi32, #tpu.memory_space<vmem>> -> memref<128xi32, #tpu.memory_space<vmem>>
    tpu.vector_store_idx %scatter3A_1675[%add3A_1671], %add3A_1646 : memref<128xi32, #tpu.memory_space<vmem>>[vector<16xi32>], vector<16xi32>,
    %add3A_1676 = arith.constant 1 : i32
    %add3A_1677 = vector.broadcast %add3A_1676 : i32 to vector<16xi32>
    %add3A_1678 = arith.addi %add3A_1677, %mul3A_5 : vector<16xi32>
    %scatter3A_1679 = arith.constant 7 : i32
    %scatter3A_1680 = arith.constant 0 : i32
    %scatter3A_1681 = tpu.memref_slice %arg8[%scatter3A_1679, %scatter3A_1680] : memref<8x128xi32, #tpu.memory_space<vmem>> -> memref<1x128xi32, #tpu.memory_space<vmem>>
    %scatter3A_1682 = tpu.memref_squeeze %scatter3A_1681 : memref<1x128xi32, #tpu.memory_space<vmem>> -> memref<128xi32, #tpu.memory_space<vmem>>
    tpu.vector_store_idx %scatter3A_1682[%add3A_1678], %add3A_1668 : memref<128xi32, #tpu.memory_space<vmem>>[vector<16xi32>], vector<16xi32>,
    %get3A_1683 = arith.constant 464 : index
    %get3A_1684 = tpu.vector_load %arg6[%get3A_1683] {strides = array<i32>} : memref<512xi32, #tpu.memory_space<vmem>>, vector<16xi32>,
    %shift_right_arithmetic3A_1685 = arith.constant 13 : i32
    %shift_right_arithmetic3A_1686 = vector.broadcast %shift_right_arithmetic3A_1685 : i32 to vector<16xi32>
    %shift_right_arithmetic3A_1687 = arith.shrsi %get3A_1684, %shift_right_arithmetic3A_1686 : vector<16xi32>
    %shift_left3A_1688 = arith.constant 13 : i32
    %shift_left3A_1689 = vector.broadcast %shift_left3A_1688 : i32 to vector<16xi32>
    %shift_left3A_1690 = arith.shli %shift_right_arithmetic3A_1687, %shift_left3A_1689 : vector<16xi32>
    %and3A_1691 = arith.constant 4095 : i32
    %and3A_1692 = vector.broadcast %and3A_1691 : i32 to vector<16xi32>
    %and3A_1693 = arith.andi %get3A_1684, %and3A_1692 : vector<16xi32>
    %shift_left3A_1694 = arith.constant 1 : i32
    %shift_left3A_1695 = vector.broadcast %shift_left3A_1694 : i32 to vector<16xi32>
    %shift_left3A_1696 = arith.shli %and3A_1693, %shift_left3A_1695 : vector<16xi32>
    %add3A_1697 = arith.addi %shift_left3A_1690, %shift_left3A_1696 : vector<16xi32>
    %shift_right_arithmetic3A_1698 = arith.constant 12 : i32
    %shift_right_arithmetic3A_1699 = vector.broadcast %shift_right_arithmetic3A_1698 : i32 to vector<16xi32>
    %shift_right_arithmetic3A_1700 = arith.shrsi %get3A_1684, %shift_right_arithmetic3A_1699 : vector<16xi32>
    %and3A_1701 = arith.constant 1 : i32
    %and3A_1702 = vector.broadcast %and3A_1701 : i32 to vector<16xi32>
    %and3A_1703 = arith.andi %shift_right_arithmetic3A_1700, %and3A_1702 : vector<16xi32>
    %add3A_1704 = arith.addi %add3A_1697, %and3A_1703 : vector<16xi32>
    %get3A_1705 = arith.constant 464 : index
    %get3A_1706 = tpu.vector_load %arg7[%get3A_1705] {strides = array<i32>} : memref<512xi32, #tpu.memory_space<vmem>>, vector<16xi32>,
    %shift_right_arithmetic3A_1707 = arith.constant 13 : i32
    %shift_right_arithmetic3A_1708 = vector.broadcast %shift_right_arithmetic3A_1707 : i32 to vector<16xi32>
    %shift_right_arithmetic3A_1709 = arith.shrsi %get3A_1706, %shift_right_arithmetic3A_1708 : vector<16xi32>
    %shift_left3A_1710 = arith.constant 13 : i32
    %shift_left3A_1711 = vector.broadcast %shift_left3A_1710 : i32 to vector<16xi32>
    %shift_left3A_1712 = arith.shli %shift_right_arithmetic3A_1709, %shift_left3A_1711 : vector<16xi32>
    %and3A_1713 = arith.constant 4095 : i32
    %and3A_1714 = vector.broadcast %and3A_1713 : i32 to vector<16xi32>
    %and3A_1715 = arith.andi %get3A_1706, %and3A_1714 : vector<16xi32>
    %shift_left3A_1716 = arith.constant 1 : i32
    %shift_left3A_1717 = vector.broadcast %shift_left3A_1716 : i32 to vector<16xi32>
    %shift_left3A_1718 = arith.shli %and3A_1715, %shift_left3A_1717 : vector<16xi32>
    %add3A_1719 = arith.addi %shift_left3A_1712, %shift_left3A_1718 : vector<16xi32>
    %shift_right_arithmetic3A_1720 = arith.constant 12 : i32
    %shift_right_arithmetic3A_1721 = vector.broadcast %shift_right_arithmetic3A_1720 : i32 to vector<16xi32>
    %shift_right_arithmetic3A_1722 = arith.shrsi %get3A_1706, %shift_right_arithmetic3A_1721 : vector<16xi32>
    %and3A_1723 = arith.constant 1 : i32
    %and3A_1724 = vector.broadcast %and3A_1723 : i32 to vector<16xi32>
    %and3A_1725 = arith.andi %shift_right_arithmetic3A_1722, %and3A_1724 : vector<16xi32>
    %add3A_1726 = arith.addi %add3A_1719, %and3A_1725 : vector<16xi32>
    %add3A_1727 = arith.constant 32 : i32
    %add3A_1728 = vector.broadcast %add3A_1727 : i32 to vector<16xi32>
    %add3A_1729 = arith.addi %add3A_1728, %mul3A_5 : vector<16xi32>
    %scatter3A_1730 = arith.constant 7 : i32
    %scatter3A_1731 = arith.constant 0 : i32
    %scatter3A_1732 = tpu.memref_slice %arg8[%scatter3A_1730, %scatter3A_1731] : memref<8x128xi32, #tpu.memory_space<vmem>> -> memref<1x128xi32, #tpu.memory_space<vmem>>
    %scatter3A_1733 = tpu.memref_squeeze %scatter3A_1732 : memref<1x128xi32, #tpu.memory_space<vmem>> -> memref<128xi32, #tpu.memory_space<vmem>>
    tpu.vector_store_idx %scatter3A_1733[%add3A_1729], %add3A_1704 : memref<128xi32, #tpu.memory_space<vmem>>[vector<16xi32>], vector<16xi32>,
    %add3A_1734 = arith.constant 33 : i32
    %add3A_1735 = vector.broadcast %add3A_1734 : i32 to vector<16xi32>
    %add3A_1736 = arith.addi %add3A_1735, %mul3A_5 : vector<16xi32>
    %scatter3A_1737 = arith.constant 7 : i32
    %scatter3A_1738 = arith.constant 0 : i32
    %scatter3A_1739 = tpu.memref_slice %arg8[%scatter3A_1737, %scatter3A_1738] : memref<8x128xi32, #tpu.memory_space<vmem>> -> memref<1x128xi32, #tpu.memory_space<vmem>>
    %scatter3A_1740 = tpu.memref_squeeze %scatter3A_1739 : memref<1x128xi32, #tpu.memory_space<vmem>> -> memref<128xi32, #tpu.memory_space<vmem>>
    tpu.vector_store_idx %scatter3A_1740[%add3A_1736], %add3A_1726 : memref<128xi32, #tpu.memory_space<vmem>>[vector<16xi32>], vector<16xi32>,
    %get3A_1741 = arith.constant 480 : index
    %get3A_1742 = tpu.vector_load %arg6[%get3A_1741] {strides = array<i32>} : memref<512xi32, #tpu.memory_space<vmem>>, vector<16xi32>,
    %shift_right_arithmetic3A_1743 = arith.constant 13 : i32
    %shift_right_arithmetic3A_1744 = vector.broadcast %shift_right_arithmetic3A_1743 : i32 to vector<16xi32>
    %shift_right_arithmetic3A_1745 = arith.shrsi %get3A_1742, %shift_right_arithmetic3A_1744 : vector<16xi32>
    %shift_left3A_1746 = arith.constant 13 : i32
    %shift_left3A_1747 = vector.broadcast %shift_left3A_1746 : i32 to vector<16xi32>
    %shift_left3A_1748 = arith.shli %shift_right_arithmetic3A_1745, %shift_left3A_1747 : vector<16xi32>
    %and3A_1749 = arith.constant 4095 : i32
    %and3A_1750 = vector.broadcast %and3A_1749 : i32 to vector<16xi32>
    %and3A_1751 = arith.andi %get3A_1742, %and3A_1750 : vector<16xi32>
    %shift_left3A_1752 = arith.constant 1 : i32
    %shift_left3A_1753 = vector.broadcast %shift_left3A_1752 : i32 to vector<16xi32>
    %shift_left3A_1754 = arith.shli %and3A_1751, %shift_left3A_1753 : vector<16xi32>
    %add3A_1755 = arith.addi %shift_left3A_1748, %shift_left3A_1754 : vector<16xi32>
    %shift_right_arithmetic3A_1756 = arith.constant 12 : i32
    %shift_right_arithmetic3A_1757 = vector.broadcast %shift_right_arithmetic3A_1756 : i32 to vector<16xi32>
    %shift_right_arithmetic3A_1758 = arith.shrsi %get3A_1742, %shift_right_arithmetic3A_1757 : vector<16xi32>
    %and3A_1759 = arith.constant 1 : i32
    %and3A_1760 = vector.broadcast %and3A_1759 : i32 to vector<16xi32>
    %and3A_1761 = arith.andi %shift_right_arithmetic3A_1758, %and3A_1760 : vector<16xi32>
    %add3A_1762 = arith.addi %add3A_1755, %and3A_1761 : vector<16xi32>
    %get3A_1763 = arith.constant 480 : index
    %get3A_1764 = tpu.vector_load %arg7[%get3A_1763] {strides = array<i32>} : memref<512xi32, #tpu.memory_space<vmem>>, vector<16xi32>,
    %shift_right_arithmetic3A_1765 = arith.constant 13 : i32
    %shift_right_arithmetic3A_1766 = vector.broadcast %shift_right_arithmetic3A_1765 : i32 to vector<16xi32>
    %shift_right_arithmetic3A_1767 = arith.shrsi %get3A_1764, %shift_right_arithmetic3A_1766 : vector<16xi32>
    %shift_left3A_1768 = arith.constant 13 : i32
    %shift_left3A_1769 = vector.broadcast %shift_left3A_1768 : i32 to vector<16xi32>
    %shift_left3A_1770 = arith.shli %shift_right_arithmetic3A_1767, %shift_left3A_1769 : vector<16xi32>
    %and3A_1771 = arith.constant 4095 : i32
    %and3A_1772 = vector.broadcast %and3A_1771 : i32 to vector<16xi32>
    %and3A_1773 = arith.andi %get3A_1764, %and3A_1772 : vector<16xi32>
    %shift_left3A_1774 = arith.constant 1 : i32
    %shift_left3A_1775 = vector.broadcast %shift_left3A_1774 : i32 to vector<16xi32>
    %shift_left3A_1776 = arith.shli %and3A_1773, %shift_left3A_1775 : vector<16xi32>
    %add3A_1777 = arith.addi %shift_left3A_1770, %shift_left3A_1776 : vector<16xi32>
    %shift_right_arithmetic3A_1778 = arith.constant 12 : i32
    %shift_right_arithmetic3A_1779 = vector.broadcast %shift_right_arithmetic3A_1778 : i32 to vector<16xi32>
    %shift_right_arithmetic3A_1780 = arith.shrsi %get3A_1764, %shift_right_arithmetic3A_1779 : vector<16xi32>
    %and3A_1781 = arith.constant 1 : i32
    %and3A_1782 = vector.broadcast %and3A_1781 : i32 to vector<16xi32>
    %and3A_1783 = arith.andi %shift_right_arithmetic3A_1780, %and3A_1782 : vector<16xi32>
    %add3A_1784 = arith.addi %add3A_1777, %and3A_1783 : vector<16xi32>
    %add3A_1785 = arith.constant 64 : i32
    %add3A_1786 = vector.broadcast %add3A_1785 : i32 to vector<16xi32>
    %add3A_1787 = arith.addi %add3A_1786, %mul3A_5 : vector<16xi32>
    %scatter3A_1788 = arith.constant 7 : i32
    %scatter3A_1789 = arith.constant 0 : i32
    %scatter3A_1790 = tpu.memref_slice %arg8[%scatter3A_1788, %scatter3A_1789] : memref<8x128xi32, #tpu.memory_space<vmem>> -> memref<1x128xi32, #tpu.memory_space<vmem>>
    %scatter3A_1791 = tpu.memref_squeeze %scatter3A_1790 : memref<1x128xi32, #tpu.memory_space<vmem>> -> memref<128xi32, #tpu.memory_space<vmem>>
    tpu.vector_store_idx %scatter3A_1791[%add3A_1787], %add3A_1762 : memref<128xi32, #tpu.memory_space<vmem>>[vector<16xi32>], vector<16xi32>,
    %add3A_1792 = arith.constant 65 : i32
    %add3A_1793 = vector.broadcast %add3A_1792 : i32 to vector<16xi32>
    %add3A_1794 = arith.addi %add3A_1793, %mul3A_5 : vector<16xi32>
    %scatter3A_1795 = arith.constant 7 : i32
    %scatter3A_1796 = arith.constant 0 : i32
    %scatter3A_1797 = tpu.memref_slice %arg8[%scatter3A_1795, %scatter3A_1796] : memref<8x128xi32, #tpu.memory_space<vmem>> -> memref<1x128xi32, #tpu.memory_space<vmem>>
    %scatter3A_1798 = tpu.memref_squeeze %scatter3A_1797 : memref<1x128xi32, #tpu.memory_space<vmem>> -> memref<128xi32, #tpu.memory_space<vmem>>
    tpu.vector_store_idx %scatter3A_1798[%add3A_1794], %add3A_1784 : memref<128xi32, #tpu.memory_space<vmem>>[vector<16xi32>], vector<16xi32>,
    %get3A_1799 = arith.constant 496 : index
    %get3A_1800 = tpu.vector_load %arg6[%get3A_1799] {strides = array<i32>} : memref<512xi32, #tpu.memory_space<vmem>>, vector<16xi32>,
    %shift_right_arithmetic3A_1801 = arith.constant 13 : i32
    %shift_right_arithmetic3A_1802 = vector.broadcast %shift_right_arithmetic3A_1801 : i32 to vector<16xi32>
    %shift_right_arithmetic3A_1803 = arith.shrsi %get3A_1800, %shift_right_arithmetic3A_1802 : vector<16xi32>
    %shift_left3A_1804 = arith.constant 13 : i32
    %shift_left3A_1805 = vector.broadcast %shift_left3A_1804 : i32 to vector<16xi32>
    %shift_left3A_1806 = arith.shli %shift_right_arithmetic3A_1803, %shift_left3A_1805 : vector<16xi32>
    %and3A_1807 = arith.constant 4095 : i32
    %and3A_1808 = vector.broadcast %and3A_1807 : i32 to vector<16xi32>
    %and3A_1809 = arith.andi %get3A_1800, %and3A_1808 : vector<16xi32>
    %shift_left3A_1810 = arith.constant 1 : i32
    %shift_left3A_1811 = vector.broadcast %shift_left3A_1810 : i32 to vector<16xi32>
    %shift_left3A_1812 = arith.shli %and3A_1809, %shift_left3A_1811 : vector<16xi32>
    %add3A_1813 = arith.addi %shift_left3A_1806, %shift_left3A_1812 : vector<16xi32>
    %shift_right_arithmetic3A_1814 = arith.constant 12 : i32
    %shift_right_arithmetic3A_1815 = vector.broadcast %shift_right_arithmetic3A_1814 : i32 to vector<16xi32>
    %shift_right_arithmetic3A_1816 = arith.shrsi %get3A_1800, %shift_right_arithmetic3A_1815 : vector<16xi32>
    %and3A_1817 = arith.constant 1 : i32
    %and3A_1818 = vector.broadcast %and3A_1817 : i32 to vector<16xi32>
    %and3A_1819 = arith.andi %shift_right_arithmetic3A_1816, %and3A_1818 : vector<16xi32>
    %add3A_1820 = arith.addi %add3A_1813, %and3A_1819 : vector<16xi32>
    %get3A_1821 = arith.constant 496 : index
    %get3A_1822 = tpu.vector_load %arg7[%get3A_1821] {strides = array<i32>} : memref<512xi32, #tpu.memory_space<vmem>>, vector<16xi32>,
    %shift_right_arithmetic3A_1823 = arith.constant 13 : i32
    %shift_right_arithmetic3A_1824 = vector.broadcast %shift_right_arithmetic3A_1823 : i32 to vector<16xi32>
    %shift_right_arithmetic3A_1825 = arith.shrsi %get3A_1822, %shift_right_arithmetic3A_1824 : vector<16xi32>
    %shift_left3A_1826 = arith.constant 13 : i32
    %shift_left3A_1827 = vector.broadcast %shift_left3A_1826 : i32 to vector<16xi32>
    %shift_left3A_1828 = arith.shli %shift_right_arithmetic3A_1825, %shift_left3A_1827 : vector<16xi32>
    %and3A_1829 = arith.constant 4095 : i32
    %and3A_1830 = vector.broadcast %and3A_1829 : i32 to vector<16xi32>
    %and3A_1831 = arith.andi %get3A_1822, %and3A_1830 : vector<16xi32>
    %shift_left3A_1832 = arith.constant 1 : i32
    %shift_left3A_1833 = vector.broadcast %shift_left3A_1832 : i32 to vector<16xi32>
    %shift_left3A_1834 = arith.shli %and3A_1831, %shift_left3A_1833 : vector<16xi32>
    %add3A_1835 = arith.addi %shift_left3A_1828, %shift_left3A_1834 : vector<16xi32>
    %shift_right_arithmetic3A_1836 = arith.constant 12 : i32
    %shift_right_arithmetic3A_1837 = vector.broadcast %shift_right_arithmetic3A_1836 : i32 to vector<16xi32>
    %shift_right_arithmetic3A_1838 = arith.shrsi %get3A_1822, %shift_right_arithmetic3A_1837 : vector<16xi32>
    %and3A_1839 = arith.constant 1 : i32
    %and3A_1840 = vector.broadcast %and3A_1839 : i32 to vector<16xi32>
    %and3A_1841 = arith.andi %shift_right_arithmetic3A_1838, %and3A_1840 : vector<16xi32>
    %add3A_1842 = arith.addi %add3A_1835, %and3A_1841 : vector<16xi32>
    %add3A_1843 = arith.constant 96 : i32
    %add3A_1844 = vector.broadcast %add3A_1843 : i32 to vector<16xi32>
    %add3A_1845 = arith.addi %add3A_1844, %mul3A_5 : vector<16xi32>
    %scatter3A_1846 = arith.constant 7 : i32
    %scatter3A_1847 = arith.constant 0 : i32
    %scatter3A_1848 = tpu.memref_slice %arg8[%scatter3A_1846, %scatter3A_1847] : memref<8x128xi32, #tpu.memory_space<vmem>> -> memref<1x128xi32, #tpu.memory_space<vmem>>
    %scatter3A_1849 = tpu.memref_squeeze %scatter3A_1848 : memref<1x128xi32, #tpu.memory_space<vmem>> -> memref<128xi32, #tpu.memory_space<vmem>>
    tpu.vector_store_idx %scatter3A_1849[%add3A_1845], %add3A_1820 : memref<128xi32, #tpu.memory_space<vmem>>[vector<16xi32>], vector<16xi32>,
    %add3A_1850 = arith.constant 97 : i32
    %add3A_1851 = vector.broadcast %add3A_1850 : i32 to vector<16xi32>
    %add3A_1852 = arith.addi %add3A_1851, %mul3A_5 : vector<16xi32>
    %scatter3A_1853 = arith.constant 7 : i32
    %scatter3A_1854 = arith.constant 0 : i32
    %scatter3A_1855 = tpu.memref_slice %arg8[%scatter3A_1853, %scatter3A_1854] : memref<8x128xi32, #tpu.memory_space<vmem>> -> memref<1x128xi32, #tpu.memory_space<vmem>>
    %scatter3A_1856 = tpu.memref_squeeze %scatter3A_1855 : memref<1x128xi32, #tpu.memory_space<vmem>> -> memref<128xi32, #tpu.memory_space<vmem>>
    tpu.vector_store_idx %scatter3A_1856[%add3A_1852], %add3A_1842 : memref<128xi32, #tpu.memory_space<vmem>>[vector<16xi32>], vector<16xi32>,
    %dma_start3A = arith.constant 0 : i32
    %dma_start3A_1857 = arith.constant 0 : i32
    %dma_start3A_1858 = arith.constant 0 : i32
    %dma_start3A_1859 = tpu.memref_slice %arg9[%dma_start3A_1857, %dma_start3A_1858] : memref<1024x64xf32, #tpu.memory_space<vmem>> -> memref<128x64xf32, #tpu.memory_space<vmem>>
    %dma_start3A_1860 = arith.constant 0 : i32
    %dma_start3A_1861 = tpu.memref_slice %arg8[%dma_start3A, %dma_start3A_1860] : memref<8x128xi32, #tpu.memory_space<vmem>> -> memref<1x128xi32, #tpu.memory_space<vmem>>
    %dma_start3A_1862 = tpu.memref_squeeze %dma_start3A_1861 : memref<1x128xi32, #tpu.memory_space<vmem>> -> memref<128xi32, #tpu.memory_space<vmem>>
    %dma_start3A_1863 = arith.constant 0 : i32
    %dma_start3A_1864 = arith.constant 0 : i32
    %dma_start3A_1865 = tpu.memref_slice %arg2[%dma_start3A_1863, %dma_start3A_1864] : memref<106496x64xf32, #tpu.memory_space<hbm>> -> memref<106496x64xf32, #tpu.memory_space<hbm>>
    tpu.enqueue_indirect_dma source(%dma_start3A_1865 : memref<106496x64xf32, #tpu.memory_space<hbm>>) target(%dma_start3A_1859 : memref<128x64xf32, #tpu.memory_space<vmem>>) offsets(%dma_start3A_1862 : memref<128xi32, #tpu.memory_space<vmem>>) semaphore(%arg10 : memref<!tpu.dma_semaphore, #tpu.memory_space<semaphore_mem>>)
    %dma_start3A_1866 = arith.constant 1 : i32
    %dma_start3A_1867 = arith.constant 128 : i32
    %dma_start3A_1868 = arith.constant 0 : i32
    %dma_start3A_1869 = tpu.memref_slice %arg9[%dma_start3A_1867, %dma_start3A_1868] : memref<1024x64xf32, #tpu.memory_space<vmem>> -> memref<128x64xf32, #tpu.memory_space<vmem>>
    %dma_start3A_1870 = arith.constant 0 : i32
    %dma_start3A_1871 = tpu.memref_slice %arg8[%dma_start3A_1866, %dma_start3A_1870] : memref<8x128xi32, #tpu.memory_space<vmem>> -> memref<1x128xi32, #tpu.memory_space<vmem>>
    %dma_start3A_1872 = tpu.memref_squeeze %dma_start3A_1871 : memref<1x128xi32, #tpu.memory_space<vmem>> -> memref<128xi32, #tpu.memory_space<vmem>>
    %dma_start3A_1873 = arith.constant 0 : i32
    %dma_start3A_1874 = arith.constant 0 : i32
    %dma_start3A_1875 = tpu.memref_slice %arg2[%dma_start3A_1873, %dma_start3A_1874] : memref<106496x64xf32, #tpu.memory_space<hbm>> -> memref<106496x64xf32, #tpu.memory_space<hbm>>
    tpu.enqueue_indirect_dma source(%dma_start3A_1875 : memref<106496x64xf32, #tpu.memory_space<hbm>>) target(%dma_start3A_1869 : memref<128x64xf32, #tpu.memory_space<vmem>>) offsets(%dma_start3A_1872 : memref<128xi32, #tpu.memory_space<vmem>>) semaphore(%arg10 : memref<!tpu.dma_semaphore, #tpu.memory_space<semaphore_mem>>)
    %dma_start3A_1876 = arith.constant 2 : i32
    %dma_start3A_1877 = arith.constant 256 : i32
    %dma_start3A_1878 = arith.constant 0 : i32
    %dma_start3A_1879 = tpu.memref_slice %arg9[%dma_start3A_1877, %dma_start3A_1878] : memref<1024x64xf32, #tpu.memory_space<vmem>> -> memref<128x64xf32, #tpu.memory_space<vmem>>
    %dma_start3A_1880 = arith.constant 0 : i32
    %dma_start3A_1881 = tpu.memref_slice %arg8[%dma_start3A_1876, %dma_start3A_1880] : memref<8x128xi32, #tpu.memory_space<vmem>> -> memref<1x128xi32, #tpu.memory_space<vmem>>
    %dma_start3A_1882 = tpu.memref_squeeze %dma_start3A_1881 : memref<1x128xi32, #tpu.memory_space<vmem>> -> memref<128xi32, #tpu.memory_space<vmem>>
    %dma_start3A_1883 = arith.constant 0 : i32
    %dma_start3A_1884 = arith.constant 0 : i32
    %dma_start3A_1885 = tpu.memref_slice %arg2[%dma_start3A_1883, %dma_start3A_1884] : memref<106496x64xf32, #tpu.memory_space<hbm>> -> memref<106496x64xf32, #tpu.memory_space<hbm>>
    tpu.enqueue_indirect_dma source(%dma_start3A_1885 : memref<106496x64xf32, #tpu.memory_space<hbm>>) target(%dma_start3A_1879 : memref<128x64xf32, #tpu.memory_space<vmem>>) offsets(%dma_start3A_1882 : memref<128xi32, #tpu.memory_space<vmem>>) semaphore(%arg10 : memref<!tpu.dma_semaphore, #tpu.memory_space<semaphore_mem>>)
    %dma_start3A_1886 = arith.constant 3 : i32
    %dma_start3A_1887 = arith.constant 384 : i32
    %dma_start3A_1888 = arith.constant 0 : i32
    %dma_start3A_1889 = tpu.memref_slice %arg9[%dma_start3A_1887, %dma_start3A_1888] : memref<1024x64xf32, #tpu.memory_space<vmem>> -> memref<128x64xf32, #tpu.memory_space<vmem>>
    %dma_start3A_1890 = arith.constant 0 : i32
    %dma_start3A_1891 = tpu.memref_slice %arg8[%dma_start3A_1886, %dma_start3A_1890] : memref<8x128xi32, #tpu.memory_space<vmem>> -> memref<1x128xi32, #tpu.memory_space<vmem>>
    %dma_start3A_1892 = tpu.memref_squeeze %dma_start3A_1891 : memref<1x128xi32, #tpu.memory_space<vmem>> -> memref<128xi32, #tpu.memory_space<vmem>>
    %dma_start3A_1893 = arith.constant 0 : i32
    %dma_start3A_1894 = arith.constant 0 : i32
    %dma_start3A_1895 = tpu.memref_slice %arg2[%dma_start3A_1893, %dma_start3A_1894] : memref<106496x64xf32, #tpu.memory_space<hbm>> -> memref<106496x64xf32, #tpu.memory_space<hbm>>
    tpu.enqueue_indirect_dma source(%dma_start3A_1895 : memref<106496x64xf32, #tpu.memory_space<hbm>>) target(%dma_start3A_1889 : memref<128x64xf32, #tpu.memory_space<vmem>>) offsets(%dma_start3A_1892 : memref<128xi32, #tpu.memory_space<vmem>>) semaphore(%arg10 : memref<!tpu.dma_semaphore, #tpu.memory_space<semaphore_mem>>)
    %dma_start3A_1896 = arith.constant 4 : i32
    %dma_start3A_1897 = arith.constant 512 : i32
    %dma_start3A_1898 = arith.constant 0 : i32
    %dma_start3A_1899 = tpu.memref_slice %arg9[%dma_start3A_1897, %dma_start3A_1898] : memref<1024x64xf32, #tpu.memory_space<vmem>> -> memref<128x64xf32, #tpu.memory_space<vmem>>
    %dma_start3A_1900 = arith.constant 0 : i32
    %dma_start3A_1901 = tpu.memref_slice %arg8[%dma_start3A_1896, %dma_start3A_1900] : memref<8x128xi32, #tpu.memory_space<vmem>> -> memref<1x128xi32, #tpu.memory_space<vmem>>
    %dma_start3A_1902 = tpu.memref_squeeze %dma_start3A_1901 : memref<1x128xi32, #tpu.memory_space<vmem>> -> memref<128xi32, #tpu.memory_space<vmem>>
    %dma_start3A_1903 = arith.constant 0 : i32
    %dma_start3A_1904 = arith.constant 0 : i32
    %dma_start3A_1905 = tpu.memref_slice %arg2[%dma_start3A_1903, %dma_start3A_1904] : memref<106496x64xf32, #tpu.memory_space<hbm>> -> memref<106496x64xf32, #tpu.memory_space<hbm>>
    tpu.enqueue_indirect_dma source(%dma_start3A_1905 : memref<106496x64xf32, #tpu.memory_space<hbm>>) target(%dma_start3A_1899 : memref<128x64xf32, #tpu.memory_space<vmem>>) offsets(%dma_start3A_1902 : memref<128xi32, #tpu.memory_space<vmem>>) semaphore(%arg10 : memref<!tpu.dma_semaphore, #tpu.memory_space<semaphore_mem>>)
    %dma_start3A_1906 = arith.constant 5 : i32
    %dma_start3A_1907 = arith.constant 640 : i32
    %dma_start3A_1908 = arith.constant 0 : i32
    %dma_start3A_1909 = tpu.memref_slice %arg9[%dma_start3A_1907, %dma_start3A_1908] : memref<1024x64xf32, #tpu.memory_space<vmem>> -> memref<128x64xf32, #tpu.memory_space<vmem>>
    %dma_start3A_1910 = arith.constant 0 : i32
    %dma_start3A_1911 = tpu.memref_slice %arg8[%dma_start3A_1906, %dma_start3A_1910] : memref<8x128xi32, #tpu.memory_space<vmem>> -> memref<1x128xi32, #tpu.memory_space<vmem>>
    %dma_start3A_1912 = tpu.memref_squeeze %dma_start3A_1911 : memref<1x128xi32, #tpu.memory_space<vmem>> -> memref<128xi32, #tpu.memory_space<vmem>>
    %dma_start3A_1913 = arith.constant 0 : i32
    %dma_start3A_1914 = arith.constant 0 : i32
    %dma_start3A_1915 = tpu.memref_slice %arg2[%dma_start3A_1913, %dma_start3A_1914] : memref<106496x64xf32, #tpu.memory_space<hbm>> -> memref<106496x64xf32, #tpu.memory_space<hbm>>
    tpu.enqueue_indirect_dma source(%dma_start3A_1915 : memref<106496x64xf32, #tpu.memory_space<hbm>>) target(%dma_start3A_1909 : memref<128x64xf32, #tpu.memory_space<vmem>>) offsets(%dma_start3A_1912 : memref<128xi32, #tpu.memory_space<vmem>>) semaphore(%arg10 : memref<!tpu.dma_semaphore, #tpu.memory_space<semaphore_mem>>)
    %dma_start3A_1916 = arith.constant 6 : i32
    %dma_start3A_1917 = arith.constant 768 : i32
    %dma_start3A_1918 = arith.constant 0 : i32
    %dma_start3A_1919 = tpu.memref_slice %arg9[%dma_start3A_1917, %dma_start3A_1918] : memref<1024x64xf32, #tpu.memory_space<vmem>> -> memref<128x64xf32, #tpu.memory_space<vmem>>
    %dma_start3A_1920 = arith.constant 0 : i32
    %dma_start3A_1921 = tpu.memref_slice %arg8[%dma_start3A_1916, %dma_start3A_1920] : memref<8x128xi32, #tpu.memory_space<vmem>> -> memref<1x128xi32, #tpu.memory_space<vmem>>
    %dma_start3A_1922 = tpu.memref_squeeze %dma_start3A_1921 : memref<1x128xi32, #tpu.memory_space<vmem>> -> memref<128xi32, #tpu.memory_space<vmem>>
    %dma_start3A_1923 = arith.constant 0 : i32
    %dma_start3A_1924 = arith.constant 0 : i32
    %dma_start3A_1925 = tpu.memref_slice %arg2[%dma_start3A_1923, %dma_start3A_1924] : memref<106496x64xf32, #tpu.memory_space<hbm>> -> memref<106496x64xf32, #tpu.memory_space<hbm>>
    tpu.enqueue_indirect_dma source(%dma_start3A_1925 : memref<106496x64xf32, #tpu.memory_space<hbm>>) target(%dma_start3A_1919 : memref<128x64xf32, #tpu.memory_space<vmem>>) offsets(%dma_start3A_1922 : memref<128xi32, #tpu.memory_space<vmem>>) semaphore(%arg10 : memref<!tpu.dma_semaphore, #tpu.memory_space<semaphore_mem>>)
    %dma_start3A_1926 = arith.constant 7 : i32
    %dma_start3A_1927 = arith.constant 896 : i32
    %dma_start3A_1928 = arith.constant 0 : i32
    %dma_start3A_1929 = tpu.memref_slice %arg9[%dma_start3A_1927, %dma_start3A_1928] : memref<1024x64xf32, #tpu.memory_space<vmem>> -> memref<128x64xf32, #tpu.memory_space<vmem>>
    %dma_start3A_1930 = arith.constant 0 : i32
    %dma_start3A_1931 = tpu.memref_slice %arg8[%dma_start3A_1926, %dma_start3A_1930] : memref<8x128xi32, #tpu.memory_space<vmem>> -> memref<1x128xi32, #tpu.memory_space<vmem>>
    %dma_start3A_1932 = tpu.memref_squeeze %dma_start3A_1931 : memref<1x128xi32, #tpu.memory_space<vmem>> -> memref<128xi32, #tpu.memory_space<vmem>>
    %dma_start3A_1933 = arith.constant 0 : i32
    %dma_start3A_1934 = arith.constant 0 : i32
    %dma_start3A_1935 = tpu.memref_slice %arg2[%dma_start3A_1933, %dma_start3A_1934] : memref<106496x64xf32, #tpu.memory_space<hbm>> -> memref<106496x64xf32, #tpu.memory_space<hbm>>
    tpu.enqueue_indirect_dma source(%dma_start3A_1935 : memref<106496x64xf32, #tpu.memory_space<hbm>>) target(%dma_start3A_1929 : memref<128x64xf32, #tpu.memory_space<vmem>>) offsets(%dma_start3A_1932 : memref<128xi32, #tpu.memory_space<vmem>>) semaphore(%arg10 : memref<!tpu.dma_semaphore, #tpu.memory_space<semaphore_mem>>)
    %dma_wait3A = arith.constant 0 : i32
    %dma_wait3A_1936 = arith.constant 0 : i32
    %dma_wait3A_1937 = arith.constant 0 : i32
    %dma_wait3A_1938 = tpu.memref_slice %arg9[%dma_wait3A_1936, %dma_wait3A_1937] : memref<1024x64xf32, #tpu.memory_space<vmem>> -> memref<128x64xf32, #tpu.memory_space<vmem>>
    %dma_wait3A_1939 = arith.constant 0 : i32
    %dma_wait3A_1940 = tpu.memref_slice %arg8[%dma_wait3A, %dma_wait3A_1939] : memref<8x128xi32, #tpu.memory_space<vmem>> -> memref<1x128xi32, #tpu.memory_space<vmem>>
    %dma_wait3A_1941 = tpu.memref_squeeze %dma_wait3A_1940 : memref<1x128xi32, #tpu.memory_space<vmem>> -> memref<128xi32, #tpu.memory_space<vmem>>
    %dma_wait3A_1942 = arith.constant 0 : i32
    %dma_wait3A_1943 = arith.constant 0 : i32
    %dma_wait3A_1944 = tpu.memref_slice %arg2[%dma_wait3A_1942, %dma_wait3A_1943] : memref<106496x64xf32, #tpu.memory_space<hbm>> -> memref<106496x64xf32, #tpu.memory_space<hbm>>
    tpu.wait_indirect_dma semaphore(%arg10 : memref<!tpu.dma_semaphore, #tpu.memory_space<semaphore_mem>>) src(%dma_wait3A_1944 : memref<106496x64xf32, #tpu.memory_space<hbm>>) dst(%dma_wait3A_1938 : memref<128x64xf32, #tpu.memory_space<vmem>>)
    %dma_wait3A_1945 = arith.constant 1 : i32
    %dma_wait3A_1946 = arith.constant 128 : i32
    %dma_wait3A_1947 = arith.constant 0 : i32
    %dma_wait3A_1948 = tpu.memref_slice %arg9[%dma_wait3A_1946, %dma_wait3A_1947] : memref<1024x64xf32, #tpu.memory_space<vmem>> -> memref<128x64xf32, #tpu.memory_space<vmem>>
    %dma_wait3A_1949 = arith.constant 0 : i32
    %dma_wait3A_1950 = tpu.memref_slice %arg8[%dma_wait3A_1945, %dma_wait3A_1949] : memref<8x128xi32, #tpu.memory_space<vmem>> -> memref<1x128xi32, #tpu.memory_space<vmem>>
    %dma_wait3A_1951 = tpu.memref_squeeze %dma_wait3A_1950 : memref<1x128xi32, #tpu.memory_space<vmem>> -> memref<128xi32, #tpu.memory_space<vmem>>
    %dma_wait3A_1952 = arith.constant 0 : i32
    %dma_wait3A_1953 = arith.constant 0 : i32
    %dma_wait3A_1954 = tpu.memref_slice %arg2[%dma_wait3A_1952, %dma_wait3A_1953] : memref<106496x64xf32, #tpu.memory_space<hbm>> -> memref<106496x64xf32, #tpu.memory_space<hbm>>
    tpu.wait_indirect_dma semaphore(%arg10 : memref<!tpu.dma_semaphore, #tpu.memory_space<semaphore_mem>>) src(%dma_wait3A_1954 : memref<106496x64xf32, #tpu.memory_space<hbm>>) dst(%dma_wait3A_1948 : memref<128x64xf32, #tpu.memory_space<vmem>>)
    %dma_wait3A_1955 = arith.constant 2 : i32
    %dma_wait3A_1956 = arith.constant 256 : i32
    %dma_wait3A_1957 = arith.constant 0 : i32
    %dma_wait3A_1958 = tpu.memref_slice %arg9[%dma_wait3A_1956, %dma_wait3A_1957] : memref<1024x64xf32, #tpu.memory_space<vmem>> -> memref<128x64xf32, #tpu.memory_space<vmem>>
    %dma_wait3A_1959 = arith.constant 0 : i32
    %dma_wait3A_1960 = tpu.memref_slice %arg8[%dma_wait3A_1955, %dma_wait3A_1959] : memref<8x128xi32, #tpu.memory_space<vmem>> -> memref<1x128xi32, #tpu.memory_space<vmem>>
    %dma_wait3A_1961 = tpu.memref_squeeze %dma_wait3A_1960 : memref<1x128xi32, #tpu.memory_space<vmem>> -> memref<128xi32, #tpu.memory_space<vmem>>
    %dma_wait3A_1962 = arith.constant 0 : i32
    %dma_wait3A_1963 = arith.constant 0 : i32
    %dma_wait3A_1964 = tpu.memref_slice %arg2[%dma_wait3A_1962, %dma_wait3A_1963] : memref<106496x64xf32, #tpu.memory_space<hbm>> -> memref<106496x64xf32, #tpu.memory_space<hbm>>
    tpu.wait_indirect_dma semaphore(%arg10 : memref<!tpu.dma_semaphore, #tpu.memory_space<semaphore_mem>>) src(%dma_wait3A_1964 : memref<106496x64xf32, #tpu.memory_space<hbm>>) dst(%dma_wait3A_1958 : memref<128x64xf32, #tpu.memory_space<vmem>>)
    %dma_wait3A_1965 = arith.constant 3 : i32
    %dma_wait3A_1966 = arith.constant 384 : i32
    %dma_wait3A_1967 = arith.constant 0 : i32
    %dma_wait3A_1968 = tpu.memref_slice %arg9[%dma_wait3A_1966, %dma_wait3A_1967] : memref<1024x64xf32, #tpu.memory_space<vmem>> -> memref<128x64xf32, #tpu.memory_space<vmem>>
    %dma_wait3A_1969 = arith.constant 0 : i32
    %dma_wait3A_1970 = tpu.memref_slice %arg8[%dma_wait3A_1965, %dma_wait3A_1969] : memref<8x128xi32, #tpu.memory_space<vmem>> -> memref<1x128xi32, #tpu.memory_space<vmem>>
    %dma_wait3A_1971 = tpu.memref_squeeze %dma_wait3A_1970 : memref<1x128xi32, #tpu.memory_space<vmem>> -> memref<128xi32, #tpu.memory_space<vmem>>
    %dma_wait3A_1972 = arith.constant 0 : i32
    %dma_wait3A_1973 = arith.constant 0 : i32
    %dma_wait3A_1974 = tpu.memref_slice %arg2[%dma_wait3A_1972, %dma_wait3A_1973] : memref<106496x64xf32, #tpu.memory_space<hbm>> -> memref<106496x64xf32, #tpu.memory_space<hbm>>
    tpu.wait_indirect_dma semaphore(%arg10 : memref<!tpu.dma_semaphore, #tpu.memory_space<semaphore_mem>>) src(%dma_wait3A_1974 : memref<106496x64xf32, #tpu.memory_space<hbm>>) dst(%dma_wait3A_1968 : memref<128x64xf32, #tpu.memory_space<vmem>>)
    %dma_wait3A_1975 = arith.constant 4 : i32
    %dma_wait3A_1976 = arith.constant 512 : i32
    %dma_wait3A_1977 = arith.constant 0 : i32
    %dma_wait3A_1978 = tpu.memref_slice %arg9[%dma_wait3A_1976, %dma_wait3A_1977] : memref<1024x64xf32, #tpu.memory_space<vmem>> -> memref<128x64xf32, #tpu.memory_space<vmem>>
    %dma_wait3A_1979 = arith.constant 0 : i32
    %dma_wait3A_1980 = tpu.memref_slice %arg8[%dma_wait3A_1975, %dma_wait3A_1979] : memref<8x128xi32, #tpu.memory_space<vmem>> -> memref<1x128xi32, #tpu.memory_space<vmem>>
    %dma_wait3A_1981 = tpu.memref_squeeze %dma_wait3A_1980 : memref<1x128xi32, #tpu.memory_space<vmem>> -> memref<128xi32, #tpu.memory_space<vmem>>
    %dma_wait3A_1982 = arith.constant 0 : i32
    %dma_wait3A_1983 = arith.constant 0 : i32
    %dma_wait3A_1984 = tpu.memref_slice %arg2[%dma_wait3A_1982, %dma_wait3A_1983] : memref<106496x64xf32, #tpu.memory_space<hbm>> -> memref<106496x64xf32, #tpu.memory_space<hbm>>
    tpu.wait_indirect_dma semaphore(%arg10 : memref<!tpu.dma_semaphore, #tpu.memory_space<semaphore_mem>>) src(%dma_wait3A_1984 : memref<106496x64xf32, #tpu.memory_space<hbm>>) dst(%dma_wait3A_1978 : memref<128x64xf32, #tpu.memory_space<vmem>>)
    %dma_wait3A_1985 = arith.constant 5 : i32
    %dma_wait3A_1986 = arith.constant 640 : i32
    %dma_wait3A_1987 = arith.constant 0 : i32
    %dma_wait3A_1988 = tpu.memref_slice %arg9[%dma_wait3A_1986, %dma_wait3A_1987] : memref<1024x64xf32, #tpu.memory_space<vmem>> -> memref<128x64xf32, #tpu.memory_space<vmem>>
    %dma_wait3A_1989 = arith.constant 0 : i32
    %dma_wait3A_1990 = tpu.memref_slice %arg8[%dma_wait3A_1985, %dma_wait3A_1989] : memref<8x128xi32, #tpu.memory_space<vmem>> -> memref<1x128xi32, #tpu.memory_space<vmem>>
    %dma_wait3A_1991 = tpu.memref_squeeze %dma_wait3A_1990 : memref<1x128xi32, #tpu.memory_space<vmem>> -> memref<128xi32, #tpu.memory_space<vmem>>
    %dma_wait3A_1992 = arith.constant 0 : i32
    %dma_wait3A_1993 = arith.constant 0 : i32
    %dma_wait3A_1994 = tpu.memref_slice %arg2[%dma_wait3A_1992, %dma_wait3A_1993] : memref<106496x64xf32, #tpu.memory_space<hbm>> -> memref<106496x64xf32, #tpu.memory_space<hbm>>
    tpu.wait_indirect_dma semaphore(%arg10 : memref<!tpu.dma_semaphore, #tpu.memory_space<semaphore_mem>>) src(%dma_wait3A_1994 : memref<106496x64xf32, #tpu.memory_space<hbm>>) dst(%dma_wait3A_1988 : memref<128x64xf32, #tpu.memory_space<vmem>>)
    %dma_wait3A_1995 = arith.constant 6 : i32
    %dma_wait3A_1996 = arith.constant 768 : i32
    %dma_wait3A_1997 = arith.constant 0 : i32
    %dma_wait3A_1998 = tpu.memref_slice %arg9[%dma_wait3A_1996, %dma_wait3A_1997] : memref<1024x64xf32, #tpu.memory_space<vmem>> -> memref<128x64xf32, #tpu.memory_space<vmem>>
    %dma_wait3A_1999 = arith.constant 0 : i32
    %dma_wait3A_2000 = tpu.memref_slice %arg8[%dma_wait3A_1995, %dma_wait3A_1999] : memref<8x128xi32, #tpu.memory_space<vmem>> -> memref<1x128xi32, #tpu.memory_space<vmem>>
    %dma_wait3A_2001 = tpu.memref_squeeze %dma_wait3A_2000 : memref<1x128xi32, #tpu.memory_space<vmem>> -> memref<128xi32, #tpu.memory_space<vmem>>
    %dma_wait3A_2002 = arith.constant 0 : i32
    %dma_wait3A_2003 = arith.constant 0 : i32
    %dma_wait3A_2004 = tpu.memref_slice %arg2[%dma_wait3A_2002, %dma_wait3A_2003] : memref<106496x64xf32, #tpu.memory_space<hbm>> -> memref<106496x64xf32, #tpu.memory_space<hbm>>
    tpu.wait_indirect_dma semaphore(%arg10 : memref<!tpu.dma_semaphore, #tpu.memory_space<semaphore_mem>>) src(%dma_wait3A_2004 : memref<106496x64xf32, #tpu.memory_space<hbm>>) dst(%dma_wait3A_1998 : memref<128x64xf32, #tpu.memory_space<vmem>>)
    %dma_wait3A_2005 = arith.constant 7 : i32
    %dma_wait3A_2006 = arith.constant 896 : i32
    %dma_wait3A_2007 = arith.constant 0 : i32
    %dma_wait3A_2008 = tpu.memref_slice %arg9[%dma_wait3A_2006, %dma_wait3A_2007] : memref<1024x64xf32, #tpu.memory_space<vmem>> -> memref<128x64xf32, #tpu.memory_space<vmem>>
    %dma_wait3A_2009 = arith.constant 0 : i32
    %dma_wait3A_2010 = tpu.memref_slice %arg8[%dma_wait3A_2005, %dma_wait3A_2009] : memref<8x128xi32, #tpu.memory_space<vmem>> -> memref<1x128xi32, #tpu.memory_space<vmem>>
    %dma_wait3A_2011 = tpu.memref_squeeze %dma_wait3A_2010 : memref<1x128xi32, #tpu.memory_space<vmem>> -> memref<128xi32, #tpu.memory_space<vmem>>
    %dma_wait3A_2012 = arith.constant 0 : i32
    %dma_wait3A_2013 = arith.constant 0 : i32
    %dma_wait3A_2014 = tpu.memref_slice %arg2[%dma_wait3A_2012, %dma_wait3A_2013] : memref<106496x64xf32, #tpu.memory_space<hbm>> -> memref<106496x64xf32, #tpu.memory_space<hbm>>
    tpu.wait_indirect_dma semaphore(%arg10 : memref<!tpu.dma_semaphore, #tpu.memory_space<semaphore_mem>>) src(%dma_wait3A_2014 : memref<106496x64xf32, #tpu.memory_space<hbm>>) dst(%dma_wait3A_2008 : memref<128x64xf32, #tpu.memory_space<vmem>>)
    %mul3A_2015 = arith.constant 1024 : i32
    %mul3A_2016 = arith.muli %add3A, %mul3A_2015 : i32
    "tpu.region"() ({
      %run_scoped3A = tpu.sem_alloc : memref<!tpu.dma_semaphore, #tpu.memory_space<semaphore_mem>>
      %dma_start3A_2017 = arith.constant 0 : i32
      %dma_start3A_2018 = tpu.memref_slice %arg5[%mul3A_2016, %dma_start3A_2017] : memref<32768x64xf32, #tpu.memory_space<hbm>> -> memref<1024x64xf32, #tpu.memory_space<hbm>>
      %dma_start3A_2019 = arith.constant 0 : i32
      %dma_start3A_2020 = tpu.memref_slice %arg5[%mul3A_2016, %dma_start3A_2019] : memref<32768x64xf32, #tpu.memory_space<hbm>> -> memref<1024x64xf32, #tpu.memory_space<hbm>>
      tpu.enqueue_dma source(%arg9 : memref<1024x64xf32, #tpu.memory_space<vmem>>) target(%dma_start3A_2020 : memref<1024x64xf32, #tpu.memory_space<hbm>>) target_semaphore(%run_scoped3A : memref<!tpu.dma_semaphore, #tpu.memory_space<semaphore_mem>>)
      %dma_wait3A_2021 = arith.constant 0 : i32
      %dma_wait3A_2022 = tpu.memref_slice %arg5[%mul3A_2016, %dma_wait3A_2021] : memref<32768x64xf32, #tpu.memory_space<hbm>> -> memref<1024x64xf32, #tpu.memory_space<hbm>>
      %dma_wait3A_2023 = arith.constant 0 : i32
      %dma_wait3A_2024 = tpu.memref_slice %arg5[%mul3A_2016, %dma_wait3A_2023] : memref<32768x64xf32, #tpu.memory_space<hbm>> -> memref<1024x64xf32, #tpu.memory_space<hbm>>
      tpu.wait_dma2 semaphore(%run_scoped3A : memref<!tpu.dma_semaphore, #tpu.memory_space<semaphore_mem>>) src(%arg9 : memref<1024x64xf32, #tpu.memory_space<vmem>>) dst(%dma_wait3A_2024 : memref<1024x64xf32, #tpu.memory_space<hbm>>)
      tpu.yield
    }) : () -> ()
    return
  }
}

module attributes {stable_mosaic.version = 14 : i64} {
  func.func @mm_kernel(%arg0: i32, %arg1: memref<8192x128xf32, #tpu.memory_space<vmem>>, %arg2: memref<128x128xf32, #tpu.memory_space<vmem>>, %arg3: memref<1x128xf32, #tpu.memory_space<vmem>>, %arg4: memref<8192x128xf32, #tpu.memory_space<vmem>>) attributes {dimension_semantics = [#tpu.dimension_semantics<arbitrary>], iteration_bounds = array<i64: 2>, scalar_prefetch = 0 : i64, scratch_operands = 0 : i64, tpu.core_type = #tpu.core_type<tc>, window_params = [{transform_indices = @transform_0, window_bounds = array<i64: 8192, 128>}, {pipeline_mode = #tpu.pipeline_mode<synchronous>, transform_indices = @transform_1, window_bounds = array<i64: 128, 128>}, {pipeline_mode = #tpu.pipeline_mode<synchronous>, transform_indices = @transform_2, window_bounds = array<i64: 1, 128>}, {transform_indices = @transform_3, window_bounds = array<i64: 8192, 128>}]} {
    %get3A = arith.constant 0 : index
    %get3A_0 = arith.constant 0 : index
    %get3A_1 = vector.load %arg1[%get3A, %get3A_0] : memref<8192x128xf32, #tpu.memory_space<vmem>>, vector<8192x128xf32>
    %get3A_2 = arith.constant 0 : index
    %get3A_3 = arith.constant 0 : index
    %get3A_4 = vector.load %arg2[%get3A_2, %get3A_3] : memref<128x128xf32, #tpu.memory_space<vmem>>, vector<128x128xf32>
    %dot_general3A = arith.constant dense<0.000000e+00> : vector<8192x128xf32>
    %dot_general3A_5 = tpu.matmul %get3A_1, %get3A_4, %dot_general3A {dimension_numbers = #tpu.dot_dimension_numbers<[1], [1], [0], [0], [0, 0, 1, 0], [], []>, transpose_lhs_hint = false} : vector<8192x128xf32>, vector<128x128xf32>, vector<8192x128xf32> -> vector<8192x128xf32>
    %get3A_6 = arith.constant 0 : index
    %get3A_7 = arith.constant 0 : index
    %get3A_8 = vector.load %arg3[%get3A_6, %get3A_7] : memref<1x128xf32, #tpu.memory_space<vmem>>, vector<1x128xf32>
    %add3A = vector.broadcast %get3A_8 : vector<1x128xf32> to vector<8192x128xf32>
    %add3A_9 = arith.addf %dot_general3A_5, %add3A : vector<8192x128xf32>
    %swap3A = arith.constant 0 : index
    %swap3A_10 = arith.constant 0 : index
    %swap3A_11 = vector.load %arg4[%swap3A, %swap3A_10] : memref<8192x128xf32, #tpu.memory_space<vmem>>, vector<8192x128xf32>
    tpu.vector_store %arg4[%swap3A, %swap3A_10], %add3A_9 {strides = array<i32>} : memref<8192x128xf32, #tpu.memory_space<vmem>>, vector<8192x128xf32>,
    return
  }
  func.func @transform_0(%arg0: i32) -> (i32, i32) {
    %c0_i32 = arith.constant 0 : i32
    %c0_i32_0 = arith.constant 0 : i32
    return %arg0, %c0_i32 : i32, i32
  }
  func.func @transform_1(%arg0: i32) -> (i32, i32) {
    %c0_i32 = arith.constant 0 : i32
    %c0_i32_0 = arith.constant 0 : i32
    %c0_i32_1 = arith.constant 0 : i32
    return %c0_i32, %c0_i32_0 : i32, i32
  }
  func.func @transform_2(%arg0: i32) -> (i32, i32) {
    %c0_i32 = arith.constant 0 : i32
    %c0_i32_0 = arith.constant 0 : i32
    %c0_i32_1 = arith.constant 0 : i32
    return %c0_i32, %c0_i32_0 : i32, i32
  }
  func.func @transform_3(%arg0: i32) -> (i32, i32) {
    %c0_i32 = arith.constant 0 : i32
    %c0_i32_0 = arith.constant 0 : i32
    return %arg0, %c0_i32 : i32, i32
  }
}

module attributes {stable_mosaic.version = 14 : i64} {
  func.func @tr_kernel(%arg0: i32, %arg1: memref<64x4096xf32, #tpu.memory_space<vmem>>, %arg2: memref<64x4096xf32, #tpu.memory_space<vmem>>, %arg3: memref<4096x128xf32, #tpu.memory_space<vmem>>) attributes {dimension_semantics = [#tpu.dimension_semantics<arbitrary>], iteration_bounds = array<i64: 13>, scalar_prefetch = 0 : i64, scratch_operands = 0 : i64, tpu.core_type = #tpu.core_type<tc>, window_params = [{transform_indices = @transform_0, window_bounds = array<i64: 64, 4096>}, {transform_indices = @transform_1, window_bounds = array<i64: 64, 4096>}, {transform_indices = @transform_2, window_bounds = array<i64: 4096, 128>}]} {
    %get3A = arith.constant 0 : index
    %get3A_0 = arith.constant 0 : index
    %get3A_1 = vector.load %arg1[%get3A, %get3A_0] : memref<64x4096xf32, #tpu.memory_space<vmem>>, vector<64x4096xf32>
    %transpose3A = tpu.transpose %get3A_1, [1, 0] : vector<64x4096xf32> -> vector<4096x64xf32>
    %swap3A = arith.constant 0 : index
    %swap3A_2 = arith.constant 0 : index
    %swap3A_3 = vector.load %arg3[%swap3A, %swap3A_2] : memref<4096x128xf32, #tpu.memory_space<vmem>>, vector<4096x64xf32>
    tpu.vector_store %arg3[%swap3A, %swap3A_2], %transpose3A {strides = array<i32>} : memref<4096x128xf32, #tpu.memory_space<vmem>>, vector<4096x64xf32>,
    %get3A_4 = arith.constant 0 : index
    %get3A_5 = arith.constant 0 : index
    %get3A_6 = vector.load %arg2[%get3A_4, %get3A_5] : memref<64x4096xf32, #tpu.memory_space<vmem>>, vector<64x4096xf32>
    %transpose3A_7 = tpu.transpose %get3A_6, [1, 0] : vector<64x4096xf32> -> vector<4096x64xf32>
    %swap3A_8 = arith.constant 0 : index
    %swap3A_9 = arith.constant 64 : index
    %swap3A_10 = vector.load %arg3[%swap3A_8, %swap3A_9] : memref<4096x128xf32, #tpu.memory_space<vmem>>, vector<4096x64xf32>
    tpu.vector_store %arg3[%swap3A_8, %swap3A_9], %transpose3A_7 {strides = array<i32>} : memref<4096x128xf32, #tpu.memory_space<vmem>>, vector<4096x64xf32>,
    return
  }
  func.func @transform_0(%arg0: i32) -> (i32, i32) {
    %mul3A = arith.constant 2 : i32
    %mul3A_0 = arith.muli %mul3A, %arg0 : i32
    %c0_i32 = arith.constant 0 : i32
    %c0_i32_1 = arith.constant 0 : i32
    return %c0_i32, %mul3A_0 : i32, i32
  }
  func.func @transform_1(%arg0: i32) -> (i32, i32) {
    %mul3A = arith.constant 2 : i32
    %mul3A_0 = arith.muli %mul3A, %arg0 : i32
    %add3A = arith.constant 1 : i32
    %add3A_1 = arith.addi %mul3A_0, %add3A : i32
    %min3A = arith.constant 24 : i32
    %min3A_2 = arith.minsi %add3A_1, %min3A : i32
    %c0_i32 = arith.constant 0 : i32
    %c0_i32_3 = arith.constant 0 : i32
    return %c0_i32, %min3A_2 : i32, i32
  }
  func.func @transform_2(%arg0: i32) -> (i32, i32) {
    %c0_i32 = arith.constant 0 : i32
    %c0_i32_0 = arith.constant 0 : i32
    return %arg0, %c0_i32 : i32, i32
  }
}

</mosaic_0001>

<sc_bundles>
// kernel: kernel.5.cloned.1.call-start
scs
__scs_entry_jumppad:
0x0: {  	(pc) =	sbr.rel $0x88, $3  }
0x1: {  	(tag) =	ssettag $0x0;
	lr =	simm.s32 $0x1  }
0x2: {  	[smem:$0x3F9D] =	sst lr;
	_ =	strace $0xD0000000  }
0x3: {  	_ = 	snop  }
0x4: {  	_ = 	snop  }
0x5: {  	_ = 	snop  }
0x6: {  	_ = 	snop  }
0x7: {  	_ = 	snop  }
__scs_overlays_trampoline_lowered:
0x8: {  	[smem:$0x3FAC] =	sst s0  }
0x9: {  	[smem:$0x3FAD] =	sst s1  }
0xa: {  	[smem:$0x3FAE] =	sst s2  }
0xb: {  	[smem:$0x3FAF] =	sst s3  }
0xc: {  	[smem:$0x3FB0] =	sst s4  }
0xd: {  	[smem:$0x3FB1] =	sst s5  }
0xe: {  	[smem:$0x3FB2] =	sst s6  }
0xf: {  	[smem:$0x3FB3] =	sst s7  }
0x10: {  	[smem:$0x3FB4] =	sst s8  }
0x11: {  	[smem:$0x3FB5] =	sst s9;
	s0 =	simm.s32 @!p0 $0x0  }
0x12: {  	s1 =	sld [smem:$0x3F9B];
	s0 =	simm.s32 @p0 $0x1  }
0x13: {  	[smem:$0x3FB6] =	sst s0;
	s0 =	simm.s32 @!p1 $0x0  }
0x14: {  	s2 =	sld [smem:$0x3F9A];
	s0 =	simm.s32 @p1 $0x1  }
0x15: {  	[smem:$0x3FB7] =	sst s0;
	s0 =	simm.s32 @!p2 $0x0  }
0x16: {  	s3 =	sld [smem:$0x3FDB];
	s0 =	simm.s32 @p2 $0x1  }
0x17: {  	s4 =	simm.s32 $0x1BF5;
	[smem:$0x3FB9] =	sst s0  }
0x18: {  	s0 =	sld [smem:$0x3F9C];
	_ =	swait.ge [sflag:s4], $0x0  }
0x19: {  	s7 =	sld [smem:$0x3F9D]  }
0x1a: {  	s8 =	sadd.s32 $0xFFFFE003, lr  }
0x1b: {  	s9 =	sadd.s32 $0xFFFFFEF7, lr;
	s5 =	simm.s32 $0xFFFFFFFF;
	p2 =	slt.u32 s8, $0xFFFFF086  }
0x1c: {  	p1 =	slt.u32 s9, $0xF7A;
	s5 =	simm.s32 @!p2 $0x0  }
0x1d: {  	s5 =	simm.s32 @p1 $0x1;
	p0 =	seq.s32 s7, s2  }
0x1e: {  	s7 =	smul.u32 @!p0 $0xF7A, s2;
	p2 =	seq.s32 @!p0 s5, $0x0  }
0x1f: {  	s9 =	smul.u32 $0xF7A, s1;
	s8 =	simm.s32 @!p0 $0x1BF5;
	p2 =	por !p2, p0  }
0x20: {  	[sflag:s8] =	ssyncset.s32 @!p0 $0xFFFFF086;
	s6 =	sadd.s32 @!p0 s3, s7;
	s7 =	simm.s32 @!p0 $0x108  }
0x21: {  	s3 =	sadd.s32 s3, s9;
	s6 =	sadd.s32 @!p0 $0x88, s6;
	s7 =	simm.s32 @p2 $0x1082  }
0x22: {  	[simem:s7], [sflag:s8] =	dma.local @!p0 [hbm:s6], $0xF7A  }
0x23: {  	s9 =	sor.u32 $0xD0000000, s2;
	s6 =	simm.s32 $0x108;
	_ =	swait.ge @!p0 [sflag:s8], $0x0  }
0x24: {  	s3 =	sadd.s32 $0x88, s3;
	s6 =	simm.s32 @!p1 $0x1082;
	[sflag:s4] =	ssyncset.s32 $0xFFFFF086  }
0x25: {  	[simem:s6], [sflag:s4] =	dma.local [hbm:s3], $0xF7A  }
0x26: {  	[smem:$0x3F9D] =	sst s1;
	(tag) =	ssettag s2;
	_ =	strace s9  }
0x27: {  	s1 =	sld [smem:$0x3FAD]  }
0x28: {  	s2 =	sld [smem:$0x3FAE]  }
0x29: {  	s4 =	sld [smem:$0x3FB0]  }
0x2a: {  	p0 =	seq.s32 s5, $0x0;
	s5 =	sld [smem:$0x3FB1]  }
0x2b: {  	s6 =	sld [smem:$0x3FB2]  }
0x2c: {  	s7 =	sld [smem:$0x3FB3]  }
0x2d: {  	s3 =	simm.s32 $0x108;
	s8 =	sld [smem:$0x3FB4]  }
0x2e: {  	s3 =	simm.s32 @!p0 $0x1082;
	s9 =	sld [smem:$0x3FB5]  }
0x2f: {  	lr =	sadd.s32 s0, s3;
	s0 =	sld [smem:$0x3FAC]  }
0x30: {  	s3 =	sld [smem:$0x3FAF]  }
0x31: {  	[smem:$0x3FB8] =	sst s10  }
0x32: {  	s10 =	sld [smem:$0x3FB6];
	_ =	sdelay $0x3  }
0x33: {  	p0 =	seq.s32 s10, $0x1;
	s10 =	sld [smem:$0x3FB8];
	_ =	sdelay $0x3  }
0x34: {  	[smem:$0x3FB8] =	sst s10  }
0x35: {  	s10 =	sld [smem:$0x3FB7];
	_ =	sdelay $0x3  }
0x36: {  	p1 =	seq.s32 s10, $0x1;
	s10 =	sld [smem:$0x3FB8];
	_ =	sdelay $0x3  }
0x37: {  	[smem:$0x3FB8] =	sst s10  }
0x38: {  	s10 =	sld [smem:$0x3FB9]  }
0x39: {  	_ = 	snop;
	(pc) =	sbr.ind lr, $3  }
0x3a: {  	_ = 	snop  }
0x3b: {  	_ = 	snop  }
0x3c: {  	p2 =	seq.s32 s10, $0x1;
	s10 =	sld [smem:$0x3FB8]  }
0x3d: {  	_ =	shalt  }
0x3e: {  	_ =	shalt  }
0x3f: {  	_ =	shalt  }
0x40: {  	_ =	shalt  }
0x41: {  	_ =	shalt  }
0x42: {  	_ =	shalt  }
0x43: {  	_ =	shalt  }
0x44: {  	_ =	shalt  }
0x45: {  	_ =	shalt  }
0x46: {  	_ =	shalt  }
0x47: {  	_ =	shalt  }
0x48: {  	_ =	shalt  }
0x49: {  	_ =	shalt  }
0x4a: {  	_ =	shalt  }
0x4b: {  	_ =	shalt  }
0x4c: {  	_ =	shalt  }
0x4d: {  	_ =	shalt  }
0x4e: {  	_ =	shalt  }
0x4f: {  	_ =	shalt  }
0x50: {  	_ =	shalt  }
0x51: {  	_ =	shalt  }
0x52: {  	_ =	shalt  }
0x53: {  	_ =	shalt  }
0x54: {  	_ =	shalt  }
0x55: {  	_ =	shalt  }
0x56: {  	_ =	shalt  }
0x57: {  	_ =	shalt  }
0x58: {  	_ =	shalt  }
0x59: {  	_ =	shalt  }
0x5a: {  	_ =	shalt  }
0x5b: {  	_ =	shalt  }
0x5c: {  	_ =	shalt  }
0x5d: {  	_ =	shalt  }
0x5e: {  	_ =	shalt  }
0x5f: {  	_ =	shalt  }
0x60: {  	_ =	shalt  }
0x61: {  	_ =	shalt  }
0x62: {  	_ =	shalt  }
0x63: {  	_ =	shalt  }
0x64: {  	_ =	shalt  }
0x65: {  	_ =	shalt  }
0x66: {  	_ =	shalt  }
0x67: {  	_ =	shalt  }
0x68: {  	_ =	shalt  }
0x69: {  	_ =	shalt  }
0x6a: {  	_ =	shalt  }
0x6b: {  	_ =	shalt  }
0x6c: {  	_ =	shalt  }
0x6d: {  	_ =	shalt  }
0x6e: {  	_ =	shalt  }
0x6f: {  	_ =	shalt  }
0x70: {  	_ =	shalt  }
0x71: {  	_ =	shalt  }
0x72: {  	_ =	shalt  }
0x73: {  	_ =	shalt  }
0x74: {  	_ =	shalt  }
0x75: {  	_ =	shalt  }
0x76: {  	_ =	shalt  }
0x77: {  	_ =	shalt  }
0x78: {  	_ =	shalt  }
0x79: {  	_ =	shalt  }
0x7a: {  	_ =	shalt  }
0x7b: {  	_ =	shalt  }
0x7c: {  	_ =	shalt  }
0x7d: {  	_ =	shalt  }
0x7e: {  	_ =	shalt  }
0x7f: {  	_ =	shalt  }
0x80: {  	_ =	shalt  }
0x81: {  	_ =	shalt  }
0x82: {  	_ =	shalt  }
0x83: {  	_ =	shalt  }
0x84: {  	_ =	shalt  }
0x85: {  	_ =	shalt  }
0x86: {  	_ =	shalt  }
0x87: {  	_ =	shalt  }
.Lfunc_end0:
.L_simem_size_0:
called_computation_lowered:
.L_overlay_start_0:
0x88: {  	s2 =	sld [smem:$0x3FD9]  }
0x89: {  	s3 =	sld [smem:$0x3FFE];
	_ =	sdelay $0x1  }
0x8a: {  	s1 =	srdreg.scid  }
0x8b: {  	s0 =	sand.u32 $0x1, s1  }
0x8c: {  	s17 =	sshll.u32 s0, $0xA;
	s2 =	sadd.s32 s3, s2  }
0x8d: {  	s2 =	sadd.s32 s2, s17  }
0x8e: {  	[smem:$0x3FC4] =	sst s2  }
0x8f: {  	_ = 	snop  }
0x90: {  	s2 =	sld [smem:$0x3FD0];
	(tm) =	ssettm $0x1  }
0x91: {  	s18 =	sld [smem:$0x3FFB];
	_ =	sdelay $0x3  }
0x92: {  	_ =	strace s18  }
0x93: {  	s3 =	sld [smem:$0x3FFC];
	_ =	sdelay $0x3  }
0x94: {  	_ =	strace s3  }
0x95: {  	s3 =	sld [smem:$0x3FFD];
	_ =	sdelay $0x3  }
0x96: {  	_ =	strace s3  }
0x97: {  	_ =	strace $0x8FFFFFFF  }
0x98: {  	s19 =	sld [smem:$0x3FDB];
	_ =	sdelay $0x1  }
0x99: {  	s4 =	simm.s32 $_scs_section_size  }
0x9a: {  	s5 =	simm.s32 $_size__tile_overlayer_lowered;
	s6 =	simm.s32 $_tile_overlayer_lowered  }
0x9b: {  	s22 =	simm.s32 $0x1BFF;
	s21 =	sshll.u32 s6, $0x1;
	s3 =	sadd.s32 s4, s19  }
0x9c: {  	s7 =	simm.s32 $0x0;
	s20 =	sshll.u32 s5, $0x1;
	s5 =	sadd.s32 s21, s3  }
0x9d: {  	[timem:s7], [sflag:s22] =	dma.local [hbm:s5], s20  }
0x9e: {  	_ =	swait.ge [sflag:s22], s20  }
0x9f: {  	s4 =	ssub.s32 $0x0, s20;
	[sflag:s22] =	ssyncset.done $0x0  }
0xa0: {  	[sflag:s22] =	ssyncadd.s32 s4;
	_ =	sdelay $0x1  }
0xa1: {  	s23 =	simm.s32 $0x1B8B  }
0xa2: {  	_ =	swait.ge [sflag:s23], $0x1  }
0xa3: {  	[sflag:s23] =	ssyncset.done $0x0  }
0xa4: {  	s25 =	simm.s32 $0x1B8E;
	s24 =	sld [smem:$0x3FFE];
	[sflag:s23] =	ssyncadd.s32 $0xFFFFFFFF  }
0xa5: {  	s26 =	simm.s32 $execute0_lowered;
	[smem:$0x3FD2] =	sst s25  }
0xa6: {  	s5 =	sshll.u32 s26, $0x1;
	_ =	strace $0x80000046;
	[dreg:$0x1] =	wrdreg $0xFFFFFFFF  }
0xa7: {  	s28 =	simm.s32 $_size_execute0_lowered;
	s3 =	sadd.s32 s3, s5;
	[dreg:$0x0] =	wrdreg $0x0  }
0xa8: {  	s5 =	sshll.u32 s28, $0x1;
	[dreg:$0x2] =	wrdreg s3  }
0xa9: {  	[dreg:$0x3] =	wrdreg s5  }
0xaa: {  	[dreg:$0x4] =	wrdreg $0xC0  }
0xab: {  	_ =	task [dreg:s7], $0x5FFFF  }
0xac: {  	[dreg:$0x1] =	wrdreg $0xFFFFFFFF  }
0xad: {  	[dreg:$0x0] =	wrdreg $0x60  }
0xae: {  	[dreg:$0x2] =	wrdreg s24  }
0xaf: {  	[dreg:$0x3] =	wrdreg s2  }
0xb0: {  	[dreg:$0x4] =	wrdreg $0x9  }
0xb1: {  	_ =	task.clear_ibuf [dreg:s7], $0x5FFFF;
	_ =	strace $0x90000046  }
0xb2: {  	s29 =	simm.s32 $0x9;
	_ =	strace $0x80000048  }
0xb3: {  	_ =	swait.ge [sflag:s29], $0x1  }
0xb4: {  	[sflag:s29] =	ssyncadd.s32 $0xFFFFFFFF  }
0xb5: {  	_ =	strace $0x90000048  }
0xb6: {  	_ =	sfence  }
0xb7: {  	s30 =	sld [smem:$0x0];
	_ =	sdelay $0x2  }
0xb8: {  	s31 =	sshll.u32 s1, $0xD;
	s1 =	sshrl.u32 s1, $0x2  }
0xb9: {  	s3 =	sand.u32 $0x4000, s31;
	s1 =	sadd.s32 s1, s30  }
0xba: {  	s0 =	sor.u32 s3, s0;
	s1 =	sshll.u32 s1, $0x11  }
0xbb: {  	s0 =	sor.u32 s1, s0  }
0xbc: {  	s0 =	sadd.s32 $0x8F2B, s0  }
0xbd: {  	[sflag:s0] =	ssyncadd.remote.s32 $0x1  }
0xbe: {  	_ =	sfence.sel $0xFFFF  }
0xbf: {  	[dreg:$0x0] =	wrdreg $0xFFFFFFFF;
	(pc) =	sbr.abs _section_cstart, $3  }
0xc0: {  	[dreg:$0x1] =	wrdreg $0xFFFFFFFF  }
0xc1: {  	_ =	task.clear_ibuf [dreg:s7], $0x2FFFF;
	_ =	strace $0x9FFFFFFF  }
0xc2: {  	(tm) =	ssettm $0x7FFFFFFF  }
0xc3: {  	_ =	shalt  }
tec
execute0_lowered:
.L_overlay_start_1:
0x0: {  	(tag) =	ssettag $0x1  }
0x1: {  	s4 =	rddreg [dreg:$0x0]  }
0x2: {  	s6 =	rddreg [dreg:$0x1]  }
0x3: {  	s0 =	rddreg [dreg:$0x2]  }
0x4: {  	s2 =	simm.s32 $0x0;
	s3 =	srdreg.scid;
	s1 =	stileid.u32  }
0x5: {  	s10 =	simm.s32 $0x400;
	s11 =	simm.s32 $0x480;
	s12 =	simm.s32 $0x500  }
0x6: {  	s13 =	simm.s32 $0x580;
	s14 =	simm.s32 $0x600;
	s15 =	simm.s32 $0x680  }
0x7: {  	s16 =	simm.s32 $0x700;
	s17 =	simm.s32 $0x780;
	s18 =	simm.s32 $0x80  }
0x8: {  	s19 =	simm.s32 $0x800;
	s20 =	simm.s32 $0x2800;
	s21 =	simm.s32 $0x4800  }
0x9: {  	s22 =	simm.s32 $0x6800;
	s23 =	simm.s32 $0x8800;
	s24 =	simm.s32 $0xA800  }
0xa: {  	s25 =	simm.s32 $0xC800;
	s26 =	simm.s32 $0xE800;
	s28 =	simm.s32 $0x1  }
0xb: {  	v0 =	vlaneseq.u32;
	[smem:$0x7FF] =	sst s2;
	s3 =	sand.u32 $0x1, s3;
	s5 =	sshll.u32 s1, $0x1  }
0xc: {  	v0 =	vmul.u32 $0x2, v0;
	_ =	strace $0x80000047;
	s5 =	sor.u32 s3, s5;
	s7 =	ssub.s32 $0x2, s3  }
0xd: {  	s3 =	sadd.s32 $0x1C00, s4;
	s8 =	sshll.u32 s5, $0x6;
	s9 =	sshrl.u32 s7, $0x1  }
0xe: {  	s31 =	sshll.u32 s5, $0xD;
	v1 =	vor.u32 $0x1, v0;
	s8 =	sadd.s32 s8, s4;
	s7 =	ssub.s32 s7, s9  }
0xf: {  	v2 =	vor.u32 $0x20, v0;
	v3 =	vor.u32 $0x21, v0;
	v4 =	vor.u32 $0x40, v0;
	s6 =	sadd.s32 s6, s31;
	s9 =	simm.s32 $0x200;
	s4 =	sadd.s32 $0x1400, s8  }
0x10: {  	v5 =	vor.u32 $0x41, v0;
	v6 =	vor.u32 $0x60, v0;
	v7 =	vor.u32 $0x61, v0;
	s5 =	sadd.s32 $0xC00, s8;
	s7 =	smax.u32 s7, $0x1;
	s8 =	simm.s32 $0x2  }
.LBB2_1:
0x11: {  	[tilespmem:s2], [sflag:$0x2] =	stream.linear.gather [hbm4b:s4+s2], $0x200, $0x38;
	[tilespmem:$0x10800] =	vst v63  }
0x12: {  	_ =	swait.ge [sflag:s8], $0x200  }
0x13: {  	[sflag:s8] =	ssyncset.done $0x0  }
0x14: {  	[sflag:s8] =	ssyncadd.s32 $0xFFFFFE00  }
0x15: {  	[tilespmem:s9], [sflag:$0x2] =	stream.linear.gather [hbm4b:s5+s2], $0x200, $0x38;
	[tilespmem:$0x10800] =	vst v63  }
0x16: {  	_ =	swait.ge [sflag:s8], $0x200  }
0x17: {  	[sflag:s8] =	ssyncset.done $0x0  }
0x18: {  	[sflag:s8] =	ssyncadd.s32 $0xFFFFFE00  }
0x19: {  	v8 =	vld [tilespmem:$0x0]  }
0x1a: {  	v9 =	vld [tilespmem:$0x200];
	_ =	sdelay $0x3  }
0x1b: {  	v10 =	vshll.u32 v8, $0x1  }
0x1c: {  	v11 =	vand.u32 $0xFFFFE000, v8;
	v8 =	vshrl.u32 v8, $0xC;
	v58 =	vshll.u32 v9, $0x1  }
0x1d: {  	v12 =	vand.u32 $0xFFFFE000, v9;
	v9 =	vshrl.u32 v9, $0xC;
	v10 =	vand.u32 $0x1FFE, v10  }
0x1e: {  	v8 =	vand.u32 $0x1, v8;
	v10 =	vor.u32 v11, v10;
	v11 =	vand.u32 $0x1FFE, v58  }
0x1f: {  	v9 =	vand.u32 $0x1, v9;
	v8 =	vor.u32 v8, v10;
	v59 =	vor.u32 v12, v11  }
0x20: {  	v9 =	vor.u32 v9, v59;
	[tilespmem:v0+s10+$0x0] =	vst.idx.msk $0xffff, v8  }
0x21: {  	[tilespmem:v1+s10+$0x0] =	vst.idx.msk $0xffff, v9  }
0x22: {  	v8 =	vld [tilespmem:$0x10]  }
0x23: {  	v9 =	vld [tilespmem:$0x210];
	_ =	sdelay $0x3  }
0x24: {  	v60 =	vshll.u32 v8, $0x1  }
0x25: {  	v61 =	vand.u32 $0xFFFFE000, v8;
	v8 =	vshrl.u32 v8, $0xC;
	v62 =	vshll.u32 v9, $0x1  }
0x26: {  	v63 =	vand.u32 $0xFFFFE000, v9;
	v9 =	vshrl.u32 v9, $0xC;
	v10 =	vand.u32 $0x1FFE, v60  }
0x27: {  	v8 =	vand.u32 $0x1, v8;
	v11 =	vand.u32 $0x1FFE, v62;
	v10 =	vor.u32 v61, v10  }
0x28: {  	v9 =	vand.u32 $0x1, v9;
	v14 =	vor.u32 v63, v11;
	v8 =	vor.u32 v8, v10  }
0x29: {  	v9 =	vor.u32 v9, v14;
	[tilespmem:v2+s10+$0x0] =	vst.idx.msk $0xffff, v8  }
0x2a: {  	[tilespmem:v3+s10+$0x0] =	vst.idx.msk $0xffff, v9  }
0x2b: {  	v8 =	vld [tilespmem:$0x20]  }
0x2c: {  	v9 =	vld [tilespmem:$0x220];
	_ =	sdelay $0x3  }
0x2d: {  	v15 =	vshll.u32 v8, $0x1  }
0x2e: {  	v16 =	vand.u32 $0xFFFFE000, v8;
	v8 =	vshrl.u32 v8, $0xC;
	v17 =	vshll.u32 v9, $0x1  }
0x2f: {  	v18 =	vand.u32 $0xFFFFE000, v9;
	v9 =	vshrl.u32 v9, $0xC;
	v10 =	vand.u32 $0x1FFE, v15  }
0x30: {  	v8 =	vand.u32 $0x1, v8;
	v11 =	vand.u32 $0x1FFE, v17;
	v10 =	vor.u32 v16, v10  }
0x31: {  	v9 =	vand.u32 $0x1, v9;
	v19 =	vor.u32 v18, v11;
	v8 =	vor.u32 v8, v10  }
0x32: {  	v9 =	vor.u32 v9, v19;
	[tilespmem:v4+s10+$0x0] =	vst.idx.msk $0xffff, v8  }
0x33: {  	[tilespmem:v5+s10+$0x0] =	vst.idx.msk $0xffff, v9  }
0x34: {  	v8 =	vld [tilespmem:$0x30]  }
0x35: {  	v9 =	vld [tilespmem:$0x230];
	_ =	sdelay $0x3  }
0x36: {  	v20 =	vshll.u32 v8, $0x1  }
0x37: {  	v21 =	vand.u32 $0xFFFFE000, v8;
	v8 =	vshrl.u32 v8, $0xC;
	v22 =	vshll.u32 v9, $0x1  }
0x38: {  	v23 =	vand.u32 $0xFFFFE000, v9;
	v9 =	vshrl.u32 v9, $0xC;
	v10 =	vand.u32 $0x1FFE, v20  }
0x39: {  	v8 =	vand.u32 $0x1, v8;
	v11 =	vand.u32 $0x1FFE, v22;
	v10 =	vor.u32 v21, v10  }
0x3a: {  	v9 =	vand.u32 $0x1, v9;
	v24 =	vor.u32 v23, v11;
	v8 =	vor.u32 v8, v10  }
0x3b: {  	v9 =	vor.u32 v9, v24;
	[tilespmem:v6+s10+$0x0] =	vst.idx.msk $0xffff, v8  }
0x3c: {  	[tilespmem:v7+s10+$0x0] =	vst.idx.msk $0xffff, v9  }
0x3d: {  	v8 =	vld [tilespmem:$0x40]  }
0x3e: {  	v9 =	vld [tilespmem:$0x240];
	_ =	sdelay $0x3  }
0x3f: {  	v25 =	vshll.u32 v8, $0x1  }
0x40: {  	v26 =	vand.u32 $0xFFFFE000, v8;
	v8 =	vshrl.u32 v8, $0xC;
	v27 =	vshll.u32 v9, $0x1  }
0x41: {  	v28 =	vand.u32 $0xFFFFE000, v9;
	v9 =	vshrl.u32 v9, $0xC;
	v10 =	vand.u32 $0x1FFE, v25  }
0x42: {  	v8 =	vand.u32 $0x1, v8;
	v11 =	vand.u32 $0x1FFE, v27;
	v10 =	vor.u32 v26, v10  }
0x43: {  	v9 =	vand.u32 $0x1, v9;
	v29 =	vor.u32 v28, v11;
	v8 =	vor.u32 v8, v10  }
0x44: {  	v9 =	vor.u32 v9, v29;
	[tilespmem:v0+s11+$0x0] =	vst.idx.msk $0xffff, v8  }
0x45: {  	[tilespmem:v1+s11+$0x0] =	vst.idx.msk $0xffff, v9  }
0x46: {  	v8 =	vld [tilespmem:$0x50]  }
0x47: {  	v9 =	vld [tilespmem:$0x250];
	_ =	sdelay $0x3  }
0x48: {  	v30 =	vshll.u32 v8, $0x1  }
0x49: {  	v31 =	vand.u32 $0xFFFFE000, v8;
	v8 =	vshrl.u32 v8, $0xC;
	v32 =	vshll.u32 v9, $0x1  }
0x4a: {  	v33 =	vand.u32 $0xFFFFE000, v9;
	v9 =	vshrl.u32 v9, $0xC;
	v10 =	vand.u32 $0x1FFE, v30  }
0x4b: {  	v8 =	vand.u32 $0x1, v8;
	v11 =	vand.u32 $0x1FFE, v32;
	v10 =	vor.u32 v31, v10  }
0x4c: {  	v9 =	vand.u32 $0x1, v9;
	v34 =	vor.u32 v33, v11;
	v8 =	vor.u32 v8, v10  }
0x4d: {  	v9 =	vor.u32 v9, v34;
	[tilespmem:v2+s11+$0x0] =	vst.idx.msk $0xffff, v8  }
0x4e: {  	[tilespmem:v3+s11+$0x0] =	vst.idx.msk $0xffff, v9  }
0x4f: {  	v8 =	vld [tilespmem:$0x60]  }
0x50: {  	v9 =	vld [tilespmem:$0x260];
	_ =	sdelay $0x3  }
0x51: {  	v35 =	vshll.u32 v8, $0x1  }
0x52: {  	v36 =	vand.u32 $0xFFFFE000, v8;
	v8 =	vshrl.u32 v8, $0xC;
	v37 =	vshll.u32 v9, $0x1  }
0x53: {  	v38 =	vand.u32 $0xFFFFE000, v9;
	v9 =	vshrl.u32 v9, $0xC;
	v10 =	vand.u32 $0x1FFE, v35  }
0x54: {  	v8 =	vand.u32 $0x1, v8;
	v11 =	vand.u32 $0x1FFE, v37;
	v10 =	vor.u32 v36, v10  }
0x55: {  	v9 =	vand.u32 $0x1, v9;
	v39 =	vor.u32 v38, v11;
	v8 =	vor.u32 v8, v10  }
0x56: {  	v9 =	vor.u32 v9, v39;
	[tilespmem:v4+s11+$0x0] =	vst.idx.msk $0xffff, v8  }
0x57: {  	[tilespmem:v5+s11+$0x0] =	vst.idx.msk $0xffff, v9  }
0x58: {  	v8 =	vld [tilespmem:$0x70]  }
0x59: {  	v9 =	vld [tilespmem:$0x270];
	_ =	sdelay $0x3  }
0x5a: {  	v40 =	vshll.u32 v8, $0x1  }
0x5b: {  	v41 =	vand.u32 $0xFFFFE000, v8;
	v8 =	vshrl.u32 v8, $0xC;
	v42 =	vshll.u32 v9, $0x1  }
0x5c: {  	v43 =	vand.u32 $0xFFFFE000, v9;
	v9 =	vshrl.u32 v9, $0xC;
	v10 =	vand.u32 $0x1FFE, v40  }
0x5d: {  	v8 =	vand.u32 $0x1, v8;
	v11 =	vand.u32 $0x1FFE, v42;
	v10 =	vor.u32 v41, v10  }
0x5e: {  	v9 =	vand.u32 $0x1, v9;
	v44 =	vor.u32 v43, v11;
	v8 =	vor.u32 v8, v10  }
0x5f: {  	v9 =	vor.u32 v9, v44;
	[tilespmem:v6+s11+$0x0] =	vst.idx.msk $0xffff, v8  }
0x60: {  	[tilespmem:v7+s11+$0x0] =	vst.idx.msk $0xffff, v9  }
0x61: {  	v8 =	vld [tilespmem:$0x80]  }
0x62: {  	v9 =	vld [tilespmem:$0x280];
	_ =	sdelay $0x3  }
0x63: {  	v45 =	vshll.u32 v8, $0x1  }
0x64: {  	v46 =	vand.u32 $0xFFFFE000, v8;
	v8 =	vshrl.u32 v8, $0xC;
	v47 =	vshll.u32 v9, $0x1  }
0x65: {  	v48 =	vand.u32 $0xFFFFE000, v9;
	v9 =	vshrl.u32 v9, $0xC;
	v10 =	vand.u32 $0x1FFE, v45  }
0x66: {  	v8 =	vand.u32 $0x1, v8;
	v11 =	vand.u32 $0x1FFE, v47;
	v10 =	vor.u32 v46, v10  }
0x67: {  	v9 =	vand.u32 $0x1, v9;
	v49 =	vor.u32 v48, v11;
	v8 =	vor.u32 v8, v10  }
0x68: {  	v9 =	vor.u32 v9, v49;
	[tilespmem:v0+s12+$0x0] =	vst.idx.msk $0xffff, v8  }
0x69: {  	[tilespmem:v1+s12+$0x0] =	vst.idx.msk $0xffff, v9  }
0x6a: {  	v8 =	vld [tilespmem:$0x90]  }
0x6b: {  	v9 =	vld [tilespmem:$0x290];
	_ =	sdelay $0x3  }
0x6c: {  	v50 =	vshll.u32 v8, $0x1  }
0x6d: {  	v51 =	vand.u32 $0xFFFFE000, v8;
	v8 =	vshrl.u32 v8, $0xC;
	v52 =	vshll.u32 v9, $0x1  }
0x6e: {  	v53 =	vand.u32 $0xFFFFE000, v9;
	v9 =	vshrl.u32 v9, $0xC;
	v10 =	vand.u32 $0x1FFE, v50  }
0x6f: {  	v8 =	vand.u32 $0x1, v8;
	v11 =	vand.u32 $0x1FFE, v52;
	v10 =	vor.u32 v51, v10  }
0x70: {  	v9 =	vand.u32 $0x1, v9;
	v54 =	vor.u32 v53, v11;
	v8 =	vor.u32 v8, v10  }
0x71: {  	v9 =	vor.u32 v9, v54;
	[tilespmem:v2+s12+$0x0] =	vst.idx.msk $0xffff, v8  }
0x72: {  	[tilespmem:v3+s12+$0x0] =	vst.idx.msk $0xffff, v9  }
0x73: {  	v8 =	vld [tilespmem:$0xA0]  }
0x74: {  	v9 =	vld [tilespmem:$0x2A0];
	_ =	sdelay $0x3  }
0x75: {  	v55 =	vshll.u32 v8, $0x1  }
0x76: {  	v56 =	vand.u32 $0xFFFFE000, v8;
	v8 =	vshrl.u32 v8, $0xC;
	v57 =	vshll.u32 v9, $0x1  }
0x77: {  	v58 =	vand.u32 $0xFFFFE000, v9;
	v9 =	vshrl.u32 v9, $0xC;
	v10 =	vand.u32 $0x1FFE, v55  }
0x78: {  	v8 =	vand.u32 $0x1, v8;
	v11 =	vand.u32 $0x1FFE, v57;
	v10 =	vor.u32 v56, v10  }
0x79: {  	v9 =	vand.u32 $0x1, v9;
	v59 =	vor.u32 v58, v11;
	v8 =	vor.u32 v8, v10  }
0x7a: {  	v9 =	vor.u32 v9, v59;
	[tilespmem:v4+s12+$0x0] =	vst.idx.msk $0xffff, v8  }
0x7b: {  	[tilespmem:v5+s12+$0x0] =	vst.idx.msk $0xffff, v9  }
0x7c: {  	v8 =	vld [tilespmem:$0xB0]  }
0x7d: {  	v9 =	vld [tilespmem:$0x2B0];
	_ =	sdelay $0x3  }
0x7e: {  	v60 =	vshll.u32 v8, $0x1  }
0x7f: {  	v61 =	vand.u32 $0xFFFFE000, v8;
	v8 =	vshrl.u32 v8, $0xC;
	v62 =	vshll.u32 v9, $0x1  }
0x80: {  	v63 =	vand.u32 $0xFFFFE000, v9;
	v9 =	vshrl.u32 v9, $0xC;
	v10 =	vand.u32 $0x1FFE, v60  }
0x81: {  	v8 =	vand.u32 $0x1, v8;
	v11 =	vand.u32 $0x1FFE, v62;
	v10 =	vor.u32 v61, v10  }
0x82: {  	v9 =	vand.u32 $0x1, v9;
	v14 =	vor.u32 v63, v11;
	v8 =	vor.u32 v8, v10  }
0x83: {  	v9 =	vor.u32 v9, v14;
	[tilespmem:v6+s12+$0x0] =	vst.idx.msk $0xffff, v8  }
0x84: {  	[tilespmem:v7+s12+$0x0] =	vst.idx.msk $0xffff, v9  }
0x85: {  	v8 =	vld [tilespmem:$0xC0]  }
0x86: {  	v9 =	vld [tilespmem:$0x2C0];
	_ =	sdelay $0x3  }
0x87: {  	v15 =	vshll.u32 v8, $0x1  }
0x88: {  	v16 =	vand.u32 $0xFFFFE000, v8;
	v8 =	vshrl.u32 v8, $0xC;
	v17 =	vshll.u32 v9, $0x1  }
0x89: {  	v18 =	vand.u32 $0xFFFFE000, v9;
	v9 =	vshrl.u32 v9, $0xC;
	v10 =	vand.u32 $0x1FFE, v15  }
0x8a: {  	v8 =	vand.u32 $0x1, v8;
	v11 =	vand.u32 $0x1FFE, v17;
	v10 =	vor.u32 v16, v10  }
0x8b: {  	v9 =	vand.u32 $0x1, v9;
	v19 =	vor.u32 v18, v11;
	v8 =	vor.u32 v8, v10  }
0x8c: {  	v9 =	vor.u32 v9, v19;
	[tilespmem:v0+s13+$0x0] =	vst.idx.msk $0xffff, v8  }
0x8d: {  	[tilespmem:v1+s13+$0x0] =	vst.idx.msk $0xffff, v9  }
0x8e: {  	v8 =	vld [tilespmem:$0xD0]  }
0x8f: {  	v9 =	vld [tilespmem:$0x2D0];
	_ =	sdelay $0x3  }
0x90: {  	v20 =	vshll.u32 v8, $0x1  }
0x91: {  	v21 =	vand.u32 $0xFFFFE000, v8;
	v8 =	vshrl.u32 v8, $0xC;
	v22 =	vshll.u32 v9, $0x1  }
0x92: {  	v23 =	vand.u32 $0xFFFFE000, v9;
	v9 =	vshrl.u32 v9, $0xC;
	v10 =	vand.u32 $0x1FFE, v20  }
0x93: {  	v8 =	vand.u32 $0x1, v8;
	v11 =	vand.u32 $0x1FFE, v22;
	v10 =	vor.u32 v21, v10  }
0x94: {  	v9 =	vand.u32 $0x1, v9;
	v24 =	vor.u32 v23, v11;
	v8 =	vor.u32 v8, v10  }
0x95: {  	v9 =	vor.u32 v9, v24;
	[tilespmem:v2+s13+$0x0] =	vst.idx.msk $0xffff, v8  }
0x96: {  	[tilespmem:v3+s13+$0x0] =	vst.idx.msk $0xffff, v9  }
0x97: {  	v8 =	vld [tilespmem:$0xE0]  }
0x98: {  	v9 =	vld [tilespmem:$0x2E0];
	_ =	sdelay $0x3  }
0x99: {  	v25 =	vshll.u32 v8, $0x1  }
0x9a: {  	v26 =	vand.u32 $0xFFFFE000, v8;
	v8 =	vshrl.u32 v8, $0xC;
	v27 =	vshll.u32 v9, $0x1  }
0x9b: {  	v28 =	vand.u32 $0xFFFFE000, v9;
	v9 =	vshrl.u32 v9, $0xC;
	v10 =	vand.u32 $0x1FFE, v25  }
0x9c: {  	v8 =	vand.u32 $0x1, v8;
	v11 =	vand.u32 $0x1FFE, v27;
	v10 =	vor.u32 v26, v10  }
0x9d: {  	v9 =	vand.u32 $0x1, v9;
	v29 =	vor.u32 v28, v11;
	v8 =	vor.u32 v8, v10  }
0x9e: {  	v9 =	vor.u32 v9, v29;
	[tilespmem:v4+s13+$0x0] =	vst.idx.msk $0xffff, v8  }
0x9f: {  	[tilespmem:v5+s13+$0x0] =	vst.idx.msk $0xffff, v9  }
0xa0: {  	v8 =	vld [tilespmem:$0xF0]  }
0xa1: {  	v9 =	vld [tilespmem:$0x2F0];
	_ =	sdelay $0x3  }
0xa2: {  	v30 =	vshll.u32 v8, $0x1  }
0xa3: {  	v31 =	vand.u32 $0xFFFFE000, v8;
	v8 =	vshrl.u32 v8, $0xC;
	v32 =	vshll.u32 v9, $0x1  }
0xa4: {  	v33 =	vand.u32 $0xFFFFE000, v9;
	v9 =	vshrl.u32 v9, $0xC;
	v10 =	vand.u32 $0x1FFE, v30  }
0xa5: {  	v8 =	vand.u32 $0x1, v8;
	v11 =	vand.u32 $0x1FFE, v32;
	v10 =	vor.u32 v31, v10  }
0xa6: {  	v9 =	vand.u32 $0x1, v9;
	v34 =	vor.u32 v33, v11;
	v8 =	vor.u32 v8, v10  }
0xa7: {  	v9 =	vor.u32 v9, v34;
	[tilespmem:v6+s13+$0x0] =	vst.idx.msk $0xffff, v8  }
0xa8: {  	[tilespmem:v7+s13+$0x0] =	vst.idx.msk $0xffff, v9  }
0xa9: {  	v8 =	vld [tilespmem:$0x100]  }
0xaa: {  	v9 =	vld [tilespmem:$0x300];
	_ =	sdelay $0x3  }
0xab: {  	v35 =	vshll.u32 v8, $0x1  }
0xac: {  	v36 =	vand.u32 $0xFFFFE000, v8;
	v8 =	vshrl.u32 v8, $0xC;
	v37 =	vshll.u32 v9, $0x1  }
0xad: {  	v38 =	vand.u32 $0xFFFFE000, v9;
	v9 =	vshrl.u32 v9, $0xC;
	v10 =	vand.u32 $0x1FFE, v35  }
0xae: {  	v8 =	vand.u32 $0x1, v8;
	v11 =	vand.u32 $0x1FFE, v37;
	v10 =	vor.u32 v36, v10  }
0xaf: {  	v9 =	vand.u32 $0x1, v9;
	v39 =	vor.u32 v38, v11;
	v8 =	vor.u32 v8, v10  }
0xb0: {  	v9 =	vor.u32 v9, v39;
	[tilespmem:v0+s14+$0x0] =	vst.idx.msk $0xffff, v8  }
0xb1: {  	[tilespmem:v1+s14+$0x0] =	vst.idx.msk $0xffff, v9  }
0xb2: {  	v8 =	vld [tilespmem:$0x110]  }
0xb3: {  	v9 =	vld [tilespmem:$0x310];
	_ =	sdelay $0x3  }
0xb4: {  	v40 =	vshll.u32 v8, $0x1  }
0xb5: {  	v41 =	vand.u32 $0xFFFFE000, v8;
	v8 =	vshrl.u32 v8, $0xC;
	v42 =	vshll.u32 v9, $0x1  }
0xb6: {  	v43 =	vand.u32 $0xFFFFE000, v9;
	v9 =	vshrl.u32 v9, $0xC;
	v10 =	vand.u32 $0x1FFE, v40  }
0xb7: {  	v8 =	vand.u32 $0x1, v8;
	v11 =	vand.u32 $0x1FFE, v42;
	v10 =	vor.u32 v41, v10  }
0xb8: {  	v9 =	vand.u32 $0x1, v9;
	v44 =	vor.u32 v43, v11;
	v8 =	vor.u32 v8, v10  }
0xb9: {  	v9 =	vor.u32 v9, v44;
	[tilespmem:v2+s14+$0x0] =	vst.idx.msk $0xffff, v8  }
0xba: {  	[tilespmem:v3+s14+$0x0] =	vst.idx.msk $0xffff, v9  }
0xbb: {  	v8 =	vld [tilespmem:$0x120]  }
0xbc: {  	v9 =	vld [tilespmem:$0x320];
	_ =	sdelay $0x3  }
0xbd: {  	v45 =	vshll.u32 v8, $0x1  }
0xbe: {  	v46 =	vand.u32 $0xFFFFE000, v8;
	v8 =	vshrl.u32 v8, $0xC;
	v47 =	vshll.u32 v9, $0x1  }
0xbf: {  	v48 =	vand.u32 $0xFFFFE000, v9;
	v9 =	vshrl.u32 v9, $0xC;
	v10 =	vand.u32 $0x1FFE, v45  }
0xc0: {  	v8 =	vand.u32 $0x1, v8;
	v11 =	vand.u32 $0x1FFE, v47;
	v10 =	vor.u32 v46, v10  }
0xc1: {  	v9 =	vand.u32 $0x1, v9;
	v49 =	vor.u32 v48, v11;
	v8 =	vor.u32 v8, v10  }
0xc2: {  	v9 =	vor.u32 v9, v49;
	[tilespmem:v4+s14+$0x0] =	vst.idx.msk $0xffff, v8  }
0xc3: {  	[tilespmem:v5+s14+$0x0] =	vst.idx.msk $0xffff, v9  }
0xc4: {  	v8 =	vld [tilespmem:$0x130]  }
0xc5: {  	v9 =	vld [tilespmem:$0x330];
	_ =	sdelay $0x3  }
0xc6: {  	v50 =	vshll.u32 v8, $0x1  }
0xc7: {  	v51 =	vand.u32 $0xFFFFE000, v8;
	v8 =	vshrl.u32 v8, $0xC;
	v52 =	vshll.u32 v9, $0x1  }
0xc8: {  	v53 =	vand.u32 $0xFFFFE000, v9;
	v9 =	vshrl.u32 v9, $0xC;
	v10 =	vand.u32 $0x1FFE, v50  }
0xc9: {  	v8 =	vand.u32 $0x1, v8;
	v11 =	vand.u32 $0x1FFE, v52;
	v10 =	vor.u32 v51, v10  }
0xca: {  	v9 =	vand.u32 $0x1, v9;
	v54 =	vor.u32 v53, v11;
	v8 =	vor.u32 v8, v10  }
0xcb: {  	v9 =	vor.u32 v9, v54;
	[tilespmem:v6+s14+$0x0] =	vst.idx.msk $0xffff, v8  }
0xcc: {  	[tilespmem:v7+s14+$0x0] =	vst.idx.msk $0xffff, v9  }
0xcd: {  	v8 =	vld [tilespmem:$0x140]  }
0xce: {  	v9 =	vld [tilespmem:$0x340];
	_ =	sdelay $0x3  }
0xcf: {  	v55 =	vshll.u32 v8, $0x1  }
0xd0: {  	v56 =	vand.u32 $0xFFFFE000, v8;
	v8 =	vshrl.u32 v8, $0xC;
	v57 =	vshll.u32 v9, $0x1  }
0xd1: {  	v58 =	vand.u32 $0xFFFFE000, v9;
	v9 =	vshrl.u32 v9, $0xC;
	v10 =	vand.u32 $0x1FFE, v55  }
0xd2: {  	v8 =	vand.u32 $0x1, v8;
	v11 =	vand.u32 $0x1FFE, v57;
	v10 =	vor.u32 v56, v10  }
0xd3: {  	v9 =	vand.u32 $0x1, v9;
	v59 =	vor.u32 v58, v11;
	v8 =	vor.u32 v8, v10  }
0xd4: {  	v9 =	vor.u32 v9, v59;
	[tilespmem:v0+s15+$0x0] =	vst.idx.msk $0xffff, v8  }
0xd5: {  	[tilespmem:v1+s15+$0x0] =	vst.idx.msk $0xffff, v9  }
0xd6: {  	v8 =	vld [tilespmem:$0x150]  }
0xd7: {  	v9 =	vld [tilespmem:$0x350];
	_ =	sdelay $0x3  }
0xd8: {  	v60 =	vshll.u32 v8, $0x1  }
0xd9: {  	v61 =	vand.u32 $0xFFFFE000, v8;
	v8 =	vshrl.u32 v8, $0xC;
	v62 =	vshll.u32 v9, $0x1  }
0xda: {  	v63 =	vand.u32 $0xFFFFE000, v9;
	v9 =	vshrl.u32 v9, $0xC;
	v10 =	vand.u32 $0x1FFE, v60  }
0xdb: {  	v8 =	vand.u32 $0x1, v8;
	v11 =	vand.u32 $0x1FFE, v62;
	v10 =	vor.u32 v61, v10  }
0xdc: {  	v9 =	vand.u32 $0x1, v9;
	v13 =	vor.u32 v63, v11;
	v8 =	vor.u32 v8, v10  }
0xdd: {  	v9 =	vor.u32 v9, v13;
	[tilespmem:v2+s15+$0x0] =	vst.idx.msk $0xffff, v8  }
0xde: {  	[tilespmem:v3+s15+$0x0] =	vst.idx.msk $0xffff, v9  }
0xdf: {  	v8 =	vld [tilespmem:$0x160]  }
0xe0: {  	v9 =	vld [tilespmem:$0x360];
	_ =	sdelay $0x3  }
0xe1: {  	v14 =	vshll.u32 v8, $0x1  }
0xe2: {  	v15 =	vand.u32 $0xFFFFE000, v8;
	v8 =	vshrl.u32 v8, $0xC;
	v16 =	vshll.u32 v9, $0x1  }
0xe3: {  	v17 =	vand.u32 $0xFFFFE000, v9;
	v9 =	vshrl.u32 v9, $0xC;
	v10 =	vand.u32 $0x1FFE, v14  }
0xe4: {  	v8 =	vand.u32 $0x1, v8;
	v11 =	vand.u32 $0x1FFE, v16;
	v10 =	vor.u32 v15, v10  }
0xe5: {  	v9 =	vand.u32 $0x1, v9;
	v18 =	vor.u32 v17, v11;
	v8 =	vor.u32 v8, v10  }
0xe6: {  	v9 =	vor.u32 v9, v18;
	[tilespmem:v4+s15+$0x0] =	vst.idx.msk $0xffff, v8  }
0xe7: {  	[tilespmem:v5+s15+$0x0] =	vst.idx.msk $0xffff, v9  }
0xe8: {  	v8 =	vld [tilespmem:$0x170]  }
0xe9: {  	v9 =	vld [tilespmem:$0x370];
	_ =	sdelay $0x3  }
0xea: {  	v19 =	vshll.u32 v8, $0x1  }
0xeb: {  	v20 =	vand.u32 $0xFFFFE000, v8;
	v8 =	vshrl.u32 v8, $0xC;
	v21 =	vshll.u32 v9, $0x1  }
0xec: {  	v22 =	vand.u32 $0xFFFFE000, v9;
	v9 =	vshrl.u32 v9, $0xC;
	v10 =	vand.u32 $0x1FFE, v19  }
0xed: {  	v8 =	vand.u32 $0x1, v8;
	v11 =	vand.u32 $0x1FFE, v21;
	v10 =	vor.u32 v20, v10  }
0xee: {  	v9 =	vand.u32 $0x1, v9;
	v23 =	vor.u32 v22, v11;
	v8 =	vor.u32 v8, v10  }
0xef: {  	v9 =	vor.u32 v9, v23;
	[tilespmem:v6+s15+$0x0] =	vst.idx.msk $0xffff, v8  }
0xf0: {  	[tilespmem:v7+s15+$0x0] =	vst.idx.msk $0xffff, v9  }
0xf1: {  	v8 =	vld [tilespmem:$0x180]  }
0xf2: {  	v9 =	vld [tilespmem:$0x380];
	_ =	sdelay $0x3  }
0xf3: {  	v24 =	vshll.u32 v8, $0x1  }
0xf4: {  	v25 =	vand.u32 $0xFFFFE000, v8;
	v8 =	vshrl.u32 v8, $0xC;
	v26 =	vshll.u32 v9, $0x1  }
0xf5: {  	v27 =	vand.u32 $0xFFFFE000, v9;
	v9 =	vshrl.u32 v9, $0xC;
	v10 =	vand.u32 $0x1FFE, v24  }
0xf6: {  	v8 =	vand.u32 $0x1, v8;
	v11 =	vand.u32 $0x1FFE, v26;
	v10 =	vor.u32 v25, v10  }
0xf7: {  	v9 =	vand.u32 $0x1, v9;
	v28 =	vor.u32 v27, v11;
	v8 =	vor.u32 v8, v10  }
0xf8: {  	v9 =	vor.u32 v9, v28;
	[tilespmem:v0+s16+$0x0] =	vst.idx.msk $0xffff, v8  }
0xf9: {  	[tilespmem:v1+s16+$0x0] =	vst.idx.msk $0xffff, v9  }
0xfa: {  	v8 =	vld [tilespmem:$0x190]  }
0xfb: {  	v9 =	vld [tilespmem:$0x390];
	_ =	sdelay $0x3  }
0xfc: {  	v29 =	vshll.u32 v8, $0x1  }
0xfd: {  	v30 =	vand.u32 $0xFFFFE000, v8;
	v8 =	vshrl.u32 v8, $0xC;
	v31 =	vshll.u32 v9, $0x1  }
0xfe: {  	v32 =	vand.u32 $0xFFFFE000, v9;
	v9 =	vshrl.u32 v9, $0xC;
	v10 =	vand.u32 $0x1FFE, v29  }
0xff: {  	v8 =	vand.u32 $0x1, v8;
	v11 =	vand.u32 $0x1FFE, v31;
	v10 =	vor.u32 v30, v10  }
0x100: {  	v9 =	vand.u32 $0x1, v9;
	v33 =	vor.u32 v32, v11;
	v8 =	vor.u32 v8, v10  }
0x101: {  	v9 =	vor.u32 v9, v33;
	[tilespmem:v2+s16+$0x0] =	vst.idx.msk $0xffff, v8  }
0x102: {  	[tilespmem:v3+s16+$0x0] =	vst.idx.msk $0xffff, v9  }
0x103: {  	v8 =	vld [tilespmem:$0x1A0]  }
0x104: {  	v9 =	vld [tilespmem:$0x3A0];
	_ =	sdelay $0x3  }
0x105: {  	v34 =	vshll.u32 v8, $0x1  }
0x106: {  	v35 =	vand.u32 $0xFFFFE000, v8;
	v8 =	vshrl.u32 v8, $0xC;
	v36 =	vshll.u32 v9, $0x1  }
0x107: {  	v37 =	vand.u32 $0xFFFFE000, v9;
	v9 =	vshrl.u32 v9, $0xC;
	v10 =	vand.u32 $0x1FFE, v34  }
0x108: {  	v8 =	vand.u32 $0x1, v8;
	v11 =	vand.u32 $0x1FFE, v36;
	v10 =	vor.u32 v35, v10  }
0x109: {  	v9 =	vand.u32 $0x1, v9;
	v38 =	vor.u32 v37, v11;
	v8 =	vor.u32 v8, v10  }
0x10a: {  	v9 =	vor.u32 v9, v38;
	[tilespmem:v4+s16+$0x0] =	vst.idx.msk $0xffff, v8  }
0x10b: {  	[tilespmem:v5+s16+$0x0] =	vst.idx.msk $0xffff, v9  }
0x10c: {  	v8 =	vld [tilespmem:$0x1B0]  }
0x10d: {  	v9 =	vld [tilespmem:$0x3B0];
	_ =	sdelay $0x3  }
0x10e: {  	v39 =	vshll.u32 v8, $0x1  }
0x10f: {  	v40 =	vand.u32 $0xFFFFE000, v8;
	v8 =	vshrl.u32 v8, $0xC;
	v41 =	vshll.u32 v9, $0x1  }
0x110: {  	v42 =	vand.u32 $0xFFFFE000, v9;
	v9 =	vshrl.u32 v9, $0xC;
	v10 =	vand.u32 $0x1FFE, v39  }
0x111: {  	v8 =	vand.u32 $0x1, v8;
	v11 =	vand.u32 $0x1FFE, v41;
	v10 =	vor.u32 v40, v10  }
0x112: {  	v9 =	vand.u32 $0x1, v9;
	v43 =	vor.u32 v42, v11;
	v8 =	vor.u32 v8, v10  }
0x113: {  	v9 =	vor.u32 v9, v43;
	[tilespmem:v6+s16+$0x0] =	vst.idx.msk $0xffff, v8  }
0x114: {  	[tilespmem:v7+s16+$0x0] =	vst.idx.msk $0xffff, v9  }
0x115: {  	v8 =	vld [tilespmem:$0x1C0]  }
0x116: {  	v9 =	vld [tilespmem:$0x3C0];
	_ =	sdelay $0x3  }
0x117: {  	v44 =	vshll.u32 v8, $0x1  }
0x118: {  	v45 =	vand.u32 $0xFFFFE000, v8;
	v8 =	vshrl.u32 v8, $0xC;
	v46 =	vshll.u32 v9, $0x1  }
0x119: {  	v47 =	vand.u32 $0xFFFFE000, v9;
	v9 =	vshrl.u32 v9, $0xC;
	v10 =	vand.u32 $0x1FFE, v44  }
0x11a: {  	v8 =	vand.u32 $0x1, v8;
	v11 =	vand.u32 $0x1FFE, v46;
	v10 =	vor.u32 v45, v10  }
0x11b: {  	v9 =	vand.u32 $0x1, v9;
	v48 =	vor.u32 v47, v11;
	v8 =	vor.u32 v8, v10  }
0x11c: {  	v9 =	vor.u32 v9, v48;
	[tilespmem:v0+s17+$0x0] =	vst.idx.msk $0xffff, v8  }
0x11d: {  	[tilespmem:v1+s17+$0x0] =	vst.idx.msk $0xffff, v9  }
0x11e: {  	v8 =	vld [tilespmem:$0x1D0]  }
0x11f: {  	v9 =	vld [tilespmem:$0x3D0];
	_ =	sdelay $0x3  }
0x120: {  	v49 =	vshll.u32 v8, $0x1  }
0x121: {  	v50 =	vand.u32 $0xFFFFE000, v8;
	v8 =	vshrl.u32 v8, $0xC;
	v51 =	vshll.u32 v9, $0x1  }
0x122: {  	v52 =	vand.u32 $0xFFFFE000, v9;
	v9 =	vshrl.u32 v9, $0xC;
	v10 =	vand.u32 $0x1FFE, v49  }
0x123: {  	v8 =	vand.u32 $0x1, v8;
	v11 =	vand.u32 $0x1FFE, v51;
	v10 =	vor.u32 v50, v10  }
0x124: {  	v9 =	vand.u32 $0x1, v9;
	v53 =	vor.u32 v52, v11;
	v8 =	vor.u32 v8, v10  }
0x125: {  	v9 =	vor.u32 v9, v53;
	[tilespmem:v2+s17+$0x0] =	vst.idx.msk $0xffff, v8  }
0x126: {  	[tilespmem:v3+s17+$0x0] =	vst.idx.msk $0xffff, v9  }
0x127: {  	v8 =	vld [tilespmem:$0x1E0]  }
0x128: {  	v9 =	vld [tilespmem:$0x3E0];
	_ =	sdelay $0x3  }
0x129: {  	v54 =	vshll.u32 v8, $0x1  }
0x12a: {  	v55 =	vand.u32 $0xFFFFE000, v8;
	v8 =	vshrl.u32 v8, $0xC;
	v56 =	vshll.u32 v9, $0x1  }
0x12b: {  	v57 =	vand.u32 $0xFFFFE000, v9;
	v9 =	vshrl.u32 v9, $0xC;
	v10 =	vand.u32 $0x1FFE, v54  }
0x12c: {  	v8 =	vand.u32 $0x1, v8;
	v11 =	vand.u32 $0x1FFE, v56;
	v10 =	vor.u32 v55, v10  }
0x12d: {  	v9 =	vand.u32 $0x1, v9;
	v58 =	vor.u32 v57, v11;
	v8 =	vor.u32 v8, v10  }
0x12e: {  	v9 =	vor.u32 v9, v58;
	[tilespmem:v4+s17+$0x0] =	vst.idx.msk $0xffff, v8  }
0x12f: {  	[tilespmem:v5+s17+$0x0] =	vst.idx.msk $0xffff, v9  }
0x130: {  	v8 =	vld [tilespmem:$0x1F0]  }
0x131: {  	v9 =	vld [tilespmem:$0x3F0];
	_ =	sdelay $0x3  }
0x132: {  	v59 =	vshll.u32 v8, $0x1  }
0x133: {  	v60 =	vand.u32 $0xFFFFE000, v8;
	v8 =	vshrl.u32 v8, $0xC;
	v61 =	vshll.u32 v9, $0x1  }
0x134: {  	v62 =	vand.u32 $0xFFFFE000, v9;
	v9 =	vshrl.u32 v9, $0xC;
	v10 =	vand.u32 $0x1FFE, v59  }
0x135: {  	v8 =	vand.u32 $0x1, v8;
	v11 =	vand.u32 $0x1FFE, v61;
	v10 =	vor.u32 v60, v10  }
0x136: {  	v9 =	vand.u32 $0x1, v9;
	v63 =	vor.u32 v62, v11;
	v8 =	vor.u32 v8, v10  }
0x137: {  	v9 =	vor.u32 v9, v63;
	[tilespmem:v6+s17+$0x0] =	vst.idx.msk $0xffff, v8  }
0x138: {  	[tilespmem:v7+s17+$0x0] =	vst.idx.msk $0xffff, v9  }
0x139: {  	[tilespmem:s19], [sflag:$0x1] =	stream.indirect.gather [hbm4b:s3+s18], $0x40, s10, s18, $0xb8;
	[tilespmem:$0x10800] =	vst v63  }
0x13a: {  	_ = 	snop  }
0x13b: {  	[tilespmem:s20], [sflag:$0x1] =	stream.indirect.gather [hbm4b:s3+s18], $0x40, s11, s18, $0xb8;
	[tilespmem:$0x10800] =	vst v63  }
0x13c: {  	_ = 	snop  }
0x13d: {  	[tilespmem:s21], [sflag:$0x1] =	stream.indirect.gather [hbm4b:s3+s18], $0x40, s12, s18, $0xb8;
	[tilespmem:$0x10800] =	vst v63  }
0x13e: {  	_ = 	snop  }
0x13f: {  	[tilespmem:s22], [sflag:$0x1] =	stream.indirect.gather [hbm4b:s3+s18], $0x40, s13, s18, $0xb8;
	[tilespmem:$0x10800] =	vst v63  }
0x140: {  	_ = 	snop  }
0x141: {  	[tilespmem:s23], [sflag:$0x1] =	stream.indirect.gather [hbm4b:s3+s18], $0x40, s14, s18, $0xb8;
	[tilespmem:$0x10800] =	vst v63  }
0x142: {  	_ = 	snop  }
0x143: {  	[tilespmem:s24], [sflag:$0x1] =	stream.indirect.gather [hbm4b:s3+s18], $0x40, s15, s18, $0xb8;
	[tilespmem:$0x10800] =	vst v63  }
0x144: {  	_ = 	snop  }
0x145: {  	[tilespmem:s25], [sflag:$0x1] =	stream.indirect.gather [hbm4b:s3+s18], $0x40, s16, s18, $0xb8;
	[tilespmem:$0x10800] =	vst v63  }
0x146: {  	_ = 	snop  }
0x147: {  	[tilespmem:s26], [sflag:$0x1] =	stream.indirect.gather [hbm4b:s3+s18], $0x40, s17, s18, $0xb8;
	[tilespmem:$0x10800] =	vst v63  }
0x148: {  	_ =	swait.ge [sflag:s28], $0x2000  }
0x149: {  	[sflag:s28] =	ssyncset.done $0x0  }
0x14a: {  	[sflag:s28] =	ssyncadd.s32 $0xFFFFE000  }
0x14b: {  	_ =	swait.ge [sflag:s28], $0x2000  }
0x14c: {  	[sflag:s28] =	ssyncset.done $0x0  }
0x14d: {  	[sflag:s28] =	ssyncadd.s32 $0xFFFFE000  }
0x14e: {  	_ =	swait.ge [sflag:s28], $0x2000  }
0x14f: {  	[sflag:s28] =	ssyncset.done $0x0  }
0x150: {  	[sflag:s28] =	ssyncadd.s32 $0xFFFFE000  }
0x151: {  	_ =	swait.ge [sflag:s28], $0x2000  }
0x152: {  	[sflag:s28] =	ssyncset.done $0x0  }
0x153: {  	[sflag:s28] =	ssyncadd.s32 $0xFFFFE000  }
0x154: {  	_ =	swait.ge [sflag:s28], $0x2000  }
0x155: {  	[sflag:s28] =	ssyncset.done $0x0  }
0x156: {  	[sflag:s28] =	ssyncadd.s32 $0xFFFFE000  }
0x157: {  	_ =	swait.ge [sflag:s28], $0x2000  }
0x158: {  	[sflag:s28] =	ssyncset.done $0x0  }
0x159: {  	[sflag:s28] =	ssyncadd.s32 $0xFFFFE000  }
0x15a: {  	_ =	swait.ge [sflag:s28], $0x2000  }
0x15b: {  	[sflag:s28] =	ssyncset.done $0x0  }
0x15c: {  	[sflag:s28] =	ssyncadd.s32 $0xFFFFE000  }
0x15d: {  	_ =	swait.ge [sflag:s28], $0x2000  }
0x15e: {  	p0 =	sne.s32 s7, $0x1;
	[sflag:s28] =	ssyncset.done $0x0  }
.Ltmp0:
0x15f: {  	[sflag:s28] =	ssyncadd.s32 $0xFFFFE000;
	(pc) =	sbr.rel @p0 .LBB2_1-.Ltmp0, $4  }
0x160: {  	[hbm4b:s6+s2] =	stream.linear.scatter [tilespmem:s19], [sflag:$0x2], $0x10000, $0x38;
	[tilespmem:$0x10800] =	vst v63  }
0x161: {  	_ =	swait.ge [sflag:s8], $0x10000  }
0x162: {  	[sflag:s8] =	ssyncset.done $0x0  }
0x163: {  	s7 =	sadd.s32 $0xFFFFFFFF, s7;
	[sflag:s8] =	ssyncadd.s32 $0xFFFF0000  }
0x164: {  	_ =	sfence.sel $0x180000  }
0x165: {  	[bflag:$0x0] =	sbarrier.arrive $0xFFFF  }
0x166: {  	p0 =	sne.s32 s1, $0x0;
	_ =	strace $0x90000047  }
0x167: {  	s0 =	sadd.s32 @!p0 $0x100000, s0;
	[bflag:$0x2] =	sbarrier.arrive $0xFFFF  }
0x168: {  	[sflag:s0] =	ssyncadd.tile.s32 @!p0 $0x1;
	_ =	shalt  }
.Lfunc_end2:
_tile_overlayer_lowered:
.L_overlay_start_2:
0x169: {  	(tag) =	ssettag $0x2  }
0x16a: {  	s0 =	rddreg [dreg:$0x0];
	s2 =	stileid.u32  }
0x16b: {  	s1 =	rddreg [dreg:$0x1];
	p0 =	sne.s32 s2, $0x0  }
0x16c: {  	s3 =	rddreg [dreg:$0x2];
	[bflag:$0x3] =	sbarrier.arrive $0xFFFF;
	s2 =	simm.s32 @!p0 $0x1C02  }
0x16d: {  	[timem:s3], [sflag:s2] =	dma.local @!p0 [hbm:s0], s1  }
0x16e: {  	s0 =	simm.s32 @!p0 $0x2  }
0x16f: {  	_ =	swait.ge @!p0 [sflag:s0], s1  }
0x170: {  	s1 =	ssub.s32 @!p0 $0x0, s1;
	[sflag:s0] =	ssyncset.done @!p0 $0x0  }
0x171: {  	[sflag:s0] =	ssyncadd.s32 @!p0 s1  }
0x172: {  	[bflag:$0x3] =	sbarrier.arrive $0xFFFF  }
0x173: {  	_ =	shalt  }

</sc_bundles>
